<compile_context>
chip_gen: v7x
topology: tpu7x:2x2x1
jax: 0.10.2.dev20260603
libtpu: 0.0.44.dev20260713+nightly
codegen_flags: <defaults>
</compile_context>

<pallas_src>
import functools

import jax
import jax.numpy as jnp
from jax import lax
from jax.experimental import pallas as pl
from jax.experimental.pallas import tpu as pltpu
from jax.experimental.pallas import tpu_sc as plsc

N = 10000
E = 320000
D = 128

NC = 2
NS = 16
NW = NC * NS
GP = 128
RPT = 80
EP = NW * RPT * GP
RT = EP // GP
GPC = RT // NS
PADROWS = 240
NPAD = N + PADROWS
ROWS_PER_TILE = NPAD // NS
CH = 40
HB = NPAD * 8


def _deg_body(srcp, dstp, out, cidx, tmp, hist, sem):
    c = lax.axis_index("c")
    s = lax.axis_index("s")
    g = c * NS + s
    lane = lax.iota(jnp.int32, 16)
    lo = lane < 8
    sub = lane & 7

    def phase(arr, ph):
        pltpu.sync_copy(arr.at[pl.ds(g * RPT, RPT)], cidx)

        zv = jnp.zeros((16,), jnp.float32)

        def zstep(z, carry):
            for u in range(8):
                hist[pl.ds(z * 128 + u * 16, 16)] = zv
            return carry

        lax.fori_loop(0, HB // 128, zstep, 0)

        def step(r, carry):
            for u in range(8):
                v = cidx[r, pl.ds(u * 16, 16)]
                tmp[pl.ds(0, 16)] = v
                tmp[pl.ds(16, 16)] = v
                rot = tmp[pl.ds(8, 16)]
                eq = v == rot
                val = jnp.where(lo & eq, 2.0, 1.0).astype(jnp.float32)
                msk = lo | jnp.logical_not(eq)
                plsc.addupdate_scatter(hist, [v * 8 + sub], val, mask=msk)
            return carry

        lax.fori_loop(0, RPT, step, 0)
        pltpu.sync_copy(hist, out.at[g, ph])

    phase(srcp, 0)
    phase(dstp, 1)


_deg_kernel = functools.partial(
    pl.kernel,
    compiler_params=pltpu.CompilerParams(needs_layout_passes=False),
    out_type=jax.ShapeDtypeStruct((NW, 2, HB), jnp.float32),
    mesh=plsc.VectorSubcoreMesh(core_axis_name="c", subcore_axis_name="s"),
    scratch_types=[
        pltpu.VMEM((RPT, GP), jnp.int32),
        pltpu.VMEM((32,), jnp.int32),
        pltpu.VMEM((HB,), jnp.float32),
        pltpu.SemaphoreType.DMA,
    ],
)(_deg_body)


def _agg_body(hpad, srcp, dstp, zeros_nd, out, sidx, didx, rows_a, rows_b,
              acc, ga, gb, sa, sb):
    c = lax.axis_index("c")
    s = lax.axis_index("s")
    g = c * NS + s

    pltpu.sync_copy(srcp.at[pl.ds(g * RPT, CH)], sidx)
    pltpu.sync_copy(dstp.at[pl.ds(g * RPT, CH)], didx)
    pltpu.async_copy(hpad.at[sidx.at[0]], rows_a, ga)
    pltpu.async_copy(hpad.at[sidx.at[1]], rows_b, gb)

    row0 = s * ROWS_PER_TILE
    pltpu.sync_copy(zeros_nd.at[pl.ds(row0, ROWS_PER_TILE)],
                    acc.at[pl.ds(row0, ROWS_PER_TILE)])
    plsc.subcore_barrier()

    for chunk in range(RPT // CH):
        if chunk:
            base = g * RPT + chunk * CH
            pltpu.sync_copy(srcp.at[pl.ds(base, CH)], sidx)
            pltpu.sync_copy(dstp.at[pl.ds(base, CH)], didx)
            pltpu.async_copy(hpad.at[sidx.at[0]], rows_a, ga)
            pltpu.async_copy(hpad.at[sidx.at[1]], rows_b, gb)

        def step(jj, carry):
            j = 2 * jj
            pltpu.make_async_copy(hpad.at[sidx.at[j]], rows_a, ga).wait()
            pltpu.async_copy(rows_a, acc.at[didx.at[j]], sa, add=True)
            pltpu.make_async_copy(hpad.at[sidx.at[j + 1]], rows_b, gb).wait()
            pltpu.async_copy(rows_b, acc.at[didx.at[j + 1]], sb, add=True)

            @pl.when(jj < CH // 2 - 1)
            def _():
                pltpu.make_async_copy(rows_a, acc.at[didx.at[0]], sa).wait()
                pltpu.async_copy(hpad.at[sidx.at[j + 2]], rows_a, ga)
                pltpu.make_async_copy(rows_b, acc.at[didx.at[0]], sb).wait()
                pltpu.async_copy(hpad.at[sidx.at[j + 3]], rows_b, gb)

            return carry

        lax.fori_loop(0, CH // 2, step, 0)
        pltpu.make_async_copy(rows_a, acc.at[didx.at[0]], sa).wait()
        pltpu.make_async_copy(rows_b, acc.at[didx.at[0]], sb).wait()

    plsc.subcore_barrier()
    pltpu.sync_copy(acc.at[pl.ds(row0, ROWS_PER_TILE)],
                    out.at[c, pl.ds(row0, ROWS_PER_TILE)])


_agg_kernel = functools.partial(
    pl.kernel,
    out_type=jax.ShapeDtypeStruct((NC, NPAD, D), jnp.float32),
    mesh=plsc.VectorSubcoreMesh(core_axis_name="c", subcore_axis_name="s"),
    scratch_types=[
        pltpu.VMEM((CH, GP), jnp.int32),
        pltpu.VMEM((CH, GP), jnp.int32),
        pltpu.VMEM((GP, D), jnp.float32),
        pltpu.VMEM((GP, D), jnp.float32),
        pltpu.VMEM_SHARED((NPAD, D), jnp.float32),
        pltpu.SemaphoreType.DMA,
        pltpu.SemaphoreType.DMA,
        pltpu.SemaphoreType.DMA,
        pltpu.SemaphoreType.DMA,
    ],
)(_agg_body)


R = 1000


R2 = 2048


def _prep_body(feats, dego, degi, h0s, nsrc, ndst):
    do = jnp.sum(dego[...], axis=(0, 1)).reshape(R2 // 16, 16, 8)
    do = jnp.sum(do, axis=-1).reshape(R2, 1)
    di = jnp.sum(degi[...], axis=(0, 1)).reshape(R2 // 16, 16, 8)
    di = jnp.sum(di, axis=-1).reshape(R2, 1)
    ns = jax.lax.rsqrt(jnp.where(do > 0, do, 1.0))
    nd = jax.lax.rsqrt(jnp.where(di > 0, di, 1.0))
    nsrc[...] = ns
    ndst[...] = nd
    h0s[...] = feats[...] * ns


def _prep_call(feats, deg):
    return pl.pallas_call(
        _prep_body,
        grid=(NPAD // R2,),
        in_specs=[
            pl.BlockSpec((R2, D), lambda i: (i, 0)),
            pl.BlockSpec((NW, 1, R2 // 16, 128), lambda i: (0, 0, i, 0)),
            pl.BlockSpec((NW, 1, R2 // 16, 128), lambda i: (0, 1, i, 0)),
        ],
        out_specs=[
            pl.BlockSpec((R2, D), lambda i: (i, 0)),
            pl.BlockSpec((R2, 1), lambda i: (i, 0)),
            pl.BlockSpec((R2, 1), lambda i: (i, 0)),
        ],
        out_shape=[
            jax.ShapeDtypeStruct((NPAD, D), jnp.float32),
            jax.ShapeDtypeStruct((NPAD, 1), jnp.float32),
            jax.ShapeDtypeStruct((NPAD, 1), jnp.float32),
        ],
    )(feats, deg, deg)


def _layer1_body(part, ndst, nsrc, w, b, h_out, hs_out):
    agg = (part[0] + part[1]) * ndst[...]
    y = jnp.dot(agg, w[...], preferred_element_type=jnp.float32) + b[...]
    y = jnp.maximum(y, 0.0)
    h_out[...] = y
    hs_out[...] = y * nsrc[...]


def _layer2_body(part, ndst, nsrc, w, b, h_out):
    agg = (part[0] + part[1]) * ndst[...]
    h_out[...] = jnp.dot(agg, w[...], preferred_element_type=jnp.float32) + b[...]


def _layer_call(part, ndst, nsrc, w, b, first):
    if first:
        body = _layer1_body
        out_specs = [pl.BlockSpec((R, D), lambda i: (i, 0)),
                     pl.BlockSpec((R, D), lambda i: (i, 0))]
        out_shape = [jax.ShapeDtypeStruct((N, D), jnp.float32),
                     jax.ShapeDtypeStruct((NPAD, D), jnp.float32)]
    else:
        body = _layer2_body
        out_specs = pl.BlockSpec((R, D), lambda i: (i, 0))
        out_shape = jax.ShapeDtypeStruct((N, D), jnp.float32)
    return pl.pallas_call(
        body,
        grid=(N // R,),
        in_specs=[
            pl.BlockSpec((NC, R, D), lambda i: (0, i, 0)),
            pl.BlockSpec((R, 1), lambda i: (i, 0)),
            pl.BlockSpec((R, 1), lambda i: (i, 0)),
            pl.BlockSpec((D, D), lambda i: (0, 0)),
            pl.BlockSpec((1, D), lambda i: (0, 0)),
        ],
        out_specs=out_specs,
        out_shape=out_shape,
    )(part, ndst, nsrc, w, b)


def kernel(feats, edge_index, W1, b1, W2, b2):
    src = edge_index[0]
    dst = edge_index[1]
    pad = N + (jnp.arange(EP - E, dtype=jnp.int32) % PADROWS)
    srcp = jnp.concatenate([src, pad]).reshape(RT, GP)
    dstp = jnp.concatenate([dst, pad]).reshape(RT, GP)

    zeros_nd = jnp.zeros((NPAD, D), jnp.float32)

    deg = _deg_kernel(srcp, dstp).reshape(NW, 2, NPAD // 16, 128)

    h0s, nsrc, ndst = _prep_call(jnp.pad(feats, ((0, PADROWS), (0, 0))), deg)

    part1 = _agg_kernel(h0s, srcp, dstp, zeros_nd)
    h1, h1s = _layer_call(part1, ndst, nsrc, W1, b1.reshape(1, D), True)

    part2 = _agg_kernel(h1s, srcp, dstp, zeros_nd)
    h2 = _layer_call(part2, ndst, nsrc, W2, b2.reshape(1, D), False)

    return (h1, h2)

# --- scband reference (transcript-rebuilt; emitter-appended) ---
"""Pipeline reference for scband-gcn-14491219657409 (READ-ONLY COPY).

The authoritative reference and input builder live on the scoring server;
editing this copy changes nothing except your own understanding.
"""

import jax, jax.numpy as jnp
import numpy as np

N = 10000
E = 320000
D = 128


def setup_inputs(seed: int = 0) -> dict:
    key = jax.random.key(seed)
    k1, k2, k3, k4, k5, k6 = jax.random.split(key, 6)
    feats = jax.random.normal(k1, (N, D), dtype=jnp.float32)
    edge_index = jax.random.randint(k2, (2, E), 0, N, dtype=jnp.int32)
    scale = 1.0 / np.sqrt(D)
    W1 = jax.random.normal(k3, (D, D), dtype=jnp.float32) * scale
    b1 = jnp.zeros((D,), dtype=jnp.float32)
    W2 = jax.random.normal(k4, (D, D), dtype=jnp.float32) * scale
    b2 = jnp.zeros((D,), dtype=jnp.float32)
    return {"feats": feats, "edge_index": edge_index, "W1": W1, "b1": b1, "W2": W2, "b2": b2}


def reference(feats, edge_index, W1, b1, W2, b2):
    # GCN with two DGL-style GraphConv layers (norm='both'), norm_type='none',
    # dropout_ratio=0.0 (identity), activation=relu on first layer only.
    src = edge_index[0]
    dst = edge_index[1]
    ones = jnp.ones((E,), dtype=feats.dtype)
    deg_out = jax.ops.segment_sum(ones, src, num_segments=N)
    deg_in = jax.ops.segment_sum(ones, dst, num_segments=N)
    norm_src = jnp.where(deg_out > 0, deg_out, 1.0) ** -0.5
    norm_dst = jnp.where(deg_in > 0, deg_in, 1.0) ** -0.5

    def gconv(h, W, b):
        h = h * norm_src[:, None]
        msg = jnp.take(h, src, axis=0)
        agg = jax.ops.segment_sum(msg, dst, num_segments=N)
        agg = agg * norm_dst[:, None]
        return agg @ W + b

    h1 = jax.nn.relu(gconv(feats, W1, b1))  # layer 0 with activation
    h2 = gconv(h1, W2, b2)                   # final layer, no activation
    # forward returns (h_list, h); h_list contains hidden layer outputs
    return (h1, h2)

if __name__ == "__main__":
    import jax
    _d = setup_inputs()
    print(jax.jit(kernel)(*tuple(_d.values())))

</pallas_src>

<mosaic_0001>
#map = affine_map<(d0, d1) -> (0, 0)>
#map1 = affine_map<(d0, d1) -> (0, 0, 0)>
module attributes {stable_mosaic.version = 14 : i64} {
  func.func @_deg_body(%arg0: i32, %arg1: i32, %arg2: memref<2560x128xi32, #tpu.memory_space<hbm>>, %arg3: memref<2560x128xi32, #tpu.memory_space<hbm>>, %arg4: memref<32x2x81920xf32, #tpu.memory_space<hbm>>, %arg5: memref<80x128xi32, #tpu.memory_space<vmem>>, %arg6: memref<32xi32, #tpu.memory_space<vmem>>, %arg7: memref<81920xf32, #tpu.memory_space<vmem>>, %arg8: memref<!tpu.dma_semaphore, #tpu.memory_space<semaphore_mem>>) attributes {dimension_semantics = [#tpu.dimension_semantics<core_parallel>, #tpu.dimension_semantics<subcore_parallel>], iteration_bounds = array<i64: 2, 16>, scalar_prefetch = 0 : i64, scratch_operands = 4 : i64, tpu.core_type = #tpu.core_type<sc_vector_subcore>, window_params = [{transform_indices = #map}, {transform_indices = #map}, {transform_indices = #map1}]} {
    %mul3A = arith.constant 16 : i32
    %mul3A_0 = arith.muli %arg0, %mul3A : i32
    %add3A = arith.addi %mul3A_0, %arg1 : i32
    %iota3A = tpu.iota {dimensions = array<i32: 0>} : vector<16xi32>
    %lt3A = arith.constant 8 : i32
    %lt3A_1 = vector.broadcast %lt3A : i32 to vector<16xi32>
    %lt3A_2 = arith.cmpi slt, %iota3A, %lt3A_1 : vector<16xi32>
    %and3A = arith.constant 7 : i32
    %and3A_3 = vector.broadcast %and3A : i32 to vector<16xi32>
    %and3A_4 = arith.andi %iota3A, %and3A_3 : vector<16xi32>
    %mul3A_5 = arith.constant 80 : i32
    %mul3A_6 = arith.muli %add3A, %mul3A_5 : i32
    "tpu.region"() ({
      %run_scoped3A_36 = tpu.sem_alloc : memref<!tpu.dma_semaphore, #tpu.memory_space<semaphore_mem>>
      %dma_start3A = arith.constant 0 : i32
      %dma_start3A_37 = tpu.memref_slice %arg2[%mul3A_6, %dma_start3A] : memref<2560x128xi32, #tpu.memory_space<hbm>> -> memref<80x128xi32, #tpu.memory_space<hbm>>
      %dma_start3A_38 = arith.constant 0 : i32
      %dma_start3A_39 = tpu.memref_slice %arg2[%mul3A_6, %dma_start3A_38] : memref<2560x128xi32, #tpu.memory_space<hbm>> -> memref<80x128xi32, #tpu.memory_space<hbm>>
      tpu.enqueue_dma source(%dma_start3A_39 : memref<80x128xi32, #tpu.memory_space<hbm>>) target(%arg5 : memref<80x128xi32, #tpu.memory_space<vmem>>) target_semaphore(%run_scoped3A_36 : memref<!tpu.dma_semaphore, #tpu.memory_space<semaphore_mem>>)
      %dma_wait3A = arith.constant 0 : i32
      %dma_wait3A_40 = tpu.memref_slice %arg2[%mul3A_6, %dma_wait3A] : memref<2560x128xi32, #tpu.memory_space<hbm>> -> memref<80x128xi32, #tpu.memory_space<hbm>>
      %dma_wait3A_41 = arith.constant 0 : i32
      %dma_wait3A_42 = tpu.memref_slice %arg2[%mul3A_6, %dma_wait3A_41] : memref<2560x128xi32, #tpu.memory_space<hbm>> -> memref<80x128xi32, #tpu.memory_space<hbm>>
      tpu.wait_dma2 semaphore(%run_scoped3A_36 : memref<!tpu.dma_semaphore, #tpu.memory_space<semaphore_mem>>) src(%dma_wait3A_42 : memref<80x128xi32, #tpu.memory_space<hbm>>) dst(%arg5 : memref<80x128xi32, #tpu.memory_space<vmem>>)
      tpu.yield
    }) : () -> ()
    %broadcast_in_dim3A = arith.constant 0.000000e+00 : f32
    %broadcast_in_dim3A_7 = vector.broadcast %broadcast_in_dim3A : f32 to vector<16xf32>
    %scan3A = arith.constant 0 : i32
    %scan3A_8 = arith.constant 0 : i32
    %scan3A_9 = arith.constant 640 : i32
    %scan3A_10 = arith.addi %scan3A_8, %scan3A_9 : i32
    %scan3A_11 = arith.constant 1 : i32
    scf.for %scan3A_36 = %scan3A_8 to %scan3A_10 step %scan3A_11  : i32 {
      %mul3A_37 = arith.constant 128 : i32
      %mul3A_38 = arith.muli %scan3A_36, %mul3A_37 : i32
      %add3A_39 = arith.constant 0 : i32
      %add3A_40 = arith.addi %mul3A_38, %add3A_39 : i32
      %swap3A = arith.index_cast %add3A_40 : i32 to index
      %swap3A_41 = tpu.vector_load %arg7[%swap3A] {strides = array<i32>} : memref<81920xf32, #tpu.memory_space<vmem>>, vector<16xf32>,
      tpu.vector_store %arg7[%swap3A], %broadcast_in_dim3A_7 {strides = array<i32>} : memref<81920xf32, #tpu.memory_space<vmem>>, vector<16xf32>,
      %mul3A_42 = arith.constant 128 : i32
      %mul3A_43 = arith.muli %scan3A_36, %mul3A_42 : i32
      %add3A_44 = arith.constant 16 : i32
      %add3A_45 = arith.addi %mul3A_43, %add3A_44 : i32
      %swap3A_46 = arith.index_cast %add3A_45 : i32 to index
      %swap3A_47 = tpu.vector_load %arg7[%swap3A_46] {strides = array<i32>} : memref<81920xf32, #tpu.memory_space<vmem>>, vector<16xf32>,
      tpu.vector_store %arg7[%swap3A_46], %broadcast_in_dim3A_7 {strides = array<i32>} : memref<81920xf32, #tpu.memory_space<vmem>>, vector<16xf32>,
      %mul3A_48 = arith.constant 128 : i32
      %mul3A_49 = arith.muli %scan3A_36, %mul3A_48 : i32
      %add3A_50 = arith.constant 32 : i32
      %add3A_51 = arith.addi %mul3A_49, %add3A_50 : i32
      %swap3A_52 = arith.index_cast %add3A_51 : i32 to index
      %swap3A_53 = tpu.vector_load %arg7[%swap3A_52] {strides = array<i32>} : memref<81920xf32, #tpu.memory_space<vmem>>, vector<16xf32>,
      tpu.vector_store %arg7[%swap3A_52], %broadcast_in_dim3A_7 {strides = array<i32>} : memref<81920xf32, #tpu.memory_space<vmem>>, vector<16xf32>,
      %mul3A_54 = arith.constant 128 : i32
      %mul3A_55 = arith.muli %scan3A_36, %mul3A_54 : i32
      %add3A_56 = arith.constant 48 : i32
      %add3A_57 = arith.addi %mul3A_55, %add3A_56 : i32
      %swap3A_58 = arith.index_cast %add3A_57 : i32 to index
      %swap3A_59 = tpu.vector_load %arg7[%swap3A_58] {strides = array<i32>} : memref<81920xf32, #tpu.memory_space<vmem>>, vector<16xf32>,
      tpu.vector_store %arg7[%swap3A_58], %broadcast_in_dim3A_7 {strides = array<i32>} : memref<81920xf32, #tpu.memory_space<vmem>>, vector<16xf32>,
      %mul3A_60 = arith.constant 128 : i32
      %mul3A_61 = arith.muli %scan3A_36, %mul3A_60 : i32
      %add3A_62 = arith.constant 64 : i32
      %add3A_63 = arith.addi %mul3A_61, %add3A_62 : i32
      %swap3A_64 = arith.index_cast %add3A_63 : i32 to index
      %swap3A_65 = tpu.vector_load %arg7[%swap3A_64] {strides = array<i32>} : memref<81920xf32, #tpu.memory_space<vmem>>, vector<16xf32>,
      tpu.vector_store %arg7[%swap3A_64], %broadcast_in_dim3A_7 {strides = array<i32>} : memref<81920xf32, #tpu.memory_space<vmem>>, vector<16xf32>,
      %mul3A_66 = arith.constant 128 : i32
      %mul3A_67 = arith.muli %scan3A_36, %mul3A_66 : i32
      %add3A_68 = arith.constant 80 : i32
      %add3A_69 = arith.addi %mul3A_67, %add3A_68 : i32
      %swap3A_70 = arith.index_cast %add3A_69 : i32 to index
      %swap3A_71 = tpu.vector_load %arg7[%swap3A_70] {strides = array<i32>} : memref<81920xf32, #tpu.memory_space<vmem>>, vector<16xf32>,
      tpu.vector_store %arg7[%swap3A_70], %broadcast_in_dim3A_7 {strides = array<i32>} : memref<81920xf32, #tpu.memory_space<vmem>>, vector<16xf32>,
      %mul3A_72 = arith.constant 128 : i32
      %mul3A_73 = arith.muli %scan3A_36, %mul3A_72 : i32
      %add3A_74 = arith.constant 96 : i32
      %add3A_75 = arith.addi %mul3A_73, %add3A_74 : i32
      %swap3A_76 = arith.index_cast %add3A_75 : i32 to index
      %swap3A_77 = tpu.vector_load %arg7[%swap3A_76] {strides = array<i32>} : memref<81920xf32, #tpu.memory_space<vmem>>, vector<16xf32>,
      tpu.vector_store %arg7[%swap3A_76], %broadcast_in_dim3A_7 {strides = array<i32>} : memref<81920xf32, #tpu.memory_space<vmem>>, vector<16xf32>,
      %mul3A_78 = arith.constant 128 : i32
      %mul3A_79 = arith.muli %scan3A_36, %mul3A_78 : i32
      %add3A_80 = arith.constant 112 : i32
      %add3A_81 = arith.addi %mul3A_79, %add3A_80 : i32
      %swap3A_82 = arith.index_cast %add3A_81 : i32 to index
      %swap3A_83 = tpu.vector_load %arg7[%swap3A_82] {strides = array<i32>} : memref<81920xf32, #tpu.memory_space<vmem>>, vector<16xf32>,
      tpu.vector_store %arg7[%swap3A_82], %broadcast_in_dim3A_7 {strides = array<i32>} : memref<81920xf32, #tpu.memory_space<vmem>>, vector<16xf32>,
    }
    %scan3A_12 = arith.constant 640 : i32
    %scan3A_13 = arith.constant 0 : i32
    %scan3A_14 = arith.constant 0 : i32
    %scan3A_15 = arith.constant 80 : i32
    %scan3A_16 = arith.addi %scan3A_14, %scan3A_15 : i32
    %scan3A_17 = arith.constant 1 : i32
    scf.for %scan3A_36 = %scan3A_14 to %scan3A_16 step %scan3A_17  : i32 {
      %get3A = arith.index_cast %scan3A_36 : i32 to index
      %get3A_37 = arith.constant 0 : index
      %get3A_38 = tpu.vector_load %arg5[%get3A, %get3A_37] {strides = array<i32>} : memref<80x128xi32, #tpu.memory_space<vmem>>, vector<16xi32>,
      %swap3A = arith.constant 0 : index
      %swap3A_39 = tpu.vector_load %arg6[%swap3A] {strides = array<i32>} : memref<32xi32, #tpu.memory_space<vmem>>, vector<16xi32>,
      tpu.vector_store %arg6[%swap3A], %get3A_38 {strides = array<i32>} : memref<32xi32, #tpu.memory_space<vmem>>, vector<16xi32>,
      %swap3A_40 = arith.constant 16 : index
      %swap3A_41 = tpu.vector_load %arg6[%swap3A_40] {strides = array<i32>} : memref<32xi32, #tpu.memory_space<vmem>>, vector<16xi32>,
      tpu.vector_store %arg6[%swap3A_40], %get3A_38 {strides = array<i32>} : memref<32xi32, #tpu.memory_space<vmem>>, vector<16xi32>,
      %get3A_42 = arith.constant 8 : index
      %get3A_43 = tpu.vector_load %arg6[%get3A_42] {strides = array<i32>} : memref<32xi32, #tpu.memory_space<vmem>>, vector<16xi32>,
      %eq3A = arith.cmpi eq, %get3A_38, %get3A_43 : vector<16xi32>
      %and3A_44 = arith.andi %lt3A_2, %eq3A : vector<16xi1>
      %jit3A = arith.constant 2.000000e+00 : f32
      %jit3A_45 = arith.constant 1.000000e+00 : f32
      %broadcast_in_dim3A_46 = vector.broadcast %jit3A : f32 to vector<16xf32>
      %broadcast_in_dim3A_47 = vector.broadcast %jit3A_45 : f32 to vector<16xf32>
      %select_n3A = arith.select %and3A_44, %broadcast_in_dim3A_46, %broadcast_in_dim3A_47 : vector<16xi1>, vector<16xf32>
      %not3A = arith.constant dense<true> : vector<16xi1>
      %not3A_48 = arith.xori %eq3A, %not3A : vector<16xi1>
      %or3A = arith.ori %lt3A_2, %not3A_48 : vector<16xi1>
      %mul3A_49 = arith.constant 8 : i32
      %mul3A_50 = vector.broadcast %mul3A_49 : i32 to vector<16xi32>
      %mul3A_51 = arith.muli %get3A_38, %mul3A_50 : vector<16xi32>
      %add3A_52 = arith.addi %mul3A_51, %and3A_4 : vector<16xi32>
      tpu.vector_store_idx %arg7[%add3A_52], %select_n3A masked %or3A {add = true} : memref<81920xf32, #tpu.memory_space<vmem>>[vector<16xi32>], vector<16xf32>, vector<16xi1>
      %get3A_53 = arith.index_cast %scan3A_36 : i32 to index
      %get3A_54 = arith.constant 16 : index
      %get3A_55 = tpu.vector_load %arg5[%get3A_53, %get3A_54] {strides = array<i32>} : memref<80x128xi32, #tpu.memory_space<vmem>>, vector<16xi32>,
      %swap3A_56 = arith.constant 0 : index
      %swap3A_57 = tpu.vector_load %arg6[%swap3A_56] {strides = array<i32>} : memref<32xi32, #tpu.memory_space<vmem>>, vector<16xi32>,
      tpu.vector_store %arg6[%swap3A_56], %get3A_55 {strides = array<i32>} : memref<32xi32, #tpu.memory_space<vmem>>, vector<16xi32>,
      %swap3A_58 = arith.constant 16 : index
      %swap3A_59 = tpu.vector_load %arg6[%swap3A_58] {strides = array<i32>} : memref<32xi32, #tpu.memory_space<vmem>>, vector<16xi32>,
      tpu.vector_store %arg6[%swap3A_58], %get3A_55 {strides = array<i32>} : memref<32xi32, #tpu.memory_space<vmem>>, vector<16xi32>,
      %get3A_60 = arith.constant 8 : index
      %get3A_61 = tpu.vector_load %arg6[%get3A_60] {strides = array<i32>} : memref<32xi32, #tpu.memory_space<vmem>>, vector<16xi32>,
      %eq3A_62 = arith.cmpi eq, %get3A_55, %get3A_61 : vector<16xi32>
      %and3A_63 = arith.andi %lt3A_2, %eq3A_62 : vector<16xi1>
      %jit3A_64 = arith.constant 2.000000e+00 : f32
      %jit3A_65 = arith.constant 1.000000e+00 : f32
      %broadcast_in_dim3A_66 = vector.broadcast %jit3A_64 : f32 to vector<16xf32>
      %broadcast_in_dim3A_67 = vector.broadcast %jit3A_65 : f32 to vector<16xf32>
      %select_n3A_68 = arith.select %and3A_63, %broadcast_in_dim3A_66, %broadcast_in_dim3A_67 : vector<16xi1>, vector<16xf32>
      %not3A_69 = arith.constant dense<true> : vector<16xi1>
      %not3A_70 = arith.xori %eq3A_62, %not3A_69 : vector<16xi1>
      %or3A_71 = arith.ori %lt3A_2, %not3A_70 : vector<16xi1>
      %mul3A_72 = arith.constant 8 : i32
      %mul3A_73 = vector.broadcast %mul3A_72 : i32 to vector<16xi32>
      %mul3A_74 = arith.muli %get3A_55, %mul3A_73 : vector<16xi32>
      %add3A_75 = arith.addi %mul3A_74, %and3A_4 : vector<16xi32>
      tpu.vector_store_idx %arg7[%add3A_75], %select_n3A_68 masked %or3A_71 {add = true} : memref<81920xf32, #tpu.memory_space<vmem>>[vector<16xi32>], vector<16xf32>, vector<16xi1>
      %get3A_76 = arith.index_cast %scan3A_36 : i32 to index
      %get3A_77 = arith.constant 32 : index
      %get3A_78 = tpu.vector_load %arg5[%get3A_76, %get3A_77] {strides = array<i32>} : memref<80x128xi32, #tpu.memory_space<vmem>>, vector<16xi32>,
      %swap3A_79 = arith.constant 0 : index
      %swap3A_80 = tpu.vector_load %arg6[%swap3A_79] {strides = array<i32>} : memref<32xi32, #tpu.memory_space<vmem>>, vector<16xi32>,
      tpu.vector_store %arg6[%swap3A_79], %get3A_78 {strides = array<i32>} : memref<32xi32, #tpu.memory_space<vmem>>, vector<16xi32>,
      %swap3A_81 = arith.constant 16 : index
      %swap3A_82 = tpu.vector_load %arg6[%swap3A_81] {strides = array<i32>} : memref<32xi32, #tpu.memory_space<vmem>>, vector<16xi32>,
      tpu.vector_store %arg6[%swap3A_81], %get3A_78 {strides = array<i32>} : memref<32xi32, #tpu.memory_space<vmem>>, vector<16xi32>,
      %get3A_83 = arith.constant 8 : index
      %get3A_84 = tpu.vector_load %arg6[%get3A_83] {strides = array<i32>} : memref<32xi32, #tpu.memory_space<vmem>>, vector<16xi32>,
      %eq3A_85 = arith.cmpi eq, %get3A_78, %get3A_84 : vector<16xi32>
      %and3A_86 = arith.andi %lt3A_2, %eq3A_85 : vector<16xi1>
      %jit3A_87 = arith.constant 2.000000e+00 : f32
      %jit3A_88 = arith.constant 1.000000e+00 : f32
      %broadcast_in_dim3A_89 = vector.broadcast %jit3A_87 : f32 to vector<16xf32>
      %broadcast_in_dim3A_90 = vector.broadcast %jit3A_88 : f32 to vector<16xf32>
      %select_n3A_91 = arith.select %and3A_86, %broadcast_in_dim3A_89, %broadcast_in_dim3A_90 : vector<16xi1>, vector<16xf32>
      %not3A_92 = arith.constant dense<true> : vector<16xi1>
      %not3A_93 = arith.xori %eq3A_85, %not3A_92 : vector<16xi1>
      %or3A_94 = arith.ori %lt3A_2, %not3A_93 : vector<16xi1>
      %mul3A_95 = arith.constant 8 : i32
      %mul3A_96 = vector.broadcast %mul3A_95 : i32 to vector<16xi32>
      %mul3A_97 = arith.muli %get3A_78, %mul3A_96 : vector<16xi32>
      %add3A_98 = arith.addi %mul3A_97, %and3A_4 : vector<16xi32>
      tpu.vector_store_idx %arg7[%add3A_98], %select_n3A_91 masked %or3A_94 {add = true} : memref<81920xf32, #tpu.memory_space<vmem>>[vector<16xi32>], vector<16xf32>, vector<16xi1>
      %get3A_99 = arith.index_cast %scan3A_36 : i32 to index
      %get3A_100 = arith.constant 48 : index
      %get3A_101 = tpu.vector_load %arg5[%get3A_99, %get3A_100] {strides = array<i32>} : memref<80x128xi32, #tpu.memory_space<vmem>>, vector<16xi32>,
      %swap3A_102 = arith.constant 0 : index
      %swap3A_103 = tpu.vector_load %arg6[%swap3A_102] {strides = array<i32>} : memref<32xi32, #tpu.memory_space<vmem>>, vector<16xi32>,
      tpu.vector_store %arg6[%swap3A_102], %get3A_101 {strides = array<i32>} : memref<32xi32, #tpu.memory_space<vmem>>, vector<16xi32>,
      %swap3A_104 = arith.constant 16 : index
      %swap3A_105 = tpu.vector_load %arg6[%swap3A_104] {strides = array<i32>} : memref<32xi32, #tpu.memory_space<vmem>>, vector<16xi32>,
      tpu.vector_store %arg6[%swap3A_104], %get3A_101 {strides = array<i32>} : memref<32xi32, #tpu.memory_space<vmem>>, vector<16xi32>,
      %get3A_106 = arith.constant 8 : index
      %get3A_107 = tpu.vector_load %arg6[%get3A_106] {strides = array<i32>} : memref<32xi32, #tpu.memory_space<vmem>>, vector<16xi32>,
      %eq3A_108 = arith.cmpi eq, %get3A_101, %get3A_107 : vector<16xi32>
      %and3A_109 = arith.andi %lt3A_2, %eq3A_108 : vector<16xi1>
      %jit3A_110 = arith.constant 2.000000e+00 : f32
      %jit3A_111 = arith.constant 1.000000e+00 : f32
      %broadcast_in_dim3A_112 = vector.broadcast %jit3A_110 : f32 to vector<16xf32>
      %broadcast_in_dim3A_113 = vector.broadcast %jit3A_111 : f32 to vector<16xf32>
      %select_n3A_114 = arith.select %and3A_109, %broadcast_in_dim3A_112, %broadcast_in_dim3A_113 : vector<16xi1>, vector<16xf32>
      %not3A_115 = arith.constant dense<true> : vector<16xi1>
      %not3A_116 = arith.xori %eq3A_108, %not3A_115 : vector<16xi1>
      %or3A_117 = arith.ori %lt3A_2, %not3A_116 : vector<16xi1>
      %mul3A_118 = arith.constant 8 : i32
      %mul3A_119 = vector.broadcast %mul3A_118 : i32 to vector<16xi32>
      %mul3A_120 = arith.muli %get3A_101, %mul3A_119 : vector<16xi32>
      %add3A_121 = arith.addi %mul3A_120, %and3A_4 : vector<16xi32>
      tpu.vector_store_idx %arg7[%add3A_121], %select_n3A_114 masked %or3A_117 {add = true} : memref<81920xf32, #tpu.memory_space<vmem>>[vector<16xi32>], vector<16xf32>, vector<16xi1>
      %get3A_122 = arith.index_cast %scan3A_36 : i32 to index
      %get3A_123 = arith.constant 64 : index
      %get3A_124 = tpu.vector_load %arg5[%get3A_122, %get3A_123] {strides = array<i32>} : memref<80x128xi32, #tpu.memory_space<vmem>>, vector<16xi32>,
      %swap3A_125 = arith.constant 0 : index
      %swap3A_126 = tpu.vector_load %arg6[%swap3A_125] {strides = array<i32>} : memref<32xi32, #tpu.memory_space<vmem>>, vector<16xi32>,
      tpu.vector_store %arg6[%swap3A_125], %get3A_124 {strides = array<i32>} : memref<32xi32, #tpu.memory_space<vmem>>, vector<16xi32>,
      %swap3A_127 = arith.constant 16 : index
      %swap3A_128 = tpu.vector_load %arg6[%swap3A_127] {strides = array<i32>} : memref<32xi32, #tpu.memory_space<vmem>>, vector<16xi32>,
      tpu.vector_store %arg6[%swap3A_127], %get3A_124 {strides = array<i32>} : memref<32xi32, #tpu.memory_space<vmem>>, vector<16xi32>,
      %get3A_129 = arith.constant 8 : index
      %get3A_130 = tpu.vector_load %arg6[%get3A_129] {strides = array<i32>} : memref<32xi32, #tpu.memory_space<vmem>>, vector<16xi32>,
      %eq3A_131 = arith.cmpi eq, %get3A_124, %get3A_130 : vector<16xi32>
      %and3A_132 = arith.andi %lt3A_2, %eq3A_131 : vector<16xi1>
      %jit3A_133 = arith.constant 2.000000e+00 : f32
      %jit3A_134 = arith.constant 1.000000e+00 : f32
      %broadcast_in_dim3A_135 = vector.broadcast %jit3A_133 : f32 to vector<16xf32>
      %broadcast_in_dim3A_136 = vector.broadcast %jit3A_134 : f32 to vector<16xf32>
      %select_n3A_137 = arith.select %and3A_132, %broadcast_in_dim3A_135, %broadcast_in_dim3A_136 : vector<16xi1>, vector<16xf32>
      %not3A_138 = arith.constant dense<true> : vector<16xi1>
      %not3A_139 = arith.xori %eq3A_131, %not3A_138 : vector<16xi1>
      %or3A_140 = arith.ori %lt3A_2, %not3A_139 : vector<16xi1>
      %mul3A_141 = arith.constant 8 : i32
      %mul3A_142 = vector.broadcast %mul3A_141 : i32 to vector<16xi32>
      %mul3A_143 = arith.muli %get3A_124, %mul3A_142 : vector<16xi32>
      %add3A_144 = arith.addi %mul3A_143, %and3A_4 : vector<16xi32>
      tpu.vector_store_idx %arg7[%add3A_144], %select_n3A_137 masked %or3A_140 {add = true} : memref<81920xf32, #tpu.memory_space<vmem>>[vector<16xi32>], vector<16xf32>, vector<16xi1>
      %get3A_145 = arith.index_cast %scan3A_36 : i32 to index
      %get3A_146 = arith.constant 80 : index
      %get3A_147 = tpu.vector_load %arg5[%get3A_145, %get3A_146] {strides = array<i32>} : memref<80x128xi32, #tpu.memory_space<vmem>>, vector<16xi32>,
      %swap3A_148 = arith.constant 0 : index
      %swap3A_149 = tpu.vector_load %arg6[%swap3A_148] {strides = array<i32>} : memref<32xi32, #tpu.memory_space<vmem>>, vector<16xi32>,
      tpu.vector_store %arg6[%swap3A_148], %get3A_147 {strides = array<i32>} : memref<32xi32, #tpu.memory_space<vmem>>, vector<16xi32>,
      %swap3A_150 = arith.constant 16 : index
      %swap3A_151 = tpu.vector_load %arg6[%swap3A_150] {strides = array<i32>} : memref<32xi32, #tpu.memory_space<vmem>>, vector<16xi32>,
      tpu.vector_store %arg6[%swap3A_150], %get3A_147 {strides = array<i32>} : memref<32xi32, #tpu.memory_space<vmem>>, vector<16xi32>,
      %get3A_152 = arith.constant 8 : index
      %get3A_153 = tpu.vector_load %arg6[%get3A_152] {strides = array<i32>} : memref<32xi32, #tpu.memory_space<vmem>>, vector<16xi32>,
      %eq3A_154 = arith.cmpi eq, %get3A_147, %get3A_153 : vector<16xi32>
      %and3A_155 = arith.andi %lt3A_2, %eq3A_154 : vector<16xi1>
      %jit3A_156 = arith.constant 2.000000e+00 : f32
      %jit3A_157 = arith.constant 1.000000e+00 : f32
      %broadcast_in_dim3A_158 = vector.broadcast %jit3A_156 : f32 to vector<16xf32>
      %broadcast_in_dim3A_159 = vector.broadcast %jit3A_157 : f32 to vector<16xf32>
      %select_n3A_160 = arith.select %and3A_155, %broadcast_in_dim3A_158, %broadcast_in_dim3A_159 : vector<16xi1>, vector<16xf32>
      %not3A_161 = arith.constant dense<true> : vector<16xi1>
      %not3A_162 = arith.xori %eq3A_154, %not3A_161 : vector<16xi1>
      %or3A_163 = arith.ori %lt3A_2, %not3A_162 : vector<16xi1>
      %mul3A_164 = arith.constant 8 : i32
      %mul3A_165 = vector.broadcast %mul3A_164 : i32 to vector<16xi32>
      %mul3A_166 = arith.muli %get3A_147, %mul3A_165 : vector<16xi32>
      %add3A_167 = arith.addi %mul3A_166, %and3A_4 : vector<16xi32>
      tpu.vector_store_idx %arg7[%add3A_167], %select_n3A_160 masked %or3A_163 {add = true} : memref<81920xf32, #tpu.memory_space<vmem>>[vector<16xi32>], vector<16xf32>, vector<16xi1>
      %get3A_168 = arith.index_cast %scan3A_36 : i32 to index
      %get3A_169 = arith.constant 96 : index
      %get3A_170 = tpu.vector_load %arg5[%get3A_168, %get3A_169] {strides = array<i32>} : memref<80x128xi32, #tpu.memory_space<vmem>>, vector<16xi32>,
      %swap3A_171 = arith.constant 0 : index
      %swap3A_172 = tpu.vector_load %arg6[%swap3A_171] {strides = array<i32>} : memref<32xi32, #tpu.memory_space<vmem>>, vector<16xi32>,
      tpu.vector_store %arg6[%swap3A_171], %get3A_170 {strides = array<i32>} : memref<32xi32, #tpu.memory_space<vmem>>, vector<16xi32>,
      %swap3A_173 = arith.constant 16 : index
      %swap3A_174 = tpu.vector_load %arg6[%swap3A_173] {strides = array<i32>} : memref<32xi32, #tpu.memory_space<vmem>>, vector<16xi32>,
      tpu.vector_store %arg6[%swap3A_173], %get3A_170 {strides = array<i32>} : memref<32xi32, #tpu.memory_space<vmem>>, vector<16xi32>,
      %get3A_175 = arith.constant 8 : index
      %get3A_176 = tpu.vector_load %arg6[%get3A_175] {strides = array<i32>} : memref<32xi32, #tpu.memory_space<vmem>>, vector<16xi32>,
      %eq3A_177 = arith.cmpi eq, %get3A_170, %get3A_176 : vector<16xi32>
      %and3A_178 = arith.andi %lt3A_2, %eq3A_177 : vector<16xi1>
      %jit3A_179 = arith.constant 2.000000e+00 : f32
      %jit3A_180 = arith.constant 1.000000e+00 : f32
      %broadcast_in_dim3A_181 = vector.broadcast %jit3A_179 : f32 to vector<16xf32>
      %broadcast_in_dim3A_182 = vector.broadcast %jit3A_180 : f32 to vector<16xf32>
      %select_n3A_183 = arith.select %and3A_178, %broadcast_in_dim3A_181, %broadcast_in_dim3A_182 : vector<16xi1>, vector<16xf32>
      %not3A_184 = arith.constant dense<true> : vector<16xi1>
      %not3A_185 = arith.xori %eq3A_177, %not3A_184 : vector<16xi1>
      %or3A_186 = arith.ori %lt3A_2, %not3A_185 : vector<16xi1>
      %mul3A_187 = arith.constant 8 : i32
      %mul3A_188 = vector.broadcast %mul3A_187 : i32 to vector<16xi32>
      %mul3A_189 = arith.muli %get3A_170, %mul3A_188 : vector<16xi32>
      %add3A_190 = arith.addi %mul3A_189, %and3A_4 : vector<16xi32>
      tpu.vector_store_idx %arg7[%add3A_190], %select_n3A_183 masked %or3A_186 {add = true} : memref<81920xf32, #tpu.memory_space<vmem>>[vector<16xi32>], vector<16xf32>, vector<16xi1>
      %get3A_191 = arith.index_cast %scan3A_36 : i32 to index
      %get3A_192 = arith.constant 112 : index
      %get3A_193 = tpu.vector_load %arg5[%get3A_191, %get3A_192] {strides = array<i32>} : memref<80x128xi32, #tpu.memory_space<vmem>>, vector<16xi32>,
      %swap3A_194 = arith.constant 0 : index
      %swap3A_195 = tpu.vector_load %arg6[%swap3A_194] {strides = array<i32>} : memref<32xi32, #tpu.memory_space<vmem>>, vector<16xi32>,
      tpu.vector_store %arg6[%swap3A_194], %get3A_193 {strides = array<i32>} : memref<32xi32, #tpu.memory_space<vmem>>, vector<16xi32>,
      %swap3A_196 = arith.constant 16 : index
      %swap3A_197 = tpu.vector_load %arg6[%swap3A_196] {strides = array<i32>} : memref<32xi32, #tpu.memory_space<vmem>>, vector<16xi32>,
      tpu.vector_store %arg6[%swap3A_196], %get3A_193 {strides = array<i32>} : memref<32xi32, #tpu.memory_space<vmem>>, vector<16xi32>,
      %get3A_198 = arith.constant 8 : index
      %get3A_199 = tpu.vector_load %arg6[%get3A_198] {strides = array<i32>} : memref<32xi32, #tpu.memory_space<vmem>>, vector<16xi32>,
      %eq3A_200 = arith.cmpi eq, %get3A_193, %get3A_199 : vector<16xi32>
      %and3A_201 = arith.andi %lt3A_2, %eq3A_200 : vector<16xi1>
      %jit3A_202 = arith.constant 2.000000e+00 : f32
      %jit3A_203 = arith.constant 1.000000e+00 : f32
      %broadcast_in_dim3A_204 = vector.broadcast %jit3A_202 : f32 to vector<16xf32>
      %broadcast_in_dim3A_205 = vector.broadcast %jit3A_203 : f32 to vector<16xf32>
      %select_n3A_206 = arith.select %and3A_201, %broadcast_in_dim3A_204, %broadcast_in_dim3A_205 : vector<16xi1>, vector<16xf32>
      %not3A_207 = arith.constant dense<true> : vector<16xi1>
      %not3A_208 = arith.xori %eq3A_200, %not3A_207 : vector<16xi1>
      %or3A_209 = arith.ori %lt3A_2, %not3A_208 : vector<16xi1>
      %mul3A_210 = arith.constant 8 : i32
      %mul3A_211 = vector.broadcast %mul3A_210 : i32 to vector<16xi32>
      %mul3A_212 = arith.muli %get3A_193, %mul3A_211 : vector<16xi32>
      %add3A_213 = arith.addi %mul3A_212, %and3A_4 : vector<16xi32>
      tpu.vector_store_idx %arg7[%add3A_213], %select_n3A_206 masked %or3A_209 {add = true} : memref<81920xf32, #tpu.memory_space<vmem>>[vector<16xi32>], vector<16xf32>, vector<16xi1>
    }
    %scan3A_18 = arith.constant 80 : i32
    %run_scoped3A = arith.constant 0 : i32
    "tpu.region"() ({
      %run_scoped3A_36 = tpu.sem_alloc : memref<!tpu.dma_semaphore, #tpu.memory_space<semaphore_mem>>
      %dma_start3A = arith.constant 0 : i32
      %dma_start3A_37 = tpu.memref_slice %arg4[%add3A, %run_scoped3A, %dma_start3A] : memref<32x2x81920xf32, #tpu.memory_space<hbm>> -> memref<1x1x81920xf32, #tpu.memory_space<hbm>>
      %dma_start3A_38 = tpu.memref_squeeze %dma_start3A_37 : memref<1x1x81920xf32, #tpu.memory_space<hbm>> -> memref<81920xf32, #tpu.memory_space<hbm>>
      %dma_start3A_39 = arith.constant 0 : i32
      %dma_start3A_40 = tpu.memref_slice %arg4[%add3A, %run_scoped3A, %dma_start3A_39] : memref<32x2x81920xf32, #tpu.memory_space<hbm>> -> memref<1x1x81920xf32, #tpu.memory_space<hbm>>
      %dma_start3A_41 = tpu.memref_squeeze %dma_start3A_40 : memref<1x1x81920xf32, #tpu.memory_space<hbm>> -> memref<81920xf32, #tpu.memory_space<hbm>>
      tpu.enqueue_dma source(%arg7 : memref<81920xf32, #tpu.memory_space<vmem>>) target(%dma_start3A_41 : memref<81920xf32, #tpu.memory_space<hbm>>) target_semaphore(%run_scoped3A_36 : memref<!tpu.dma_semaphore, #tpu.memory_space<semaphore_mem>>)
      %dma_wait3A = arith.constant 0 : i32
      %dma_wait3A_42 = tpu.memref_slice %arg4[%add3A, %run_scoped3A, %dma_wait3A] : memref<32x2x81920xf32, #tpu.memory_space<hbm>> -> memref<1x1x81920xf32, #tpu.memory_space<hbm>>
      %dma_wait3A_43 = tpu.memref_squeeze %dma_wait3A_42 : memref<1x1x81920xf32, #tpu.memory_space<hbm>> -> memref<81920xf32, #tpu.memory_space<hbm>>
      %dma_wait3A_44 = arith.constant 0 : i32
      %dma_wait3A_45 = tpu.memref_slice %arg4[%add3A, %run_scoped3A, %dma_wait3A_44] : memref<32x2x81920xf32, #tpu.memory_space<hbm>> -> memref<1x1x81920xf32, #tpu.memory_space<hbm>>
      %dma_wait3A_46 = tpu.memref_squeeze %dma_wait3A_45 : memref<1x1x81920xf32, #tpu.memory_space<hbm>> -> memref<81920xf32, #tpu.memory_space<hbm>>
      tpu.wait_dma2 semaphore(%run_scoped3A_36 : memref<!tpu.dma_semaphore, #tpu.memory_space<semaphore_mem>>) src(%arg7 : memref<81920xf32, #tpu.memory_space<vmem>>) dst(%dma_wait3A_46 : memref<81920xf32, #tpu.memory_space<hbm>>)
      tpu.yield
    }) : () -> ()
    %mul3A_19 = arith.constant 80 : i32
    %mul3A_20 = arith.muli %add3A, %mul3A_19 : i32
    "tpu.region"() ({
      %run_scoped3A_36 = tpu.sem_alloc : memref<!tpu.dma_semaphore, #tpu.memory_space<semaphore_mem>>
      %dma_start3A = arith.constant 0 : i32
      %dma_start3A_37 = tpu.memref_slice %arg3[%mul3A_20, %dma_start3A] : memref<2560x128xi32, #tpu.memory_space<hbm>> -> memref<80x128xi32, #tpu.memory_space<hbm>>
      %dma_start3A_38 = arith.constant 0 : i32
      %dma_start3A_39 = tpu.memref_slice %arg3[%mul3A_20, %dma_start3A_38] : memref<2560x128xi32, #tpu.memory_space<hbm>> -> memref<80x128xi32, #tpu.memory_space<hbm>>
      tpu.enqueue_dma source(%dma_start3A_39 : memref<80x128xi32, #tpu.memory_space<hbm>>) target(%arg5 : memref<80x128xi32, #tpu.memory_space<vmem>>) target_semaphore(%run_scoped3A_36 : memref<!tpu.dma_semaphore, #tpu.memory_space<semaphore_mem>>)
      %dma_wait3A = arith.constant 0 : i32
      %dma_wait3A_40 = tpu.memref_slice %arg3[%mul3A_20, %dma_wait3A] : memref<2560x128xi32, #tpu.memory_space<hbm>> -> memref<80x128xi32, #tpu.memory_space<hbm>>
      %dma_wait3A_41 = arith.constant 0 : i32
      %dma_wait3A_42 = tpu.memref_slice %arg3[%mul3A_20, %dma_wait3A_41] : memref<2560x128xi32, #tpu.memory_space<hbm>> -> memref<80x128xi32, #tpu.memory_space<hbm>>
      tpu.wait_dma2 semaphore(%run_scoped3A_36 : memref<!tpu.dma_semaphore, #tpu.memory_space<semaphore_mem>>) src(%dma_wait3A_42 : memref<80x128xi32, #tpu.memory_space<hbm>>) dst(%arg5 : memref<80x128xi32, #tpu.memory_space<vmem>>)
      tpu.yield
    }) : () -> ()
    %broadcast_in_dim3A_21 = arith.constant 0.000000e+00 : f32
    %broadcast_in_dim3A_22 = vector.broadcast %broadcast_in_dim3A_21 : f32 to vector<16xf32>
    %scan3A_23 = arith.constant 0 : i32
    %scan3A_24 = arith.constant 0 : i32
    %scan3A_25 = arith.constant 640 : i32
    %scan3A_26 = arith.addi %scan3A_24, %scan3A_25 : i32
    %scan3A_27 = arith.constant 1 : i32
    scf.for %scan3A_36 = %scan3A_24 to %scan3A_26 step %scan3A_27  : i32 {
      %mul3A_37 = arith.constant 128 : i32
      %mul3A_38 = arith.muli %scan3A_36, %mul3A_37 : i32
      %add3A_39 = arith.constant 0 : i32
      %add3A_40 = arith.addi %mul3A_38, %add3A_39 : i32
      %swap3A = arith.index_cast %add3A_40 : i32 to index
      %swap3A_41 = tpu.vector_load %arg7[%swap3A] {strides = array<i32>} : memref<81920xf32, #tpu.memory_space<vmem>>, vector<16xf32>,
      tpu.vector_store %arg7[%swap3A], %broadcast_in_dim3A_22 {strides = array<i32>} : memref<81920xf32, #tpu.memory_space<vmem>>, vector<16xf32>,
      %mul3A_42 = arith.constant 128 : i32
      %mul3A_43 = arith.muli %scan3A_36, %mul3A_42 : i32
      %add3A_44 = arith.constant 16 : i32
      %add3A_45 = arith.addi %mul3A_43, %add3A_44 : i32
      %swap3A_46 = arith.index_cast %add3A_45 : i32 to index
      %swap3A_47 = tpu.vector_load %arg7[%swap3A_46] {strides = array<i32>} : memref<81920xf32, #tpu.memory_space<vmem>>, vector<16xf32>,
      tpu.vector_store %arg7[%swap3A_46], %broadcast_in_dim3A_22 {strides = array<i32>} : memref<81920xf32, #tpu.memory_space<vmem>>, vector<16xf32>,
      %mul3A_48 = arith.constant 128 : i32
      %mul3A_49 = arith.muli %scan3A_36, %mul3A_48 : i32
      %add3A_50 = arith.constant 32 : i32
      %add3A_51 = arith.addi %mul3A_49, %add3A_50 : i32
      %swap3A_52 = arith.index_cast %add3A_51 : i32 to index
      %swap3A_53 = tpu.vector_load %arg7[%swap3A_52] {strides = array<i32>} : memref<81920xf32, #tpu.memory_space<vmem>>, vector<16xf32>,
      tpu.vector_store %arg7[%swap3A_52], %broadcast_in_dim3A_22 {strides = array<i32>} : memref<81920xf32, #tpu.memory_space<vmem>>, vector<16xf32>,
      %mul3A_54 = arith.constant 128 : i32
      %mul3A_55 = arith.muli %scan3A_36, %mul3A_54 : i32
      %add3A_56 = arith.constant 48 : i32
      %add3A_57 = arith.addi %mul3A_55, %add3A_56 : i32
      %swap3A_58 = arith.index_cast %add3A_57 : i32 to index
      %swap3A_59 = tpu.vector_load %arg7[%swap3A_58] {strides = array<i32>} : memref<81920xf32, #tpu.memory_space<vmem>>, vector<16xf32>,
      tpu.vector_store %arg7[%swap3A_58], %broadcast_in_dim3A_22 {strides = array<i32>} : memref<81920xf32, #tpu.memory_space<vmem>>, vector<16xf32>,
      %mul3A_60 = arith.constant 128 : i32
      %mul3A_61 = arith.muli %scan3A_36, %mul3A_60 : i32
      %add3A_62 = arith.constant 64 : i32
      %add3A_63 = arith.addi %mul3A_61, %add3A_62 : i32
      %swap3A_64 = arith.index_cast %add3A_63 : i32 to index
      %swap3A_65 = tpu.vector_load %arg7[%swap3A_64] {strides = array<i32>} : memref<81920xf32, #tpu.memory_space<vmem>>, vector<16xf32>,
      tpu.vector_store %arg7[%swap3A_64], %broadcast_in_dim3A_22 {strides = array<i32>} : memref<81920xf32, #tpu.memory_space<vmem>>, vector<16xf32>,
      %mul3A_66 = arith.constant 128 : i32
      %mul3A_67 = arith.muli %scan3A_36, %mul3A_66 : i32
      %add3A_68 = arith.constant 80 : i32
      %add3A_69 = arith.addi %mul3A_67, %add3A_68 : i32
      %swap3A_70 = arith.index_cast %add3A_69 : i32 to index
      %swap3A_71 = tpu.vector_load %arg7[%swap3A_70] {strides = array<i32>} : memref<81920xf32, #tpu.memory_space<vmem>>, vector<16xf32>,
      tpu.vector_store %arg7[%swap3A_70], %broadcast_in_dim3A_22 {strides = array<i32>} : memref<81920xf32, #tpu.memory_space<vmem>>, vector<16xf32>,
      %mul3A_72 = arith.constant 128 : i32
      %mul3A_73 = arith.muli %scan3A_36, %mul3A_72 : i32
      %add3A_74 = arith.constant 96 : i32
      %add3A_75 = arith.addi %mul3A_73, %add3A_74 : i32
      %swap3A_76 = arith.index_cast %add3A_75 : i32 to index
      %swap3A_77 = tpu.vector_load %arg7[%swap3A_76] {strides = array<i32>} : memref<81920xf32, #tpu.memory_space<vmem>>, vector<16xf32>,
      tpu.vector_store %arg7[%swap3A_76], %broadcast_in_dim3A_22 {strides = array<i32>} : memref<81920xf32, #tpu.memory_space<vmem>>, vector<16xf32>,
      %mul3A_78 = arith.constant 128 : i32
      %mul3A_79 = arith.muli %scan3A_36, %mul3A_78 : i32
      %add3A_80 = arith.constant 112 : i32
      %add3A_81 = arith.addi %mul3A_79, %add3A_80 : i32
      %swap3A_82 = arith.index_cast %add3A_81 : i32 to index
      %swap3A_83 = tpu.vector_load %arg7[%swap3A_82] {strides = array<i32>} : memref<81920xf32, #tpu.memory_space<vmem>>, vector<16xf32>,
      tpu.vector_store %arg7[%swap3A_82], %broadcast_in_dim3A_22 {strides = array<i32>} : memref<81920xf32, #tpu.memory_space<vmem>>, vector<16xf32>,
    }
    %scan3A_28 = arith.constant 640 : i32
    %scan3A_29 = arith.constant 0 : i32
    %scan3A_30 = arith.constant 0 : i32
    %scan3A_31 = arith.constant 80 : i32
    %scan3A_32 = arith.addi %scan3A_30, %scan3A_31 : i32
    %scan3A_33 = arith.constant 1 : i32
    scf.for %scan3A_36 = %scan3A_30 to %scan3A_32 step %scan3A_33  : i32 {
      %get3A = arith.index_cast %scan3A_36 : i32 to index
      %get3A_37 = arith.constant 0 : index
      %get3A_38 = tpu.vector_load %arg5[%get3A, %get3A_37] {strides = array<i32>} : memref<80x128xi32, #tpu.memory_space<vmem>>, vector<16xi32>,
      %swap3A = arith.constant 0 : index
      %swap3A_39 = tpu.vector_load %arg6[%swap3A] {strides = array<i32>} : memref<32xi32, #tpu.memory_space<vmem>>, vector<16xi32>,
      tpu.vector_store %arg6[%swap3A], %get3A_38 {strides = array<i32>} : memref<32xi32, #tpu.memory_space<vmem>>, vector<16xi32>,
      %swap3A_40 = arith.constant 16 : index
      %swap3A_41 = tpu.vector_load %arg6[%swap3A_40] {strides = array<i32>} : memref<32xi32, #tpu.memory_space<vmem>>, vector<16xi32>,
      tpu.vector_store %arg6[%swap3A_40], %get3A_38 {strides = array<i32>} : memref<32xi32, #tpu.memory_space<vmem>>, vector<16xi32>,
      %get3A_42 = arith.constant 8 : index
      %get3A_43 = tpu.vector_load %arg6[%get3A_42] {strides = array<i32>} : memref<32xi32, #tpu.memory_space<vmem>>, vector<16xi32>,
      %eq3A = arith.cmpi eq, %get3A_38, %get3A_43 : vector<16xi32>
      %and3A_44 = arith.andi %lt3A_2, %eq3A : vector<16xi1>
      %jit3A = arith.constant 2.000000e+00 : f32
      %jit3A_45 = arith.constant 1.000000e+00 : f32
      %broadcast_in_dim3A_46 = vector.broadcast %jit3A : f32 to vector<16xf32>
      %broadcast_in_dim3A_47 = vector.broadcast %jit3A_45 : f32 to vector<16xf32>
      %select_n3A = arith.select %and3A_44, %broadcast_in_dim3A_46, %broadcast_in_dim3A_47 : vector<16xi1>, vector<16xf32>
      %not3A = arith.constant dense<true> : vector<16xi1>
      %not3A_48 = arith.xori %eq3A, %not3A : vector<16xi1>
      %or3A = arith.ori %lt3A_2, %not3A_48 : vector<16xi1>
      %mul3A_49 = arith.constant 8 : i32
      %mul3A_50 = vector.broadcast %mul3A_49 : i32 to vector<16xi32>
      %mul3A_51 = arith.muli %get3A_38, %mul3A_50 : vector<16xi32>
      %add3A_52 = arith.addi %mul3A_51, %and3A_4 : vector<16xi32>
      tpu.vector_store_idx %arg7[%add3A_52], %select_n3A masked %or3A {add = true} : memref<81920xf32, #tpu.memory_space<vmem>>[vector<16xi32>], vector<16xf32>, vector<16xi1>
      %get3A_53 = arith.index_cast %scan3A_36 : i32 to index
      %get3A_54 = arith.constant 16 : index
      %get3A_55 = tpu.vector_load %arg5[%get3A_53, %get3A_54] {strides = array<i32>} : memref<80x128xi32, #tpu.memory_space<vmem>>, vector<16xi32>,
      %swap3A_56 = arith.constant 0 : index
      %swap3A_57 = tpu.vector_load %arg6[%swap3A_56] {strides = array<i32>} : memref<32xi32, #tpu.memory_space<vmem>>, vector<16xi32>,
      tpu.vector_store %arg6[%swap3A_56], %get3A_55 {strides = array<i32>} : memref<32xi32, #tpu.memory_space<vmem>>, vector<16xi32>,
      %swap3A_58 = arith.constant 16 : index
      %swap3A_59 = tpu.vector_load %arg6[%swap3A_58] {strides = array<i32>} : memref<32xi32, #tpu.memory_space<vmem>>, vector<16xi32>,
      tpu.vector_store %arg6[%swap3A_58], %get3A_55 {strides = array<i32>} : memref<32xi32, #tpu.memory_space<vmem>>, vector<16xi32>,
      %get3A_60 = arith.constant 8 : index
      %get3A_61 = tpu.vector_load %arg6[%get3A_60] {strides = array<i32>} : memref<32xi32, #tpu.memory_space<vmem>>, vector<16xi32>,
      %eq3A_62 = arith.cmpi eq, %get3A_55, %get3A_61 : vector<16xi32>
      %and3A_63 = arith.andi %lt3A_2, %eq3A_62 : vector<16xi1>
      %jit3A_64 = arith.constant 2.000000e+00 : f32
      %jit3A_65 = arith.constant 1.000000e+00 : f32
      %broadcast_in_dim3A_66 = vector.broadcast %jit3A_64 : f32 to vector<16xf32>
      %broadcast_in_dim3A_67 = vector.broadcast %jit3A_65 : f32 to vector<16xf32>
      %select_n3A_68 = arith.select %and3A_63, %broadcast_in_dim3A_66, %broadcast_in_dim3A_67 : vector<16xi1>, vector<16xf32>
      %not3A_69 = arith.constant dense<true> : vector<16xi1>
      %not3A_70 = arith.xori %eq3A_62, %not3A_69 : vector<16xi1>
      %or3A_71 = arith.ori %lt3A_2, %not3A_70 : vector<16xi1>
      %mul3A_72 = arith.constant 8 : i32
      %mul3A_73 = vector.broadcast %mul3A_72 : i32 to vector<16xi32>
      %mul3A_74 = arith.muli %get3A_55, %mul3A_73 : vector<16xi32>
      %add3A_75 = arith.addi %mul3A_74, %and3A_4 : vector<16xi32>
      tpu.vector_store_idx %arg7[%add3A_75], %select_n3A_68 masked %or3A_71 {add = true} : memref<81920xf32, #tpu.memory_space<vmem>>[vector<16xi32>], vector<16xf32>, vector<16xi1>
      %get3A_76 = arith.index_cast %scan3A_36 : i32 to index
      %get3A_77 = arith.constant 32 : index
      %get3A_78 = tpu.vector_load %arg5[%get3A_76, %get3A_77] {strides = array<i32>} : memref<80x128xi32, #tpu.memory_space<vmem>>, vector<16xi32>,
      %swap3A_79 = arith.constant 0 : index
      %swap3A_80 = tpu.vector_load %arg6[%swap3A_79] {strides = array<i32>} : memref<32xi32, #tpu.memory_space<vmem>>, vector<16xi32>,
      tpu.vector_store %arg6[%swap3A_79], %get3A_78 {strides = array<i32>} : memref<32xi32, #tpu.memory_space<vmem>>, vector<16xi32>,
      %swap3A_81 = arith.constant 16 : index
      %swap3A_82 = tpu.vector_load %arg6[%swap3A_81] {strides = array<i32>} : memref<32xi32, #tpu.memory_space<vmem>>, vector<16xi32>,
      tpu.vector_store %arg6[%swap3A_81], %get3A_78 {strides = array<i32>} : memref<32xi32, #tpu.memory_space<vmem>>, vector<16xi32>,
      %get3A_83 = arith.constant 8 : index
      %get3A_84 = tpu.vector_load %arg6[%get3A_83] {strides = array<i32>} : memref<32xi32, #tpu.memory_space<vmem>>, vector<16xi32>,
      %eq3A_85 = arith.cmpi eq, %get3A_78, %get3A_84 : vector<16xi32>
      %and3A_86 = arith.andi %lt3A_2, %eq3A_85 : vector<16xi1>
      %jit3A_87 = arith.constant 2.000000e+00 : f32
      %jit3A_88 = arith.constant 1.000000e+00 : f32
      %broadcast_in_dim3A_89 = vector.broadcast %jit3A_87 : f32 to vector<16xf32>
      %broadcast_in_dim3A_90 = vector.broadcast %jit3A_88 : f32 to vector<16xf32>
      %select_n3A_91 = arith.select %and3A_86, %broadcast_in_dim3A_89, %broadcast_in_dim3A_90 : vector<16xi1>, vector<16xf32>
      %not3A_92 = arith.constant dense<true> : vector<16xi1>
      %not3A_93 = arith.xori %eq3A_85, %not3A_92 : vector<16xi1>
      %or3A_94 = arith.ori %lt3A_2, %not3A_93 : vector<16xi1>
      %mul3A_95 = arith.constant 8 : i32
      %mul3A_96 = vector.broadcast %mul3A_95 : i32 to vector<16xi32>
      %mul3A_97 = arith.muli %get3A_78, %mul3A_96 : vector<16xi32>
      %add3A_98 = arith.addi %mul3A_97, %and3A_4 : vector<16xi32>
      tpu.vector_store_idx %arg7[%add3A_98], %select_n3A_91 masked %or3A_94 {add = true} : memref<81920xf32, #tpu.memory_space<vmem>>[vector<16xi32>], vector<16xf32>, vector<16xi1>
      %get3A_99 = arith.index_cast %scan3A_36 : i32 to index
      %get3A_100 = arith.constant 48 : index
      %get3A_101 = tpu.vector_load %arg5[%get3A_99, %get3A_100] {strides = array<i32>} : memref<80x128xi32, #tpu.memory_space<vmem>>, vector<16xi32>,
      %swap3A_102 = arith.constant 0 : index
      %swap3A_103 = tpu.vector_load %arg6[%swap3A_102] {strides = array<i32>} : memref<32xi32, #tpu.memory_space<vmem>>, vector<16xi32>,
      tpu.vector_store %arg6[%swap3A_102], %get3A_101 {strides = array<i32>} : memref<32xi32, #tpu.memory_space<vmem>>, vector<16xi32>,
      %swap3A_104 = arith.constant 16 : index
      %swap3A_105 = tpu.vector_load %arg6[%swap3A_104] {strides = array<i32>} : memref<32xi32, #tpu.memory_space<vmem>>, vector<16xi32>,
      tpu.vector_store %arg6[%swap3A_104], %get3A_101 {strides = array<i32>} : memref<32xi32, #tpu.memory_space<vmem>>, vector<16xi32>,
      %get3A_106 = arith.constant 8 : index
      %get3A_107 = tpu.vector_load %arg6[%get3A_106] {strides = array<i32>} : memref<32xi32, #tpu.memory_space<vmem>>, vector<16xi32>,
      %eq3A_108 = arith.cmpi eq, %get3A_101, %get3A_107 : vector<16xi32>
      %and3A_109 = arith.andi %lt3A_2, %eq3A_108 : vector<16xi1>
      %jit3A_110 = arith.constant 2.000000e+00 : f32
      %jit3A_111 = arith.constant 1.000000e+00 : f32
      %broadcast_in_dim3A_112 = vector.broadcast %jit3A_110 : f32 to vector<16xf32>
      %broadcast_in_dim3A_113 = vector.broadcast %jit3A_111 : f32 to vector<16xf32>
      %select_n3A_114 = arith.select %and3A_109, %broadcast_in_dim3A_112, %broadcast_in_dim3A_113 : vector<16xi1>, vector<16xf32>
      %not3A_115 = arith.constant dense<true> : vector<16xi1>
      %not3A_116 = arith.xori %eq3A_108, %not3A_115 : vector<16xi1>
      %or3A_117 = arith.ori %lt3A_2, %not3A_116 : vector<16xi1>
      %mul3A_118 = arith.constant 8 : i32
      %mul3A_119 = vector.broadcast %mul3A_118 : i32 to vector<16xi32>
      %mul3A_120 = arith.muli %get3A_101, %mul3A_119 : vector<16xi32>
      %add3A_121 = arith.addi %mul3A_120, %and3A_4 : vector<16xi32>
      tpu.vector_store_idx %arg7[%add3A_121], %select_n3A_114 masked %or3A_117 {add = true} : memref<81920xf32, #tpu.memory_space<vmem>>[vector<16xi32>], vector<16xf32>, vector<16xi1>
      %get3A_122 = arith.index_cast %scan3A_36 : i32 to index
      %get3A_123 = arith.constant 64 : index
      %get3A_124 = tpu.vector_load %arg5[%get3A_122, %get3A_123] {strides = array<i32>} : memref<80x128xi32, #tpu.memory_space<vmem>>, vector<16xi32>,
      %swap3A_125 = arith.constant 0 : index
      %swap3A_126 = tpu.vector_load %arg6[%swap3A_125] {strides = array<i32>} : memref<32xi32, #tpu.memory_space<vmem>>, vector<16xi32>,
      tpu.vector_store %arg6[%swap3A_125], %get3A_124 {strides = array<i32>} : memref<32xi32, #tpu.memory_space<vmem>>, vector<16xi32>,
      %swap3A_127 = arith.constant 16 : index
      %swap3A_128 = tpu.vector_load %arg6[%swap3A_127] {strides = array<i32>} : memref<32xi32, #tpu.memory_space<vmem>>, vector<16xi32>,
      tpu.vector_store %arg6[%swap3A_127], %get3A_124 {strides = array<i32>} : memref<32xi32, #tpu.memory_space<vmem>>, vector<16xi32>,
      %get3A_129 = arith.constant 8 : index
      %get3A_130 = tpu.vector_load %arg6[%get3A_129] {strides = array<i32>} : memref<32xi32, #tpu.memory_space<vmem>>, vector<16xi32>,
      %eq3A_131 = arith.cmpi eq, %get3A_124, %get3A_130 : vector<16xi32>
      %and3A_132 = arith.andi %lt3A_2, %eq3A_131 : vector<16xi1>
      %jit3A_133 = arith.constant 2.000000e+00 : f32
      %jit3A_134 = arith.constant 1.000000e+00 : f32
      %broadcast_in_dim3A_135 = vector.broadcast %jit3A_133 : f32 to vector<16xf32>
      %broadcast_in_dim3A_136 = vector.broadcast %jit3A_134 : f32 to vector<16xf32>
      %select_n3A_137 = arith.select %and3A_132, %broadcast_in_dim3A_135, %broadcast_in_dim3A_136 : vector<16xi1>, vector<16xf32>
      %not3A_138 = arith.constant dense<true> : vector<16xi1>
      %not3A_139 = arith.xori %eq3A_131, %not3A_138 : vector<16xi1>
      %or3A_140 = arith.ori %lt3A_2, %not3A_139 : vector<16xi1>
      %mul3A_141 = arith.constant 8 : i32
      %mul3A_142 = vector.broadcast %mul3A_141 : i32 to vector<16xi32>
      %mul3A_143 = arith.muli %get3A_124, %mul3A_142 : vector<16xi32>
      %add3A_144 = arith.addi %mul3A_143, %and3A_4 : vector<16xi32>
      tpu.vector_store_idx %arg7[%add3A_144], %select_n3A_137 masked %or3A_140 {add = true} : memref<81920xf32, #tpu.memory_space<vmem>>[vector<16xi32>], vector<16xf32>, vector<16xi1>
      %get3A_145 = arith.index_cast %scan3A_36 : i32 to index
      %get3A_146 = arith.constant 80 : index
      %get3A_147 = tpu.vector_load %arg5[%get3A_145, %get3A_146] {strides = array<i32>} : memref<80x128xi32, #tpu.memory_space<vmem>>, vector<16xi32>,
      %swap3A_148 = arith.constant 0 : index
      %swap3A_149 = tpu.vector_load %arg6[%swap3A_148] {strides = array<i32>} : memref<32xi32, #tpu.memory_space<vmem>>, vector<16xi32>,
      tpu.vector_store %arg6[%swap3A_148], %get3A_147 {strides = array<i32>} : memref<32xi32, #tpu.memory_space<vmem>>, vector<16xi32>,
      %swap3A_150 = arith.constant 16 : index
      %swap3A_151 = tpu.vector_load %arg6[%swap3A_150] {strides = array<i32>} : memref<32xi32, #tpu.memory_space<vmem>>, vector<16xi32>,
      tpu.vector_store %arg6[%swap3A_150], %get3A_147 {strides = array<i32>} : memref<32xi32, #tpu.memory_space<vmem>>, vector<16xi32>,
      %get3A_152 = arith.constant 8 : index
      %get3A_153 = tpu.vector_load %arg6[%get3A_152] {strides = array<i32>} : memref<32xi32, #tpu.memory_space<vmem>>, vector<16xi32>,
      %eq3A_154 = arith.cmpi eq, %get3A_147, %get3A_153 : vector<16xi32>
      %and3A_155 = arith.andi %lt3A_2, %eq3A_154 : vector<16xi1>
      %jit3A_156 = arith.constant 2.000000e+00 : f32
      %jit3A_157 = arith.constant 1.000000e+00 : f32
      %broadcast_in_dim3A_158 = vector.broadcast %jit3A_156 : f32 to vector<16xf32>
      %broadcast_in_dim3A_159 = vector.broadcast %jit3A_157 : f32 to vector<16xf32>
      %select_n3A_160 = arith.select %and3A_155, %broadcast_in_dim3A_158, %broadcast_in_dim3A_159 : vector<16xi1>, vector<16xf32>
      %not3A_161 = arith.constant dense<true> : vector<16xi1>
      %not3A_162 = arith.xori %eq3A_154, %not3A_161 : vector<16xi1>
      %or3A_163 = arith.ori %lt3A_2, %not3A_162 : vector<16xi1>
      %mul3A_164 = arith.constant 8 : i32
      %mul3A_165 = vector.broadcast %mul3A_164 : i32 to vector<16xi32>
      %mul3A_166 = arith.muli %get3A_147, %mul3A_165 : vector<16xi32>
      %add3A_167 = arith.addi %mul3A_166, %and3A_4 : vector<16xi32>
      tpu.vector_store_idx %arg7[%add3A_167], %select_n3A_160 masked %or3A_163 {add = true} : memref<81920xf32, #tpu.memory_space<vmem>>[vector<16xi32>], vector<16xf32>, vector<16xi1>
      %get3A_168 = arith.index_cast %scan3A_36 : i32 to index
      %get3A_169 = arith.constant 96 : index
      %get3A_170 = tpu.vector_load %arg5[%get3A_168, %get3A_169] {strides = array<i32>} : memref<80x128xi32, #tpu.memory_space<vmem>>, vector<16xi32>,
      %swap3A_171 = arith.constant 0 : index
      %swap3A_172 = tpu.vector_load %arg6[%swap3A_171] {strides = array<i32>} : memref<32xi32, #tpu.memory_space<vmem>>, vector<16xi32>,
      tpu.vector_store %arg6[%swap3A_171], %get3A_170 {strides = array<i32>} : memref<32xi32, #tpu.memory_space<vmem>>, vector<16xi32>,
      %swap3A_173 = arith.constant 16 : index
      %swap3A_174 = tpu.vector_load %arg6[%swap3A_173] {strides = array<i32>} : memref<32xi32, #tpu.memory_space<vmem>>, vector<16xi32>,
      tpu.vector_store %arg6[%swap3A_173], %get3A_170 {strides = array<i32>} : memref<32xi32, #tpu.memory_space<vmem>>, vector<16xi32>,
      %get3A_175 = arith.constant 8 : index
      %get3A_176 = tpu.vector_load %arg6[%get3A_175] {strides = array<i32>} : memref<32xi32, #tpu.memory_space<vmem>>, vector<16xi32>,
      %eq3A_177 = arith.cmpi eq, %get3A_170, %get3A_176 : vector<16xi32>
      %and3A_178 = arith.andi %lt3A_2, %eq3A_177 : vector<16xi1>
      %jit3A_179 = arith.constant 2.000000e+00 : f32
      %jit3A_180 = arith.constant 1.000000e+00 : f32
      %broadcast_in_dim3A_181 = vector.broadcast %jit3A_179 : f32 to vector<16xf32>
      %broadcast_in_dim3A_182 = vector.broadcast %jit3A_180 : f32 to vector<16xf32>
      %select_n3A_183 = arith.select %and3A_178, %broadcast_in_dim3A_181, %broadcast_in_dim3A_182 : vector<16xi1>, vector<16xf32>
      %not3A_184 = arith.constant dense<true> : vector<16xi1>
      %not3A_185 = arith.xori %eq3A_177, %not3A_184 : vector<16xi1>
      %or3A_186 = arith.ori %lt3A_2, %not3A_185 : vector<16xi1>
      %mul3A_187 = arith.constant 8 : i32
      %mul3A_188 = vector.broadcast %mul3A_187 : i32 to vector<16xi32>
      %mul3A_189 = arith.muli %get3A_170, %mul3A_188 : vector<16xi32>
      %add3A_190 = arith.addi %mul3A_189, %and3A_4 : vector<16xi32>
      tpu.vector_store_idx %arg7[%add3A_190], %select_n3A_183 masked %or3A_186 {add = true} : memref<81920xf32, #tpu.memory_space<vmem>>[vector<16xi32>], vector<16xf32>, vector<16xi1>
      %get3A_191 = arith.index_cast %scan3A_36 : i32 to index
      %get3A_192 = arith.constant 112 : index
      %get3A_193 = tpu.vector_load %arg5[%get3A_191, %get3A_192] {strides = array<i32>} : memref<80x128xi32, #tpu.memory_space<vmem>>, vector<16xi32>,
      %swap3A_194 = arith.constant 0 : index
      %swap3A_195 = tpu.vector_load %arg6[%swap3A_194] {strides = array<i32>} : memref<32xi32, #tpu.memory_space<vmem>>, vector<16xi32>,
      tpu.vector_store %arg6[%swap3A_194], %get3A_193 {strides = array<i32>} : memref<32xi32, #tpu.memory_space<vmem>>, vector<16xi32>,
      %swap3A_196 = arith.constant 16 : index
      %swap3A_197 = tpu.vector_load %arg6[%swap3A_196] {strides = array<i32>} : memref<32xi32, #tpu.memory_space<vmem>>, vector<16xi32>,
      tpu.vector_store %arg6[%swap3A_196], %get3A_193 {strides = array<i32>} : memref<32xi32, #tpu.memory_space<vmem>>, vector<16xi32>,
      %get3A_198 = arith.constant 8 : index
      %get3A_199 = tpu.vector_load %arg6[%get3A_198] {strides = array<i32>} : memref<32xi32, #tpu.memory_space<vmem>>, vector<16xi32>,
      %eq3A_200 = arith.cmpi eq, %get3A_193, %get3A_199 : vector<16xi32>
      %and3A_201 = arith.andi %lt3A_2, %eq3A_200 : vector<16xi1>
      %jit3A_202 = arith.constant 2.000000e+00 : f32
      %jit3A_203 = arith.constant 1.000000e+00 : f32
      %broadcast_in_dim3A_204 = vector.broadcast %jit3A_202 : f32 to vector<16xf32>
      %broadcast_in_dim3A_205 = vector.broadcast %jit3A_203 : f32 to vector<16xf32>
      %select_n3A_206 = arith.select %and3A_201, %broadcast_in_dim3A_204, %broadcast_in_dim3A_205 : vector<16xi1>, vector<16xf32>
      %not3A_207 = arith.constant dense<true> : vector<16xi1>
      %not3A_208 = arith.xori %eq3A_200, %not3A_207 : vector<16xi1>
      %or3A_209 = arith.ori %lt3A_2, %not3A_208 : vector<16xi1>
      %mul3A_210 = arith.constant 8 : i32
      %mul3A_211 = vector.broadcast %mul3A_210 : i32 to vector<16xi32>
      %mul3A_212 = arith.muli %get3A_193, %mul3A_211 : vector<16xi32>
      %add3A_213 = arith.addi %mul3A_212, %and3A_4 : vector<16xi32>
      tpu.vector_store_idx %arg7[%add3A_213], %select_n3A_206 masked %or3A_209 {add = true} : memref<81920xf32, #tpu.memory_space<vmem>>[vector<16xi32>], vector<16xf32>, vector<16xi1>
    }
    %scan3A_34 = arith.constant 80 : i32
    %run_scoped3A_35 = arith.constant 1 : i32
    "tpu.region"() ({
      %run_scoped3A_36 = tpu.sem_alloc : memref<!tpu.dma_semaphore, #tpu.memory_space<semaphore_mem>>
      %dma_start3A = arith.constant 0 : i32
      %dma_start3A_37 = tpu.memref_slice %arg4[%add3A, %run_scoped3A_35, %dma_start3A] : memref<32x2x81920xf32, #tpu.memory_space<hbm>> -> memref<1x1x81920xf32, #tpu.memory_space<hbm>>
      %dma_start3A_38 = tpu.memref_squeeze %dma_start3A_37 : memref<1x1x81920xf32, #tpu.memory_space<hbm>> -> memref<81920xf32, #tpu.memory_space<hbm>>
      %dma_start3A_39 = arith.constant 0 : i32
      %dma_start3A_40 = tpu.memref_slice %arg4[%add3A, %run_scoped3A_35, %dma_start3A_39] : memref<32x2x81920xf32, #tpu.memory_space<hbm>> -> memref<1x1x81920xf32, #tpu.memory_space<hbm>>
      %dma_start3A_41 = tpu.memref_squeeze %dma_start3A_40 : memref<1x1x81920xf32, #tpu.memory_space<hbm>> -> memref<81920xf32, #tpu.memory_space<hbm>>
      tpu.enqueue_dma source(%arg7 : memref<81920xf32, #tpu.memory_space<vmem>>) target(%dma_start3A_41 : memref<81920xf32, #tpu.memory_space<hbm>>) target_semaphore(%run_scoped3A_36 : memref<!tpu.dma_semaphore, #tpu.memory_space<semaphore_mem>>)
      %dma_wait3A = arith.constant 0 : i32
      %dma_wait3A_42 = tpu.memref_slice %arg4[%add3A, %run_scoped3A_35, %dma_wait3A] : memref<32x2x81920xf32, #tpu.memory_space<hbm>> -> memref<1x1x81920xf32, #tpu.memory_space<hbm>>
      %dma_wait3A_43 = tpu.memref_squeeze %dma_wait3A_42 : memref<1x1x81920xf32, #tpu.memory_space<hbm>> -> memref<81920xf32, #tpu.memory_space<hbm>>
      %dma_wait3A_44 = arith.constant 0 : i32
      %dma_wait3A_45 = tpu.memref_slice %arg4[%add3A, %run_scoped3A_35, %dma_wait3A_44] : memref<32x2x81920xf32, #tpu.memory_space<hbm>> -> memref<1x1x81920xf32, #tpu.memory_space<hbm>>
      %dma_wait3A_46 = tpu.memref_squeeze %dma_wait3A_45 : memref<1x1x81920xf32, #tpu.memory_space<hbm>> -> memref<81920xf32, #tpu.memory_space<hbm>>
      tpu.wait_dma2 semaphore(%run_scoped3A_36 : memref<!tpu.dma_semaphore, #tpu.memory_space<semaphore_mem>>) src(%arg7 : memref<81920xf32, #tpu.memory_space<vmem>>) dst(%dma_wait3A_46 : memref<81920xf32, #tpu.memory_space<hbm>>)
      tpu.yield
    }) : () -> ()
    return
  }
}

#map = affine_map<(d0, d1) -> (0, 0)>
#map1 = affine_map<(d0, d1) -> (0, 0, 0)>
module attributes {stable_mosaic.version = 14 : i64} {
  func.func @_agg_body(%arg0: i32, %arg1: i32, %arg2: memref<10240x128xf32, #tpu.memory_space<hbm>>, %arg3: memref<2560x128xi32, #tpu.memory_space<hbm>>, %arg4: memref<2560x128xi32, #tpu.memory_space<hbm>>, %arg5: memref<10240x128xf32, #tpu.memory_space<hbm>>, %arg6: memref<2x10240x128xf32, #tpu.memory_space<hbm>>, %arg7: memref<40x128xi32, #tpu.memory_space<vmem>>, %arg8: memref<40x128xi32, #tpu.memory_space<vmem>>, %arg9: memref<128x128xf32, #tpu.memory_space<vmem>>, %arg10: memref<128x128xf32, #tpu.memory_space<vmem>>, %arg11: memref<10240x128xf32, #tpu.memory_space<vmem_shared>>, %arg12: memref<!tpu.dma_semaphore, #tpu.memory_space<semaphore_mem>>, %arg13: memref<!tpu.dma_semaphore, #tpu.memory_space<semaphore_mem>>, %arg14: memref<!tpu.dma_semaphore, #tpu.memory_space<semaphore_mem>>, %arg15: memref<!tpu.dma_semaphore, #tpu.memory_space<semaphore_mem>>) attributes {dimension_semantics = [#tpu.dimension_semantics<core_parallel>, #tpu.dimension_semantics<subcore_parallel>], iteration_bounds = array<i64: 2, 16>, scalar_prefetch = 0 : i64, scratch_operands = 9 : i64, tpu.core_type = #tpu.core_type<sc_vector_subcore>, window_params = [{transform_indices = #map}, {transform_indices = #map}, {transform_indices = #map}, {transform_indices = #map}, {transform_indices = #map1}]} {
    %mul3A = arith.constant 16 : i32
    %mul3A_0 = arith.muli %arg0, %mul3A : i32
    %add3A = arith.addi %mul3A_0, %arg1 : i32
    %mul3A_1 = arith.constant 80 : i32
    %mul3A_2 = arith.muli %add3A, %mul3A_1 : i32
    "tpu.region"() ({
      %run_scoped3A = tpu.sem_alloc : memref<!tpu.dma_semaphore, #tpu.memory_space<semaphore_mem>>
      %dma_start3A_77 = arith.constant 0 : i32
      %dma_start3A_78 = tpu.memref_slice %arg3[%mul3A_2, %dma_start3A_77] : memref<2560x128xi32, #tpu.memory_space<hbm>> -> memref<40x128xi32, #tpu.memory_space<hbm>>
      %dma_start3A_79 = arith.constant 0 : i32
      %dma_start3A_80 = tpu.memref_slice %arg3[%mul3A_2, %dma_start3A_79] : memref<2560x128xi32, #tpu.memory_space<hbm>> -> memref<40x128xi32, #tpu.memory_space<hbm>>
      tpu.enqueue_dma source(%dma_start3A_80 : memref<40x128xi32, #tpu.memory_space<hbm>>) target(%arg7 : memref<40x128xi32, #tpu.memory_space<vmem>>) target_semaphore(%run_scoped3A : memref<!tpu.dma_semaphore, #tpu.memory_space<semaphore_mem>>)
      %dma_wait3A_81 = arith.constant 0 : i32
      %dma_wait3A_82 = tpu.memref_slice %arg3[%mul3A_2, %dma_wait3A_81] : memref<2560x128xi32, #tpu.memory_space<hbm>> -> memref<40x128xi32, #tpu.memory_space<hbm>>
      %dma_wait3A_83 = arith.constant 0 : i32
      %dma_wait3A_84 = tpu.memref_slice %arg3[%mul3A_2, %dma_wait3A_83] : memref<2560x128xi32, #tpu.memory_space<hbm>> -> memref<40x128xi32, #tpu.memory_space<hbm>>
      tpu.wait_dma2 semaphore(%run_scoped3A : memref<!tpu.dma_semaphore, #tpu.memory_space<semaphore_mem>>) src(%dma_wait3A_84 : memref<40x128xi32, #tpu.memory_space<hbm>>) dst(%arg7 : memref<40x128xi32, #tpu.memory_space<vmem>>)
      tpu.yield
    }) : () -> ()
    %mul3A_3 = arith.constant 80 : i32
    %mul3A_4 = arith.muli %add3A, %mul3A_3 : i32
    "tpu.region"() ({
      %run_scoped3A = tpu.sem_alloc : memref<!tpu.dma_semaphore, #tpu.memory_space<semaphore_mem>>
      %dma_start3A_77 = arith.constant 0 : i32
      %dma_start3A_78 = tpu.memref_slice %arg4[%mul3A_4, %dma_start3A_77] : memref<2560x128xi32, #tpu.memory_space<hbm>> -> memref<40x128xi32, #tpu.memory_space<hbm>>
      %dma_start3A_79 = arith.constant 0 : i32
      %dma_start3A_80 = tpu.memref_slice %arg4[%mul3A_4, %dma_start3A_79] : memref<2560x128xi32, #tpu.memory_space<hbm>> -> memref<40x128xi32, #tpu.memory_space<hbm>>
      tpu.enqueue_dma source(%dma_start3A_80 : memref<40x128xi32, #tpu.memory_space<hbm>>) target(%arg8 : memref<40x128xi32, #tpu.memory_space<vmem>>) target_semaphore(%run_scoped3A : memref<!tpu.dma_semaphore, #tpu.memory_space<semaphore_mem>>)
      %dma_wait3A_81 = arith.constant 0 : i32
      %dma_wait3A_82 = tpu.memref_slice %arg4[%mul3A_4, %dma_wait3A_81] : memref<2560x128xi32, #tpu.memory_space<hbm>> -> memref<40x128xi32, #tpu.memory_space<hbm>>
      %dma_wait3A_83 = arith.constant 0 : i32
      %dma_wait3A_84 = tpu.memref_slice %arg4[%mul3A_4, %dma_wait3A_83] : memref<2560x128xi32, #tpu.memory_space<hbm>> -> memref<40x128xi32, #tpu.memory_space<hbm>>
      tpu.wait_dma2 semaphore(%run_scoped3A : memref<!tpu.dma_semaphore, #tpu.memory_space<semaphore_mem>>) src(%dma_wait3A_84 : memref<40x128xi32, #tpu.memory_space<hbm>>) dst(%arg8 : memref<40x128xi32, #tpu.memory_space<vmem>>)
      tpu.yield
    }) : () -> ()
    %dma_start3A = arith.constant 0 : i32
    %dma_start3A_5 = arith.constant 0 : i32
    %dma_start3A_6 = tpu.memref_slice %arg7[%dma_start3A, %dma_start3A_5] : memref<40x128xi32, #tpu.memory_space<vmem>> -> memref<1x128xi32, #tpu.memory_space<vmem>>
    %dma_start3A_7 = tpu.memref_squeeze %dma_start3A_6 : memref<1x128xi32, #tpu.memory_space<vmem>> -> memref<128xi32, #tpu.memory_space<vmem>>
    %dma_start3A_8 = arith.constant 0 : i32
    %dma_start3A_9 = arith.constant 0 : i32
    %dma_start3A_10 = tpu.memref_slice %arg2[%dma_start3A_8, %dma_start3A_9] : memref<10240x128xf32, #tpu.memory_space<hbm>> -> memref<10240x128xf32, #tpu.memory_space<hbm>>
    tpu.enqueue_indirect_dma source(%dma_start3A_10 : memref<10240x128xf32, #tpu.memory_space<hbm>>) target(%arg9 : memref<128x128xf32, #tpu.memory_space<vmem>>) offsets(%dma_start3A_7 : memref<128xi32, #tpu.memory_space<vmem>>) semaphore(%arg12 : memref<!tpu.dma_semaphore, #tpu.memory_space<semaphore_mem>>)
    %dma_start3A_11 = arith.constant 1 : i32
    %dma_start3A_12 = arith.constant 0 : i32
    %dma_start3A_13 = tpu.memref_slice %arg7[%dma_start3A_11, %dma_start3A_12] : memref<40x128xi32, #tpu.memory_space<vmem>> -> memref<1x128xi32, #tpu.memory_space<vmem>>
    %dma_start3A_14 = tpu.memref_squeeze %dma_start3A_13 : memref<1x128xi32, #tpu.memory_space<vmem>> -> memref<128xi32, #tpu.memory_space<vmem>>
    %dma_start3A_15 = arith.constant 0 : i32
    %dma_start3A_16 = arith.constant 0 : i32
    %dma_start3A_17 = tpu.memref_slice %arg2[%dma_start3A_15, %dma_start3A_16] : memref<10240x128xf32, #tpu.memory_space<hbm>> -> memref<10240x128xf32, #tpu.memory_space<hbm>>
    tpu.enqueue_indirect_dma source(%dma_start3A_17 : memref<10240x128xf32, #tpu.memory_space<hbm>>) target(%arg10 : memref<128x128xf32, #tpu.memory_space<vmem>>) offsets(%dma_start3A_14 : memref<128xi32, #tpu.memory_space<vmem>>) semaphore(%arg13 : memref<!tpu.dma_semaphore, #tpu.memory_space<semaphore_mem>>)
    %mul3A_18 = arith.constant 640 : i32
    %mul3A_19 = arith.muli %arg1, %mul3A_18 : i32
    "tpu.region"() ({
      %run_scoped3A = tpu.sem_alloc : memref<!tpu.dma_semaphore, #tpu.memory_space<semaphore_mem>>
      %dma_start3A_77 = arith.constant 0 : i32
      %dma_start3A_78 = tpu.memref_slice %arg11[%mul3A_19, %dma_start3A_77] : memref<10240x128xf32, #tpu.memory_space<vmem_shared>> -> memref<640x128xf32, #tpu.memory_space<vmem_shared>>
      %dma_start3A_79 = arith.constant 0 : i32
      %dma_start3A_80 = tpu.memref_slice %arg5[%mul3A_19, %dma_start3A_79] : memref<10240x128xf32, #tpu.memory_space<hbm>> -> memref<640x128xf32, #tpu.memory_space<hbm>>
      tpu.enqueue_dma source(%dma_start3A_80 : memref<640x128xf32, #tpu.memory_space<hbm>>) target(%dma_start3A_78 : memref<640x128xf32, #tpu.memory_space<vmem_shared>>) target_semaphore(%run_scoped3A : memref<!tpu.dma_semaphore, #tpu.memory_space<semaphore_mem>>)
      %dma_wait3A_81 = arith.constant 0 : i32
      %dma_wait3A_82 = tpu.memref_slice %arg11[%mul3A_19, %dma_wait3A_81] : memref<10240x128xf32, #tpu.memory_space<vmem_shared>> -> memref<640x128xf32, #tpu.memory_space<vmem_shared>>
      %dma_wait3A_83 = arith.constant 0 : i32
      %dma_wait3A_84 = tpu.memref_slice %arg5[%mul3A_19, %dma_wait3A_83] : memref<10240x128xf32, #tpu.memory_space<hbm>> -> memref<640x128xf32, #tpu.memory_space<hbm>>
      tpu.wait_dma2 semaphore(%run_scoped3A : memref<!tpu.dma_semaphore, #tpu.memory_space<semaphore_mem>>) src(%dma_wait3A_84 : memref<640x128xf32, #tpu.memory_space<hbm>>) dst(%dma_wait3A_82 : memref<640x128xf32, #tpu.memory_space<vmem_shared>>)
      tpu.yield
    }) : () -> ()
    %barrier3A = arith.constant 0 : index
    tpu.barrier barrier_id(%barrier3A)
    %scan3A = arith.constant 0 : i32
    %scan3A_20 = arith.constant 0 : i32
    %scan3A_21 = arith.constant 20 : i32
    %scan3A_22 = arith.addi %scan3A_20, %scan3A_21 : i32
    %scan3A_23 = arith.constant 1 : i32
    scf.for %scan3A_77 = %scan3A_20 to %scan3A_22 step %scan3A_23  : i32 {
      %mul3A_78 = arith.constant 2 : i32
      %mul3A_79 = arith.muli %mul3A_78, %scan3A_77 : i32
      %dma_wait3A_80 = arith.constant 0 : i32
      %dma_wait3A_81 = tpu.memref_slice %arg7[%mul3A_79, %dma_wait3A_80] : memref<40x128xi32, #tpu.memory_space<vmem>> -> memref<1x128xi32, #tpu.memory_space<vmem>>
      %dma_wait3A_82 = tpu.memref_squeeze %dma_wait3A_81 : memref<1x128xi32, #tpu.memory_space<vmem>> -> memref<128xi32, #tpu.memory_space<vmem>>
      %dma_wait3A_83 = arith.constant 0 : i32
      %dma_wait3A_84 = arith.constant 0 : i32
      %dma_wait3A_85 = tpu.memref_slice %arg2[%dma_wait3A_83, %dma_wait3A_84] : memref<10240x128xf32, #tpu.memory_space<hbm>> -> memref<10240x128xf32, #tpu.memory_space<hbm>>
      tpu.wait_indirect_dma semaphore(%arg12 : memref<!tpu.dma_semaphore, #tpu.memory_space<semaphore_mem>>) src(%dma_wait3A_85 : memref<10240x128xf32, #tpu.memory_space<hbm>>) dst(%arg9 : memref<128x128xf32, #tpu.memory_space<vmem>>)
      %dma_start3A_86 = arith.constant 0 : i32
      %dma_start3A_87 = tpu.memref_slice %arg8[%mul3A_79, %dma_start3A_86] : memref<40x128xi32, #tpu.memory_space<vmem>> -> memref<1x128xi32, #tpu.memory_space<vmem>>
      %dma_start3A_88 = tpu.memref_squeeze %dma_start3A_87 : memref<1x128xi32, #tpu.memory_space<vmem>> -> memref<128xi32, #tpu.memory_space<vmem>>
      %dma_start3A_89 = arith.constant 0 : i32
      %dma_start3A_90 = arith.constant 0 : i32
      %dma_start3A_91 = tpu.memref_slice %arg11[%dma_start3A_89, %dma_start3A_90] : memref<10240x128xf32, #tpu.memory_space<vmem_shared>> -> memref<10240x128xf32, #tpu.memory_space<vmem_shared>>
      tpu.enqueue_indirect_dma source(%arg9 : memref<128x128xf32, #tpu.memory_space<vmem>>) target(%dma_start3A_91 : memref<10240x128xf32, #tpu.memory_space<vmem_shared>>) offsets(%dma_start3A_88 : memref<128xi32, #tpu.memory_space<vmem>>) semaphore(%arg14 : memref<!tpu.dma_semaphore, #tpu.memory_space<semaphore_mem>>) {add = true}
      %add3A_92 = arith.constant 1 : i32
      %add3A_93 = arith.addi %mul3A_79, %add3A_92 : i32
      %dma_wait3A_94 = arith.constant 0 : i32
      %dma_wait3A_95 = tpu.memref_slice %arg7[%add3A_93, %dma_wait3A_94] : memref<40x128xi32, #tpu.memory_space<vmem>> -> memref<1x128xi32, #tpu.memory_space<vmem>>
      %dma_wait3A_96 = tpu.memref_squeeze %dma_wait3A_95 : memref<1x128xi32, #tpu.memory_space<vmem>> -> memref<128xi32, #tpu.memory_space<vmem>>
      %dma_wait3A_97 = arith.constant 0 : i32
      %dma_wait3A_98 = arith.constant 0 : i32
      %dma_wait3A_99 = tpu.memref_slice %arg2[%dma_wait3A_97, %dma_wait3A_98] : memref<10240x128xf32, #tpu.memory_space<hbm>> -> memref<10240x128xf32, #tpu.memory_space<hbm>>
      tpu.wait_indirect_dma semaphore(%arg13 : memref<!tpu.dma_semaphore, #tpu.memory_space<semaphore_mem>>) src(%dma_wait3A_99 : memref<10240x128xf32, #tpu.memory_space<hbm>>) dst(%arg10 : memref<128x128xf32, #tpu.memory_space<vmem>>)
      %add3A_100 = arith.constant 1 : i32
      %add3A_101 = arith.addi %mul3A_79, %add3A_100 : i32
      %dma_start3A_102 = arith.constant 0 : i32
      %dma_start3A_103 = tpu.memref_slice %arg8[%add3A_101, %dma_start3A_102] : memref<40x128xi32, #tpu.memory_space<vmem>> -> memref<1x128xi32, #tpu.memory_space<vmem>>
      %dma_start3A_104 = tpu.memref_squeeze %dma_start3A_103 : memref<1x128xi32, #tpu.memory_space<vmem>> -> memref<128xi32, #tpu.memory_space<vmem>>
      %dma_start3A_105 = arith.constant 0 : i32
      %dma_start3A_106 = arith.constant 0 : i32
      %dma_start3A_107 = tpu.memref_slice %arg11[%dma_start3A_105, %dma_start3A_106] : memref<10240x128xf32, #tpu.memory_space<vmem_shared>> -> memref<10240x128xf32, #tpu.memory_space<vmem_shared>>
      tpu.enqueue_indirect_dma source(%arg10 : memref<128x128xf32, #tpu.memory_space<vmem>>) target(%dma_start3A_107 : memref<10240x128xf32, #tpu.memory_space<vmem_shared>>) offsets(%dma_start3A_104 : memref<128xi32, #tpu.memory_space<vmem>>) semaphore(%arg15 : memref<!tpu.dma_semaphore, #tpu.memory_space<semaphore_mem>>) {add = true}
      %lt3A = arith.constant 19 : i32
      %lt3A_108 = arith.cmpi slt, %scan3A_77, %lt3A : i32
      %convert_element_type3A = arith.extui %lt3A_108 : i1 to i32
      %cond3A = arith.constant 0 : i32
      %cond3A_109 = arith.cmpi ne, %convert_element_type3A, %cond3A : i32
      scf.if %cond3A_109 {
        %dma_wait3A_110 = arith.constant 0 : i32
        %dma_wait3A_111 = arith.constant 0 : i32
        %dma_wait3A_112 = tpu.memref_slice %arg8[%dma_wait3A_110, %dma_wait3A_111] : memref<40x128xi32, #tpu.memory_space<vmem>> -> memref<1x128xi32, #tpu.memory_space<vmem>>
        %dma_wait3A_113 = tpu.memref_squeeze %dma_wait3A_112 : memref<1x128xi32, #tpu.memory_space<vmem>> -> memref<128xi32, #tpu.memory_space<vmem>>
        %dma_wait3A_114 = arith.constant 0 : i32
        %dma_wait3A_115 = arith.constant 0 : i32
        %dma_wait3A_116 = tpu.memref_slice %arg11[%dma_wait3A_114, %dma_wait3A_115] : memref<10240x128xf32, #tpu.memory_space<vmem_shared>> -> memref<10240x128xf32, #tpu.memory_space<vmem_shared>>
        tpu.wait_indirect_dma semaphore(%arg14 : memref<!tpu.dma_semaphore, #tpu.memory_space<semaphore_mem>>) src(%arg9 : memref<128x128xf32, #tpu.memory_space<vmem>>) dst(%dma_wait3A_116 : memref<10240x128xf32, #tpu.memory_space<vmem_shared>>)
        %add3A_117 = arith.constant 2 : i32
        %add3A_118 = arith.addi %mul3A_79, %add3A_117 : i32
        %dma_start3A_119 = arith.constant 0 : i32
        %dma_start3A_120 = tpu.memref_slice %arg7[%add3A_118, %dma_start3A_119] : memref<40x128xi32, #tpu.memory_space<vmem>> -> memref<1x128xi32, #tpu.memory_space<vmem>>
        %dma_start3A_121 = tpu.memref_squeeze %dma_start3A_120 : memref<1x128xi32, #tpu.memory_space<vmem>> -> memref<128xi32, #tpu.memory_space<vmem>>
        %dma_start3A_122 = arith.constant 0 : i32
        %dma_start3A_123 = arith.constant 0 : i32
        %dma_start3A_124 = tpu.memref_slice %arg2[%dma_start3A_122, %dma_start3A_123] : memref<10240x128xf32, #tpu.memory_space<hbm>> -> memref<10240x128xf32, #tpu.memory_space<hbm>>
        tpu.enqueue_indirect_dma source(%dma_start3A_124 : memref<10240x128xf32, #tpu.memory_space<hbm>>) target(%arg9 : memref<128x128xf32, #tpu.memory_space<vmem>>) offsets(%dma_start3A_121 : memref<128xi32, #tpu.memory_space<vmem>>) semaphore(%arg12 : memref<!tpu.dma_semaphore, #tpu.memory_space<semaphore_mem>>)
        %dma_wait3A_125 = arith.constant 0 : i32
        %dma_wait3A_126 = arith.constant 0 : i32
        %dma_wait3A_127 = tpu.memref_slice %arg8[%dma_wait3A_125, %dma_wait3A_126] : memref<40x128xi32, #tpu.memory_space<vmem>> -> memref<1x128xi32, #tpu.memory_space<vmem>>
        %dma_wait3A_128 = tpu.memref_squeeze %dma_wait3A_127 : memref<1x128xi32, #tpu.memory_space<vmem>> -> memref<128xi32, #tpu.memory_space<vmem>>
        %dma_wait3A_129 = arith.constant 0 : i32
        %dma_wait3A_130 = arith.constant 0 : i32
        %dma_wait3A_131 = tpu.memref_slice %arg11[%dma_wait3A_129, %dma_wait3A_130] : memref<10240x128xf32, #tpu.memory_space<vmem_shared>> -> memref<10240x128xf32, #tpu.memory_space<vmem_shared>>
        tpu.wait_indirect_dma semaphore(%arg15 : memref<!tpu.dma_semaphore, #tpu.memory_space<semaphore_mem>>) src(%arg10 : memref<128x128xf32, #tpu.memory_space<vmem>>) dst(%dma_wait3A_131 : memref<10240x128xf32, #tpu.memory_space<vmem_shared>>)
        %add3A_132 = arith.constant 3 : i32
        %add3A_133 = arith.addi %mul3A_79, %add3A_132 : i32
        %dma_start3A_134 = arith.constant 0 : i32
        %dma_start3A_135 = tpu.memref_slice %arg7[%add3A_133, %dma_start3A_134] : memref<40x128xi32, #tpu.memory_space<vmem>> -> memref<1x128xi32, #tpu.memory_space<vmem>>
        %dma_start3A_136 = tpu.memref_squeeze %dma_start3A_135 : memref<1x128xi32, #tpu.memory_space<vmem>> -> memref<128xi32, #tpu.memory_space<vmem>>
        %dma_start3A_137 = arith.constant 0 : i32
        %dma_start3A_138 = arith.constant 0 : i32
        %dma_start3A_139 = tpu.memref_slice %arg2[%dma_start3A_137, %dma_start3A_138] : memref<10240x128xf32, #tpu.memory_space<hbm>> -> memref<10240x128xf32, #tpu.memory_space<hbm>>
        tpu.enqueue_indirect_dma source(%dma_start3A_139 : memref<10240x128xf32, #tpu.memory_space<hbm>>) target(%arg10 : memref<128x128xf32, #tpu.memory_space<vmem>>) offsets(%dma_start3A_136 : memref<128xi32, #tpu.memory_space<vmem>>) semaphore(%arg13 : memref<!tpu.dma_semaphore, #tpu.memory_space<semaphore_mem>>)
      } else {
      }
    }
    %scan3A_24 = arith.constant 20 : i32
    %dma_wait3A = arith.constant 0 : i32
    %dma_wait3A_25 = arith.constant 0 : i32
    %dma_wait3A_26 = tpu.memref_slice %arg8[%dma_wait3A, %dma_wait3A_25] : memref<40x128xi32, #tpu.memory_space<vmem>> -> memref<1x128xi32, #tpu.memory_space<vmem>>
    %dma_wait3A_27 = tpu.memref_squeeze %dma_wait3A_26 : memref<1x128xi32, #tpu.memory_space<vmem>> -> memref<128xi32, #tpu.memory_space<vmem>>
    %dma_wait3A_28 = arith.constant 0 : i32
    %dma_wait3A_29 = arith.constant 0 : i32
    %dma_wait3A_30 = tpu.memref_slice %arg11[%dma_wait3A_28, %dma_wait3A_29] : memref<10240x128xf32, #tpu.memory_space<vmem_shared>> -> memref<10240x128xf32, #tpu.memory_space<vmem_shared>>
    tpu.wait_indirect_dma semaphore(%arg14 : memref<!tpu.dma_semaphore, #tpu.memory_space<semaphore_mem>>) src(%arg9 : memref<128x128xf32, #tpu.memory_space<vmem>>) dst(%dma_wait3A_30 : memref<10240x128xf32, #tpu.memory_space<vmem_shared>>)
    %dma_wait3A_31 = arith.constant 0 : i32
    %dma_wait3A_32 = arith.constant 0 : i32
    %dma_wait3A_33 = tpu.memref_slice %arg8[%dma_wait3A_31, %dma_wait3A_32] : memref<40x128xi32, #tpu.memory_space<vmem>> -> memref<1x128xi32, #tpu.memory_space<vmem>>
    %dma_wait3A_34 = tpu.memref_squeeze %dma_wait3A_33 : memref<1x128xi32, #tpu.memory_space<vmem>> -> memref<128xi32, #tpu.memory_space<vmem>>
    %dma_wait3A_35 = arith.constant 0 : i32
    %dma_wait3A_36 = arith.constant 0 : i32
    %dma_wait3A_37 = tpu.memref_slice %arg11[%dma_wait3A_35, %dma_wait3A_36] : memref<10240x128xf32, #tpu.memory_space<vmem_shared>> -> memref<10240x128xf32, #tpu.memory_space<vmem_shared>>
    tpu.wait_indirect_dma semaphore(%arg15 : memref<!tpu.dma_semaphore, #tpu.memory_space<semaphore_mem>>) src(%arg10 : memref<128x128xf32, #tpu.memory_space<vmem>>) dst(%dma_wait3A_37 : memref<10240x128xf32, #tpu.memory_space<vmem_shared>>)
    %mul3A_38 = arith.constant 80 : i32
    %mul3A_39 = arith.muli %add3A, %mul3A_38 : i32
    %add3A_40 = arith.constant 40 : i32
    %add3A_41 = arith.addi %mul3A_39, %add3A_40 : i32
    "tpu.region"() ({
      %run_scoped3A = tpu.sem_alloc : memref<!tpu.dma_semaphore, #tpu.memory_space<semaphore_mem>>
      %dma_start3A_77 = arith.constant 0 : i32
      %dma_start3A_78 = tpu.memref_slice %arg3[%add3A_41, %dma_start3A_77] : memref<2560x128xi32, #tpu.memory_space<hbm>> -> memref<40x128xi32, #tpu.memory_space<hbm>>
      %dma_start3A_79 = arith.constant 0 : i32
      %dma_start3A_80 = tpu.memref_slice %arg3[%add3A_41, %dma_start3A_79] : memref<2560x128xi32, #tpu.memory_space<hbm>> -> memref<40x128xi32, #tpu.memory_space<hbm>>
      tpu.enqueue_dma source(%dma_start3A_80 : memref<40x128xi32, #tpu.memory_space<hbm>>) target(%arg7 : memref<40x128xi32, #tpu.memory_space<vmem>>) target_semaphore(%run_scoped3A : memref<!tpu.dma_semaphore, #tpu.memory_space<semaphore_mem>>)
      %dma_wait3A_81 = arith.constant 0 : i32
      %dma_wait3A_82 = tpu.memref_slice %arg3[%add3A_41, %dma_wait3A_81] : memref<2560x128xi32, #tpu.memory_space<hbm>> -> memref<40x128xi32, #tpu.memory_space<hbm>>
      %dma_wait3A_83 = arith.constant 0 : i32
      %dma_wait3A_84 = tpu.memref_slice %arg3[%add3A_41, %dma_wait3A_83] : memref<2560x128xi32, #tpu.memory_space<hbm>> -> memref<40x128xi32, #tpu.memory_space<hbm>>
      tpu.wait_dma2 semaphore(%run_scoped3A : memref<!tpu.dma_semaphore, #tpu.memory_space<semaphore_mem>>) src(%dma_wait3A_84 : memref<40x128xi32, #tpu.memory_space<hbm>>) dst(%arg7 : memref<40x128xi32, #tpu.memory_space<vmem>>)
      tpu.yield
    }) : () -> ()
    "tpu.region"() ({
      %run_scoped3A = tpu.sem_alloc : memref<!tpu.dma_semaphore, #tpu.memory_space<semaphore_mem>>
      %dma_start3A_77 = arith.constant 0 : i32
      %dma_start3A_78 = tpu.memref_slice %arg4[%add3A_41, %dma_start3A_77] : memref<2560x128xi32, #tpu.memory_space<hbm>> -> memref<40x128xi32, #tpu.memory_space<hbm>>
      %dma_start3A_79 = arith.constant 0 : i32
      %dma_start3A_80 = tpu.memref_slice %arg4[%add3A_41, %dma_start3A_79] : memref<2560x128xi32, #tpu.memory_space<hbm>> -> memref<40x128xi32, #tpu.memory_space<hbm>>
      tpu.enqueue_dma source(%dma_start3A_80 : memref<40x128xi32, #tpu.memory_space<hbm>>) target(%arg8 : memref<40x128xi32, #tpu.memory_space<vmem>>) target_semaphore(%run_scoped3A : memref<!tpu.dma_semaphore, #tpu.memory_space<semaphore_mem>>)
      %dma_wait3A_81 = arith.constant 0 : i32
      %dma_wait3A_82 = tpu.memref_slice %arg4[%add3A_41, %dma_wait3A_81] : memref<2560x128xi32, #tpu.memory_space<hbm>> -> memref<40x128xi32, #tpu.memory_space<hbm>>
      %dma_wait3A_83 = arith.constant 0 : i32
      %dma_wait3A_84 = tpu.memref_slice %arg4[%add3A_41, %dma_wait3A_83] : memref<2560x128xi32, #tpu.memory_space<hbm>> -> memref<40x128xi32, #tpu.memory_space<hbm>>
      tpu.wait_dma2 semaphore(%run_scoped3A : memref<!tpu.dma_semaphore, #tpu.memory_space<semaphore_mem>>) src(%dma_wait3A_84 : memref<40x128xi32, #tpu.memory_space<hbm>>) dst(%arg8 : memref<40x128xi32, #tpu.memory_space<vmem>>)
      tpu.yield
    }) : () -> ()
    %dma_start3A_42 = arith.constant 0 : i32
    %dma_start3A_43 = arith.constant 0 : i32
    %dma_start3A_44 = tpu.memref_slice %arg7[%dma_start3A_42, %dma_start3A_43] : memref<40x128xi32, #tpu.memory_space<vmem>> -> memref<1x128xi32, #tpu.memory_space<vmem>>
    %dma_start3A_45 = tpu.memref_squeeze %dma_start3A_44 : memref<1x128xi32, #tpu.memory_space<vmem>> -> memref<128xi32, #tpu.memory_space<vmem>>
    %dma_start3A_46 = arith.constant 0 : i32
    %dma_start3A_47 = arith.constant 0 : i32
    %dma_start3A_48 = tpu.memref_slice %arg2[%dma_start3A_46, %dma_start3A_47] : memref<10240x128xf32, #tpu.memory_space<hbm>> -> memref<10240x128xf32, #tpu.memory_space<hbm>>
    tpu.enqueue_indirect_dma source(%dma_start3A_48 : memref<10240x128xf32, #tpu.memory_space<hbm>>) target(%arg9 : memref<128x128xf32, #tpu.memory_space<vmem>>) offsets(%dma_start3A_45 : memref<128xi32, #tpu.memory_space<vmem>>) semaphore(%arg12 : memref<!tpu.dma_semaphore, #tpu.memory_space<semaphore_mem>>)
    %dma_start3A_49 = arith.constant 1 : i32
    %dma_start3A_50 = arith.constant 0 : i32
    %dma_start3A_51 = tpu.memref_slice %arg7[%dma_start3A_49, %dma_start3A_50] : memref<40x128xi32, #tpu.memory_space<vmem>> -> memref<1x128xi32, #tpu.memory_space<vmem>>
    %dma_start3A_52 = tpu.memref_squeeze %dma_start3A_51 : memref<1x128xi32, #tpu.memory_space<vmem>> -> memref<128xi32, #tpu.memory_space<vmem>>
    %dma_start3A_53 = arith.constant 0 : i32
    %dma_start3A_54 = arith.constant 0 : i32
    %dma_start3A_55 = tpu.memref_slice %arg2[%dma_start3A_53, %dma_start3A_54] : memref<10240x128xf32, #tpu.memory_space<hbm>> -> memref<10240x128xf32, #tpu.memory_space<hbm>>
    tpu.enqueue_indirect_dma source(%dma_start3A_55 : memref<10240x128xf32, #tpu.memory_space<hbm>>) target(%arg10 : memref<128x128xf32, #tpu.memory_space<vmem>>) offsets(%dma_start3A_52 : memref<128xi32, #tpu.memory_space<vmem>>) semaphore(%arg13 : memref<!tpu.dma_semaphore, #tpu.memory_space<semaphore_mem>>)
    %scan3A_56 = arith.constant 0 : i32
    %scan3A_57 = arith.constant 0 : i32
    %scan3A_58 = arith.constant 20 : i32
    %scan3A_59 = arith.addi %scan3A_57, %scan3A_58 : i32
    %scan3A_60 = arith.constant 1 : i32
    scf.for %scan3A_77 = %scan3A_57 to %scan3A_59 step %scan3A_60  : i32 {
      %mul3A_78 = arith.constant 2 : i32
      %mul3A_79 = arith.muli %mul3A_78, %scan3A_77 : i32
      %dma_wait3A_80 = arith.constant 0 : i32
      %dma_wait3A_81 = tpu.memref_slice %arg7[%mul3A_79, %dma_wait3A_80] : memref<40x128xi32, #tpu.memory_space<vmem>> -> memref<1x128xi32, #tpu.memory_space<vmem>>
      %dma_wait3A_82 = tpu.memref_squeeze %dma_wait3A_81 : memref<1x128xi32, #tpu.memory_space<vmem>> -> memref<128xi32, #tpu.memory_space<vmem>>
      %dma_wait3A_83 = arith.constant 0 : i32
      %dma_wait3A_84 = arith.constant 0 : i32
      %dma_wait3A_85 = tpu.memref_slice %arg2[%dma_wait3A_83, %dma_wait3A_84] : memref<10240x128xf32, #tpu.memory_space<hbm>> -> memref<10240x128xf32, #tpu.memory_space<hbm>>
      tpu.wait_indirect_dma semaphore(%arg12 : memref<!tpu.dma_semaphore, #tpu.memory_space<semaphore_mem>>) src(%dma_wait3A_85 : memref<10240x128xf32, #tpu.memory_space<hbm>>) dst(%arg9 : memref<128x128xf32, #tpu.memory_space<vmem>>)
      %dma_start3A_86 = arith.constant 0 : i32
      %dma_start3A_87 = tpu.memref_slice %arg8[%mul3A_79, %dma_start3A_86] : memref<40x128xi32, #tpu.memory_space<vmem>> -> memref<1x128xi32, #tpu.memory_space<vmem>>
      %dma_start3A_88 = tpu.memref_squeeze %dma_start3A_87 : memref<1x128xi32, #tpu.memory_space<vmem>> -> memref<128xi32, #tpu.memory_space<vmem>>
      %dma_start3A_89 = arith.constant 0 : i32
      %dma_start3A_90 = arith.constant 0 : i32
      %dma_start3A_91 = tpu.memref_slice %arg11[%dma_start3A_89, %dma_start3A_90] : memref<10240x128xf32, #tpu.memory_space<vmem_shared>> -> memref<10240x128xf32, #tpu.memory_space<vmem_shared>>
      tpu.enqueue_indirect_dma source(%arg9 : memref<128x128xf32, #tpu.memory_space<vmem>>) target(%dma_start3A_91 : memref<10240x128xf32, #tpu.memory_space<vmem_shared>>) offsets(%dma_start3A_88 : memref<128xi32, #tpu.memory_space<vmem>>) semaphore(%arg14 : memref<!tpu.dma_semaphore, #tpu.memory_space<semaphore_mem>>) {add = true}
      %add3A_92 = arith.constant 1 : i32
      %add3A_93 = arith.addi %mul3A_79, %add3A_92 : i32
      %dma_wait3A_94 = arith.constant 0 : i32
      %dma_wait3A_95 = tpu.memref_slice %arg7[%add3A_93, %dma_wait3A_94] : memref<40x128xi32, #tpu.memory_space<vmem>> -> memref<1x128xi32, #tpu.memory_space<vmem>>
      %dma_wait3A_96 = tpu.memref_squeeze %dma_wait3A_95 : memref<1x128xi32, #tpu.memory_space<vmem>> -> memref<128xi32, #tpu.memory_space<vmem>>
      %dma_wait3A_97 = arith.constant 0 : i32
      %dma_wait3A_98 = arith.constant 0 : i32
      %dma_wait3A_99 = tpu.memref_slice %arg2[%dma_wait3A_97, %dma_wait3A_98] : memref<10240x128xf32, #tpu.memory_space<hbm>> -> memref<10240x128xf32, #tpu.memory_space<hbm>>
      tpu.wait_indirect_dma semaphore(%arg13 : memref<!tpu.dma_semaphore, #tpu.memory_space<semaphore_mem>>) src(%dma_wait3A_99 : memref<10240x128xf32, #tpu.memory_space<hbm>>) dst(%arg10 : memref<128x128xf32, #tpu.memory_space<vmem>>)
      %add3A_100 = arith.constant 1 : i32
      %add3A_101 = arith.addi %mul3A_79, %add3A_100 : i32
      %dma_start3A_102 = arith.constant 0 : i32
      %dma_start3A_103 = tpu.memref_slice %arg8[%add3A_101, %dma_start3A_102] : memref<40x128xi32, #tpu.memory_space<vmem>> -> memref<1x128xi32, #tpu.memory_space<vmem>>
      %dma_start3A_104 = tpu.memref_squeeze %dma_start3A_103 : memref<1x128xi32, #tpu.memory_space<vmem>> -> memref<128xi32, #tpu.memory_space<vmem>>
      %dma_start3A_105 = arith.constant 0 : i32
      %dma_start3A_106 = arith.constant 0 : i32
      %dma_start3A_107 = tpu.memref_slice %arg11[%dma_start3A_105, %dma_start3A_106] : memref<10240x128xf32, #tpu.memory_space<vmem_shared>> -> memref<10240x128xf32, #tpu.memory_space<vmem_shared>>
      tpu.enqueue_indirect_dma source(%arg10 : memref<128x128xf32, #tpu.memory_space<vmem>>) target(%dma_start3A_107 : memref<10240x128xf32, #tpu.memory_space<vmem_shared>>) offsets(%dma_start3A_104 : memref<128xi32, #tpu.memory_space<vmem>>) semaphore(%arg15 : memref<!tpu.dma_semaphore, #tpu.memory_space<semaphore_mem>>) {add = true}
      %lt3A = arith.constant 19 : i32
      %lt3A_108 = arith.cmpi slt, %scan3A_77, %lt3A : i32
      %convert_element_type3A = arith.extui %lt3A_108 : i1 to i32
      %cond3A = arith.constant 0 : i32
      %cond3A_109 = arith.cmpi ne, %convert_element_type3A, %cond3A : i32
      scf.if %cond3A_109 {
        %dma_wait3A_110 = arith.constant 0 : i32
        %dma_wait3A_111 = arith.constant 0 : i32
        %dma_wait3A_112 = tpu.memref_slice %arg8[%dma_wait3A_110, %dma_wait3A_111] : memref<40x128xi32, #tpu.memory_space<vmem>> -> memref<1x128xi32, #tpu.memory_space<vmem>>
        %dma_wait3A_113 = tpu.memref_squeeze %dma_wait3A_112 : memref<1x128xi32, #tpu.memory_space<vmem>> -> memref<128xi32, #tpu.memory_space<vmem>>
        %dma_wait3A_114 = arith.constant 0 : i32
        %dma_wait3A_115 = arith.constant 0 : i32
        %dma_wait3A_116 = tpu.memref_slice %arg11[%dma_wait3A_114, %dma_wait3A_115] : memref<10240x128xf32, #tpu.memory_space<vmem_shared>> -> memref<10240x128xf32, #tpu.memory_space<vmem_shared>>
        tpu.wait_indirect_dma semaphore(%arg14 : memref<!tpu.dma_semaphore, #tpu.memory_space<semaphore_mem>>) src(%arg9 : memref<128x128xf32, #tpu.memory_space<vmem>>) dst(%dma_wait3A_116 : memref<10240x128xf32, #tpu.memory_space<vmem_shared>>)
        %add3A_117 = arith.constant 2 : i32
        %add3A_118 = arith.addi %mul3A_79, %add3A_117 : i32
        %dma_start3A_119 = arith.constant 0 : i32
        %dma_start3A_120 = tpu.memref_slice %arg7[%add3A_118, %dma_start3A_119] : memref<40x128xi32, #tpu.memory_space<vmem>> -> memref<1x128xi32, #tpu.memory_space<vmem>>
        %dma_start3A_121 = tpu.memref_squeeze %dma_start3A_120 : memref<1x128xi32, #tpu.memory_space<vmem>> -> memref<128xi32, #tpu.memory_space<vmem>>
        %dma_start3A_122 = arith.constant 0 : i32
        %dma_start3A_123 = arith.constant 0 : i32
        %dma_start3A_124 = tpu.memref_slice %arg2[%dma_start3A_122, %dma_start3A_123] : memref<10240x128xf32, #tpu.memory_space<hbm>> -> memref<10240x128xf32, #tpu.memory_space<hbm>>
        tpu.enqueue_indirect_dma source(%dma_start3A_124 : memref<10240x128xf32, #tpu.memory_space<hbm>>) target(%arg9 : memref<128x128xf32, #tpu.memory_space<vmem>>) offsets(%dma_start3A_121 : memref<128xi32, #tpu.memory_space<vmem>>) semaphore(%arg12 : memref<!tpu.dma_semaphore, #tpu.memory_space<semaphore_mem>>)
        %dma_wait3A_125 = arith.constant 0 : i32
        %dma_wait3A_126 = arith.constant 0 : i32
        %dma_wait3A_127 = tpu.memref_slice %arg8[%dma_wait3A_125, %dma_wait3A_126] : memref<40x128xi32, #tpu.memory_space<vmem>> -> memref<1x128xi32, #tpu.memory_space<vmem>>
        %dma_wait3A_128 = tpu.memref_squeeze %dma_wait3A_127 : memref<1x128xi32, #tpu.memory_space<vmem>> -> memref<128xi32, #tpu.memory_space<vmem>>
        %dma_wait3A_129 = arith.constant 0 : i32
        %dma_wait3A_130 = arith.constant 0 : i32
        %dma_wait3A_131 = tpu.memref_slice %arg11[%dma_wait3A_129, %dma_wait3A_130] : memref<10240x128xf32, #tpu.memory_space<vmem_shared>> -> memref<10240x128xf32, #tpu.memory_space<vmem_shared>>
        tpu.wait_indirect_dma semaphore(%arg15 : memref<!tpu.dma_semaphore, #tpu.memory_space<semaphore_mem>>) src(%arg10 : memref<128x128xf32, #tpu.memory_space<vmem>>) dst(%dma_wait3A_131 : memref<10240x128xf32, #tpu.memory_space<vmem_shared>>)
        %add3A_132 = arith.constant 3 : i32
        %add3A_133 = arith.addi %mul3A_79, %add3A_132 : i32
        %dma_start3A_134 = arith.constant 0 : i32
        %dma_start3A_135 = tpu.memref_slice %arg7[%add3A_133, %dma_start3A_134] : memref<40x128xi32, #tpu.memory_space<vmem>> -> memref<1x128xi32, #tpu.memory_space<vmem>>
        %dma_start3A_136 = tpu.memref_squeeze %dma_start3A_135 : memref<1x128xi32, #tpu.memory_space<vmem>> -> memref<128xi32, #tpu.memory_space<vmem>>
        %dma_start3A_137 = arith.constant 0 : i32
        %dma_start3A_138 = arith.constant 0 : i32
        %dma_start3A_139 = tpu.memref_slice %arg2[%dma_start3A_137, %dma_start3A_138] : memref<10240x128xf32, #tpu.memory_space<hbm>> -> memref<10240x128xf32, #tpu.memory_space<hbm>>
        tpu.enqueue_indirect_dma source(%dma_start3A_139 : memref<10240x128xf32, #tpu.memory_space<hbm>>) target(%arg10 : memref<128x128xf32, #tpu.memory_space<vmem>>) offsets(%dma_start3A_136 : memref<128xi32, #tpu.memory_space<vmem>>) semaphore(%arg13 : memref<!tpu.dma_semaphore, #tpu.memory_space<semaphore_mem>>)
      } else {
      }
    }
    %scan3A_61 = arith.constant 20 : i32
    %dma_wait3A_62 = arith.constant 0 : i32
    %dma_wait3A_63 = arith.constant 0 : i32
    %dma_wait3A_64 = tpu.memref_slice %arg8[%dma_wait3A_62, %dma_wait3A_63] : memref<40x128xi32, #tpu.memory_space<vmem>> -> memref<1x128xi32, #tpu.memory_space<vmem>>
    %dma_wait3A_65 = tpu.memref_squeeze %dma_wait3A_64 : memref<1x128xi32, #tpu.memory_space<vmem>> -> memref<128xi32, #tpu.memory_space<vmem>>
    %dma_wait3A_66 = arith.constant 0 : i32
    %dma_wait3A_67 = arith.constant 0 : i32
    %dma_wait3A_68 = tpu.memref_slice %arg11[%dma_wait3A_66, %dma_wait3A_67] : memref<10240x128xf32, #tpu.memory_space<vmem_shared>> -> memref<10240x128xf32, #tpu.memory_space<vmem_shared>>
    tpu.wait_indirect_dma semaphore(%arg14 : memref<!tpu.dma_semaphore, #tpu.memory_space<semaphore_mem>>) src(%arg9 : memref<128x128xf32, #tpu.memory_space<vmem>>) dst(%dma_wait3A_68 : memref<10240x128xf32, #tpu.memory_space<vmem_shared>>)
    %dma_wait3A_69 = arith.constant 0 : i32
    %dma_wait3A_70 = arith.constant 0 : i32
    %dma_wait3A_71 = tpu.memref_slice %arg8[%dma_wait3A_69, %dma_wait3A_70] : memref<40x128xi32, #tpu.memory_space<vmem>> -> memref<1x128xi32, #tpu.memory_space<vmem>>
    %dma_wait3A_72 = tpu.memref_squeeze %dma_wait3A_71 : memref<1x128xi32, #tpu.memory_space<vmem>> -> memref<128xi32, #tpu.memory_space<vmem>>
    %dma_wait3A_73 = arith.constant 0 : i32
    %dma_wait3A_74 = arith.constant 0 : i32
    %dma_wait3A_75 = tpu.memref_slice %arg11[%dma_wait3A_73, %dma_wait3A_74] : memref<10240x128xf32, #tpu.memory_space<vmem_shared>> -> memref<10240x128xf32, #tpu.memory_space<vmem_shared>>
    tpu.wait_indirect_dma semaphore(%arg15 : memref<!tpu.dma_semaphore, #tpu.memory_space<semaphore_mem>>) src(%arg10 : memref<128x128xf32, #tpu.memory_space<vmem>>) dst(%dma_wait3A_75 : memref<10240x128xf32, #tpu.memory_space<vmem_shared>>)
    %barrier3A_76 = arith.constant 0 : index
    tpu.barrier barrier_id(%barrier3A_76)
    "tpu.region"() ({
      %run_scoped3A = tpu.sem_alloc : memref<!tpu.dma_semaphore, #tpu.memory_space<semaphore_mem>>
      %dma_start3A_77 = arith.constant 0 : i32
      %dma_start3A_78 = tpu.memref_slice %arg6[%arg0, %mul3A_19, %dma_start3A_77] : memref<2x10240x128xf32, #tpu.memory_space<hbm>> -> memref<1x640x128xf32, #tpu.memory_space<hbm>>
      %dma_start3A_79 = tpu.memref_squeeze %dma_start3A_78 : memref<1x640x128xf32, #tpu.memory_space<hbm>> -> memref<640x128xf32, #tpu.memory_space<hbm>>
      %dma_start3A_80 = arith.constant 0 : i32
      %dma_start3A_81 = tpu.memref_slice %arg11[%mul3A_19, %dma_start3A_80] : memref<10240x128xf32, #tpu.memory_space<vmem_shared>> -> memref<640x128xf32, #tpu.memory_space<vmem_shared>>
      tpu.enqueue_dma source(%dma_start3A_81 : memref<640x128xf32, #tpu.memory_space<vmem_shared>>) target(%dma_start3A_79 : memref<640x128xf32, #tpu.memory_space<hbm>>) target_semaphore(%run_scoped3A : memref<!tpu.dma_semaphore, #tpu.memory_space<semaphore_mem>>)
      %dma_wait3A_82 = arith.constant 0 : i32
      %dma_wait3A_83 = tpu.memref_slice %arg6[%arg0, %mul3A_19, %dma_wait3A_82] : memref<2x10240x128xf32, #tpu.memory_space<hbm>> -> memref<1x640x128xf32, #tpu.memory_space<hbm>>
      %dma_wait3A_84 = tpu.memref_squeeze %dma_wait3A_83 : memref<1x640x128xf32, #tpu.memory_space<hbm>> -> memref<640x128xf32, #tpu.memory_space<hbm>>
      %dma_wait3A_85 = arith.constant 0 : i32
      %dma_wait3A_86 = tpu.memref_slice %arg11[%mul3A_19, %dma_wait3A_85] : memref<10240x128xf32, #tpu.memory_space<vmem_shared>> -> memref<640x128xf32, #tpu.memory_space<vmem_shared>>
      tpu.wait_dma2 semaphore(%run_scoped3A : memref<!tpu.dma_semaphore, #tpu.memory_space<semaphore_mem>>) src(%dma_wait3A_86 : memref<640x128xf32, #tpu.memory_space<vmem_shared>>) dst(%dma_wait3A_84 : memref<640x128xf32, #tpu.memory_space<hbm>>)
      tpu.yield
    }) : () -> ()
    return
  }
}

#map = affine_map<(d0, d1) -> (0, 0)>
#map1 = affine_map<(d0, d1) -> (0, 0, 0)>
module attributes {stable_mosaic.version = 14 : i64} {
  func.func @_agg_body(%arg0: i32, %arg1: i32, %arg2: memref<10240x128xf32, #tpu.memory_space<hbm>>, %arg3: memref<2560x128xi32, #tpu.memory_space<hbm>>, %arg4: memref<2560x128xi32, #tpu.memory_space<hbm>>, %arg5: memref<10240x128xf32, #tpu.memory_space<hbm>>, %arg6: memref<2x10240x128xf32, #tpu.memory_space<hbm>>, %arg7: memref<40x128xi32, #tpu.memory_space<vmem>>, %arg8: memref<40x128xi32, #tpu.memory_space<vmem>>, %arg9: memref<128x128xf32, #tpu.memory_space<vmem>>, %arg10: memref<128x128xf32, #tpu.memory_space<vmem>>, %arg11: memref<10240x128xf32, #tpu.memory_space<vmem_shared>>, %arg12: memref<!tpu.dma_semaphore, #tpu.memory_space<semaphore_mem>>, %arg13: memref<!tpu.dma_semaphore, #tpu.memory_space<semaphore_mem>>, %arg14: memref<!tpu.dma_semaphore, #tpu.memory_space<semaphore_mem>>, %arg15: memref<!tpu.dma_semaphore, #tpu.memory_space<semaphore_mem>>) attributes {dimension_semantics = [#tpu.dimension_semantics<core_parallel>, #tpu.dimension_semantics<subcore_parallel>], iteration_bounds = array<i64: 2, 16>, scalar_prefetch = 0 : i64, scratch_operands = 9 : i64, tpu.core_type = #tpu.core_type<sc_vector_subcore>, window_params = [{transform_indices = #map}, {transform_indices = #map}, {transform_indices = #map}, {transform_indices = #map}, {transform_indices = #map1}]} {
    %mul3A = arith.constant 16 : i32
    %mul3A_0 = arith.muli %arg0, %mul3A : i32
    %add3A = arith.addi %mul3A_0, %arg1 : i32
    %mul3A_1 = arith.constant 80 : i32
    %mul3A_2 = arith.muli %add3A, %mul3A_1 : i32
    "tpu.region"() ({
      %run_scoped3A = tpu.sem_alloc : memref<!tpu.dma_semaphore, #tpu.memory_space<semaphore_mem>>
      %dma_start3A_77 = arith.constant 0 : i32
      %dma_start3A_78 = tpu.memref_slice %arg3[%mul3A_2, %dma_start3A_77] : memref<2560x128xi32, #tpu.memory_space<hbm>> -> memref<40x128xi32, #tpu.memory_space<hbm>>
      %dma_start3A_79 = arith.constant 0 : i32
      %dma_start3A_80 = tpu.memref_slice %arg3[%mul3A_2, %dma_start3A_79] : memref<2560x128xi32, #tpu.memory_space<hbm>> -> memref<40x128xi32, #tpu.memory_space<hbm>>
      tpu.enqueue_dma source(%dma_start3A_80 : memref<40x128xi32, #tpu.memory_space<hbm>>) target(%arg7 : memref<40x128xi32, #tpu.memory_space<vmem>>) target_semaphore(%run_scoped3A : memref<!tpu.dma_semaphore, #tpu.memory_space<semaphore_mem>>)
      %dma_wait3A_81 = arith.constant 0 : i32
      %dma_wait3A_82 = tpu.memref_slice %arg3[%mul3A_2, %dma_wait3A_81] : memref<2560x128xi32, #tpu.memory_space<hbm>> -> memref<40x128xi32, #tpu.memory_space<hbm>>
      %dma_wait3A_83 = arith.constant 0 : i32
      %dma_wait3A_84 = tpu.memref_slice %arg3[%mul3A_2, %dma_wait3A_83] : memref<2560x128xi32, #tpu.memory_space<hbm>> -> memref<40x128xi32, #tpu.memory_space<hbm>>
      tpu.wait_dma2 semaphore(%run_scoped3A : memref<!tpu.dma_semaphore, #tpu.memory_space<semaphore_mem>>) src(%dma_wait3A_84 : memref<40x128xi32, #tpu.memory_space<hbm>>) dst(%arg7 : memref<40x128xi32, #tpu.memory_space<vmem>>)
      tpu.yield
    }) : () -> ()
    %mul3A_3 = arith.constant 80 : i32
    %mul3A_4 = arith.muli %add3A, %mul3A_3 : i32
    "tpu.region"() ({
      %run_scoped3A = tpu.sem_alloc : memref<!tpu.dma_semaphore, #tpu.memory_space<semaphore_mem>>
      %dma_start3A_77 = arith.constant 0 : i32
      %dma_start3A_78 = tpu.memref_slice %arg4[%mul3A_4, %dma_start3A_77] : memref<2560x128xi32, #tpu.memory_space<hbm>> -> memref<40x128xi32, #tpu.memory_space<hbm>>
      %dma_start3A_79 = arith.constant 0 : i32
      %dma_start3A_80 = tpu.memref_slice %arg4[%mul3A_4, %dma_start3A_79] : memref<2560x128xi32, #tpu.memory_space<hbm>> -> memref<40x128xi32, #tpu.memory_space<hbm>>
      tpu.enqueue_dma source(%dma_start3A_80 : memref<40x128xi32, #tpu.memory_space<hbm>>) target(%arg8 : memref<40x128xi32, #tpu.memory_space<vmem>>) target_semaphore(%run_scoped3A : memref<!tpu.dma_semaphore, #tpu.memory_space<semaphore_mem>>)
      %dma_wait3A_81 = arith.constant 0 : i32
      %dma_wait3A_82 = tpu.memref_slice %arg4[%mul3A_4, %dma_wait3A_81] : memref<2560x128xi32, #tpu.memory_space<hbm>> -> memref<40x128xi32, #tpu.memory_space<hbm>>
      %dma_wait3A_83 = arith.constant 0 : i32
      %dma_wait3A_84 = tpu.memref_slice %arg4[%mul3A_4, %dma_wait3A_83] : memref<2560x128xi32, #tpu.memory_space<hbm>> -> memref<40x128xi32, #tpu.memory_space<hbm>>
      tpu.wait_dma2 semaphore(%run_scoped3A : memref<!tpu.dma_semaphore, #tpu.memory_space<semaphore_mem>>) src(%dma_wait3A_84 : memref<40x128xi32, #tpu.memory_space<hbm>>) dst(%arg8 : memref<40x128xi32, #tpu.memory_space<vmem>>)
      tpu.yield
    }) : () -> ()
    %dma_start3A = arith.constant 0 : i32
    %dma_start3A_5 = arith.constant 0 : i32
    %dma_start3A_6 = tpu.memref_slice %arg7[%dma_start3A, %dma_start3A_5] : memref<40x128xi32, #tpu.memory_space<vmem>> -> memref<1x128xi32, #tpu.memory_space<vmem>>
    %dma_start3A_7 = tpu.memref_squeeze %dma_start3A_6 : memref<1x128xi32, #tpu.memory_space<vmem>> -> memref<128xi32, #tpu.memory_space<vmem>>
    %dma_start3A_8 = arith.constant 0 : i32
    %dma_start3A_9 = arith.constant 0 : i32
    %dma_start3A_10 = tpu.memref_slice %arg2[%dma_start3A_8, %dma_start3A_9] : memref<10240x128xf32, #tpu.memory_space<hbm>> -> memref<10240x128xf32, #tpu.memory_space<hbm>>
    tpu.enqueue_indirect_dma source(%dma_start3A_10 : memref<10240x128xf32, #tpu.memory_space<hbm>>) target(%arg9 : memref<128x128xf32, #tpu.memory_space<vmem>>) offsets(%dma_start3A_7 : memref<128xi32, #tpu.memory_space<vmem>>) semaphore(%arg12 : memref<!tpu.dma_semaphore, #tpu.memory_space<semaphore_mem>>)
    %dma_start3A_11 = arith.constant 1 : i32
    %dma_start3A_12 = arith.constant 0 : i32
    %dma_start3A_13 = tpu.memref_slice %arg7[%dma_start3A_11, %dma_start3A_12] : memref<40x128xi32, #tpu.memory_space<vmem>> -> memref<1x128xi32, #tpu.memory_space<vmem>>
    %dma_start3A_14 = tpu.memref_squeeze %dma_start3A_13 : memref<1x128xi32, #tpu.memory_space<vmem>> -> memref<128xi32, #tpu.memory_space<vmem>>
    %dma_start3A_15 = arith.constant 0 : i32
    %dma_start3A_16 = arith.constant 0 : i32
    %dma_start3A_17 = tpu.memref_slice %arg2[%dma_start3A_15, %dma_start3A_16] : memref<10240x128xf32, #tpu.memory_space<hbm>> -> memref<10240x128xf32, #tpu.memory_space<hbm>>
    tpu.enqueue_indirect_dma source(%dma_start3A_17 : memref<10240x128xf32, #tpu.memory_space<hbm>>) target(%arg10 : memref<128x128xf32, #tpu.memory_space<vmem>>) offsets(%dma_start3A_14 : memref<128xi32, #tpu.memory_space<vmem>>) semaphore(%arg13 : memref<!tpu.dma_semaphore, #tpu.memory_space<semaphore_mem>>)
    %mul3A_18 = arith.constant 640 : i32
    %mul3A_19 = arith.muli %arg1, %mul3A_18 : i32
    "tpu.region"() ({
      %run_scoped3A = tpu.sem_alloc : memref<!tpu.dma_semaphore, #tpu.memory_space<semaphore_mem>>
      %dma_start3A_77 = arith.constant 0 : i32
      %dma_start3A_78 = tpu.memref_slice %arg11[%mul3A_19, %dma_start3A_77] : memref<10240x128xf32, #tpu.memory_space<vmem_shared>> -> memref<640x128xf32, #tpu.memory_space<vmem_shared>>
      %dma_start3A_79 = arith.constant 0 : i32
      %dma_start3A_80 = tpu.memref_slice %arg5[%mul3A_19, %dma_start3A_79] : memref<10240x128xf32, #tpu.memory_space<hbm>> -> memref<640x128xf32, #tpu.memory_space<hbm>>
      tpu.enqueue_dma source(%dma_start3A_80 : memref<640x128xf32, #tpu.memory_space<hbm>>) target(%dma_start3A_78 : memref<640x128xf32, #tpu.memory_space<vmem_shared>>) target_semaphore(%run_scoped3A : memref<!tpu.dma_semaphore, #tpu.memory_space<semaphore_mem>>)
      %dma_wait3A_81 = arith.constant 0 : i32
      %dma_wait3A_82 = tpu.memref_slice %arg11[%mul3A_19, %dma_wait3A_81] : memref<10240x128xf32, #tpu.memory_space<vmem_shared>> -> memref<640x128xf32, #tpu.memory_space<vmem_shared>>
      %dma_wait3A_83 = arith.constant 0 : i32
      %dma_wait3A_84 = tpu.memref_slice %arg5[%mul3A_19, %dma_wait3A_83] : memref<10240x128xf32, #tpu.memory_space<hbm>> -> memref<640x128xf32, #tpu.memory_space<hbm>>
      tpu.wait_dma2 semaphore(%run_scoped3A : memref<!tpu.dma_semaphore, #tpu.memory_space<semaphore_mem>>) src(%dma_wait3A_84 : memref<640x128xf32, #tpu.memory_space<hbm>>) dst(%dma_wait3A_82 : memref<640x128xf32, #tpu.memory_space<vmem_shared>>)
      tpu.yield
    }) : () -> ()
    %barrier3A = arith.constant 0 : index
    tpu.barrier barrier_id(%barrier3A)
    %scan3A = arith.constant 0 : i32
    %scan3A_20 = arith.constant 0 : i32
    %scan3A_21 = arith.constant 20 : i32
    %scan3A_22 = arith.addi %scan3A_20, %scan3A_21 : i32
    %scan3A_23 = arith.constant 1 : i32
    scf.for %scan3A_77 = %scan3A_20 to %scan3A_22 step %scan3A_23  : i32 {
      %mul3A_78 = arith.constant 2 : i32
      %mul3A_79 = arith.muli %mul3A_78, %scan3A_77 : i32
      %dma_wait3A_80 = arith.constant 0 : i32
      %dma_wait3A_81 = tpu.memref_slice %arg7[%mul3A_79, %dma_wait3A_80] : memref<40x128xi32, #tpu.memory_space<vmem>> -> memref<1x128xi32, #tpu.memory_space<vmem>>
      %dma_wait3A_82 = tpu.memref_squeeze %dma_wait3A_81 : memref<1x128xi32, #tpu.memory_space<vmem>> -> memref<128xi32, #tpu.memory_space<vmem>>
      %dma_wait3A_83 = arith.constant 0 : i32
      %dma_wait3A_84 = arith.constant 0 : i32
      %dma_wait3A_85 = tpu.memref_slice %arg2[%dma_wait3A_83, %dma_wait3A_84] : memref<10240x128xf32, #tpu.memory_space<hbm>> -> memref<10240x128xf32, #tpu.memory_space<hbm>>
      tpu.wait_indirect_dma semaphore(%arg12 : memref<!tpu.dma_semaphore, #tpu.memory_space<semaphore_mem>>) src(%dma_wait3A_85 : memref<10240x128xf32, #tpu.memory_space<hbm>>) dst(%arg9 : memref<128x128xf32, #tpu.memory_space<vmem>>)
      %dma_start3A_86 = arith.constant 0 : i32
      %dma_start3A_87 = tpu.memref_slice %arg8[%mul3A_79, %dma_start3A_86] : memref<40x128xi32, #tpu.memory_space<vmem>> -> memref<1x128xi32, #tpu.memory_space<vmem>>
      %dma_start3A_88 = tpu.memref_squeeze %dma_start3A_87 : memref<1x128xi32, #tpu.memory_space<vmem>> -> memref<128xi32, #tpu.memory_space<vmem>>
      %dma_start3A_89 = arith.constant 0 : i32
      %dma_start3A_90 = arith.constant 0 : i32
      %dma_start3A_91 = tpu.memref_slice %arg11[%dma_start3A_89, %dma_start3A_90] : memref<10240x128xf32, #tpu.memory_space<vmem_shared>> -> memref<10240x128xf32, #tpu.memory_space<vmem_shared>>
      tpu.enqueue_indirect_dma source(%arg9 : memref<128x128xf32, #tpu.memory_space<vmem>>) target(%dma_start3A_91 : memref<10240x128xf32, #tpu.memory_space<vmem_shared>>) offsets(%dma_start3A_88 : memref<128xi32, #tpu.memory_space<vmem>>) semaphore(%arg14 : memref<!tpu.dma_semaphore, #tpu.memory_space<semaphore_mem>>) {add = true}
      %add3A_92 = arith.constant 1 : i32
      %add3A_93 = arith.addi %mul3A_79, %add3A_92 : i32
      %dma_wait3A_94 = arith.constant 0 : i32
      %dma_wait3A_95 = tpu.memref_slice %arg7[%add3A_93, %dma_wait3A_94] : memref<40x128xi32, #tpu.memory_space<vmem>> -> memref<1x128xi32, #tpu.memory_space<vmem>>
      %dma_wait3A_96 = tpu.memref_squeeze %dma_wait3A_95 : memref<1x128xi32, #tpu.memory_space<vmem>> -> memref<128xi32, #tpu.memory_space<vmem>>
      %dma_wait3A_97 = arith.constant 0 : i32
      %dma_wait3A_98 = arith.constant 0 : i32
      %dma_wait3A_99 = tpu.memref_slice %arg2[%dma_wait3A_97, %dma_wait3A_98] : memref<10240x128xf32, #tpu.memory_space<hbm>> -> memref<10240x128xf32, #tpu.memory_space<hbm>>
      tpu.wait_indirect_dma semaphore(%arg13 : memref<!tpu.dma_semaphore, #tpu.memory_space<semaphore_mem>>) src(%dma_wait3A_99 : memref<10240x128xf32, #tpu.memory_space<hbm>>) dst(%arg10 : memref<128x128xf32, #tpu.memory_space<vmem>>)
      %add3A_100 = arith.constant 1 : i32
      %add3A_101 = arith.addi %mul3A_79, %add3A_100 : i32
      %dma_start3A_102 = arith.constant 0 : i32
      %dma_start3A_103 = tpu.memref_slice %arg8[%add3A_101, %dma_start3A_102] : memref<40x128xi32, #tpu.memory_space<vmem>> -> memref<1x128xi32, #tpu.memory_space<vmem>>
      %dma_start3A_104 = tpu.memref_squeeze %dma_start3A_103 : memref<1x128xi32, #tpu.memory_space<vmem>> -> memref<128xi32, #tpu.memory_space<vmem>>
      %dma_start3A_105 = arith.constant 0 : i32
      %dma_start3A_106 = arith.constant 0 : i32
      %dma_start3A_107 = tpu.memref_slice %arg11[%dma_start3A_105, %dma_start3A_106] : memref<10240x128xf32, #tpu.memory_space<vmem_shared>> -> memref<10240x128xf32, #tpu.memory_space<vmem_shared>>
      tpu.enqueue_indirect_dma source(%arg10 : memref<128x128xf32, #tpu.memory_space<vmem>>) target(%dma_start3A_107 : memref<10240x128xf32, #tpu.memory_space<vmem_shared>>) offsets(%dma_start3A_104 : memref<128xi32, #tpu.memory_space<vmem>>) semaphore(%arg15 : memref<!tpu.dma_semaphore, #tpu.memory_space<semaphore_mem>>) {add = true}
      %lt3A = arith.constant 19 : i32
      %lt3A_108 = arith.cmpi slt, %scan3A_77, %lt3A : i32
      %convert_element_type3A = arith.extui %lt3A_108 : i1 to i32
      %cond3A = arith.constant 0 : i32
      %cond3A_109 = arith.cmpi ne, %convert_element_type3A, %cond3A : i32
      scf.if %cond3A_109 {
        %dma_wait3A_110 = arith.constant 0 : i32
        %dma_wait3A_111 = arith.constant 0 : i32
        %dma_wait3A_112 = tpu.memref_slice %arg8[%dma_wait3A_110, %dma_wait3A_111] : memref<40x128xi32, #tpu.memory_space<vmem>> -> memref<1x128xi32, #tpu.memory_space<vmem>>
        %dma_wait3A_113 = tpu.memref_squeeze %dma_wait3A_112 : memref<1x128xi32, #tpu.memory_space<vmem>> -> memref<128xi32, #tpu.memory_space<vmem>>
        %dma_wait3A_114 = arith.constant 0 : i32
        %dma_wait3A_115 = arith.constant 0 : i32
        %dma_wait3A_116 = tpu.memref_slice %arg11[%dma_wait3A_114, %dma_wait3A_115] : memref<10240x128xf32, #tpu.memory_space<vmem_shared>> -> memref<10240x128xf32, #tpu.memory_space<vmem_shared>>
        tpu.wait_indirect_dma semaphore(%arg14 : memref<!tpu.dma_semaphore, #tpu.memory_space<semaphore_mem>>) src(%arg9 : memref<128x128xf32, #tpu.memory_space<vmem>>) dst(%dma_wait3A_116 : memref<10240x128xf32, #tpu.memory_space<vmem_shared>>)
        %add3A_117 = arith.constant 2 : i32
        %add3A_118 = arith.addi %mul3A_79, %add3A_117 : i32
        %dma_start3A_119 = arith.constant 0 : i32
        %dma_start3A_120 = tpu.memref_slice %arg7[%add3A_118, %dma_start3A_119] : memref<40x128xi32, #tpu.memory_space<vmem>> -> memref<1x128xi32, #tpu.memory_space<vmem>>
        %dma_start3A_121 = tpu.memref_squeeze %dma_start3A_120 : memref<1x128xi32, #tpu.memory_space<vmem>> -> memref<128xi32, #tpu.memory_space<vmem>>
        %dma_start3A_122 = arith.constant 0 : i32
        %dma_start3A_123 = arith.constant 0 : i32
        %dma_start3A_124 = tpu.memref_slice %arg2[%dma_start3A_122, %dma_start3A_123] : memref<10240x128xf32, #tpu.memory_space<hbm>> -> memref<10240x128xf32, #tpu.memory_space<hbm>>
        tpu.enqueue_indirect_dma source(%dma_start3A_124 : memref<10240x128xf32, #tpu.memory_space<hbm>>) target(%arg9 : memref<128x128xf32, #tpu.memory_space<vmem>>) offsets(%dma_start3A_121 : memref<128xi32, #tpu.memory_space<vmem>>) semaphore(%arg12 : memref<!tpu.dma_semaphore, #tpu.memory_space<semaphore_mem>>)
        %dma_wait3A_125 = arith.constant 0 : i32
        %dma_wait3A_126 = arith.constant 0 : i32
        %dma_wait3A_127 = tpu.memref_slice %arg8[%dma_wait3A_125, %dma_wait3A_126] : memref<40x128xi32, #tpu.memory_space<vmem>> -> memref<1x128xi32, #tpu.memory_space<vmem>>
        %dma_wait3A_128 = tpu.memref_squeeze %dma_wait3A_127 : memref<1x128xi32, #tpu.memory_space<vmem>> -> memref<128xi32, #tpu.memory_space<vmem>>
        %dma_wait3A_129 = arith.constant 0 : i32
        %dma_wait3A_130 = arith.constant 0 : i32
        %dma_wait3A_131 = tpu.memref_slice %arg11[%dma_wait3A_129, %dma_wait3A_130] : memref<10240x128xf32, #tpu.memory_space<vmem_shared>> -> memref<10240x128xf32, #tpu.memory_space<vmem_shared>>
        tpu.wait_indirect_dma semaphore(%arg15 : memref<!tpu.dma_semaphore, #tpu.memory_space<semaphore_mem>>) src(%arg10 : memref<128x128xf32, #tpu.memory_space<vmem>>) dst(%dma_wait3A_131 : memref<10240x128xf32, #tpu.memory_space<vmem_shared>>)
        %add3A_132 = arith.constant 3 : i32
        %add3A_133 = arith.addi %mul3A_79, %add3A_132 : i32
        %dma_start3A_134 = arith.constant 0 : i32
        %dma_start3A_135 = tpu.memref_slice %arg7[%add3A_133, %dma_start3A_134] : memref<40x128xi32, #tpu.memory_space<vmem>> -> memref<1x128xi32, #tpu.memory_space<vmem>>
        %dma_start3A_136 = tpu.memref_squeeze %dma_start3A_135 : memref<1x128xi32, #tpu.memory_space<vmem>> -> memref<128xi32, #tpu.memory_space<vmem>>
        %dma_start3A_137 = arith.constant 0 : i32
        %dma_start3A_138 = arith.constant 0 : i32
        %dma_start3A_139 = tpu.memref_slice %arg2[%dma_start3A_137, %dma_start3A_138] : memref<10240x128xf32, #tpu.memory_space<hbm>> -> memref<10240x128xf32, #tpu.memory_space<hbm>>
        tpu.enqueue_indirect_dma source(%dma_start3A_139 : memref<10240x128xf32, #tpu.memory_space<hbm>>) target(%arg10 : memref<128x128xf32, #tpu.memory_space<vmem>>) offsets(%dma_start3A_136 : memref<128xi32, #tpu.memory_space<vmem>>) semaphore(%arg13 : memref<!tpu.dma_semaphore, #tpu.memory_space<semaphore_mem>>)
      } else {
      }
    }
    %scan3A_24 = arith.constant 20 : i32
    %dma_wait3A = arith.constant 0 : i32
    %dma_wait3A_25 = arith.constant 0 : i32
    %dma_wait3A_26 = tpu.memref_slice %arg8[%dma_wait3A, %dma_wait3A_25] : memref<40x128xi32, #tpu.memory_space<vmem>> -> memref<1x128xi32, #tpu.memory_space<vmem>>
    %dma_wait3A_27 = tpu.memref_squeeze %dma_wait3A_26 : memref<1x128xi32, #tpu.memory_space<vmem>> -> memref<128xi32, #tpu.memory_space<vmem>>
    %dma_wait3A_28 = arith.constant 0 : i32
    %dma_wait3A_29 = arith.constant 0 : i32
    %dma_wait3A_30 = tpu.memref_slice %arg11[%dma_wait3A_28, %dma_wait3A_29] : memref<10240x128xf32, #tpu.memory_space<vmem_shared>> -> memref<10240x128xf32, #tpu.memory_space<vmem_shared>>
    tpu.wait_indirect_dma semaphore(%arg14 : memref<!tpu.dma_semaphore, #tpu.memory_space<semaphore_mem>>) src(%arg9 : memref<128x128xf32, #tpu.memory_space<vmem>>) dst(%dma_wait3A_30 : memref<10240x128xf32, #tpu.memory_space<vmem_shared>>)
    %dma_wait3A_31 = arith.constant 0 : i32
    %dma_wait3A_32 = arith.constant 0 : i32
    %dma_wait3A_33 = tpu.memref_slice %arg8[%dma_wait3A_31, %dma_wait3A_32] : memref<40x128xi32, #tpu.memory_space<vmem>> -> memref<1x128xi32, #tpu.memory_space<vmem>>
    %dma_wait3A_34 = tpu.memref_squeeze %dma_wait3A_33 : memref<1x128xi32, #tpu.memory_space<vmem>> -> memref<128xi32, #tpu.memory_space<vmem>>
    %dma_wait3A_35 = arith.constant 0 : i32
    %dma_wait3A_36 = arith.constant 0 : i32
    %dma_wait3A_37 = tpu.memref_slice %arg11[%dma_wait3A_35, %dma_wait3A_36] : memref<10240x128xf32, #tpu.memory_space<vmem_shared>> -> memref<10240x128xf32, #tpu.memory_space<vmem_shared>>
    tpu.wait_indirect_dma semaphore(%arg15 : memref<!tpu.dma_semaphore, #tpu.memory_space<semaphore_mem>>) src(%arg10 : memref<128x128xf32, #tpu.memory_space<vmem>>) dst(%dma_wait3A_37 : memref<10240x128xf32, #tpu.memory_space<vmem_shared>>)
    %mul3A_38 = arith.constant 80 : i32
    %mul3A_39 = arith.muli %add3A, %mul3A_38 : i32
    %add3A_40 = arith.constant 40 : i32
    %add3A_41 = arith.addi %mul3A_39, %add3A_40 : i32
    "tpu.region"() ({
      %run_scoped3A = tpu.sem_alloc : memref<!tpu.dma_semaphore, #tpu.memory_space<semaphore_mem>>
      %dma_start3A_77 = arith.constant 0 : i32
      %dma_start3A_78 = tpu.memref_slice %arg3[%add3A_41, %dma_start3A_77] : memref<2560x128xi32, #tpu.memory_space<hbm>> -> memref<40x128xi32, #tpu.memory_space<hbm>>
      %dma_start3A_79 = arith.constant 0 : i32
      %dma_start3A_80 = tpu.memref_slice %arg3[%add3A_41, %dma_start3A_79] : memref<2560x128xi32, #tpu.memory_space<hbm>> -> memref<40x128xi32, #tpu.memory_space<hbm>>
      tpu.enqueue_dma source(%dma_start3A_80 : memref<40x128xi32, #tpu.memory_space<hbm>>) target(%arg7 : memref<40x128xi32, #tpu.memory_space<vmem>>) target_semaphore(%run_scoped3A : memref<!tpu.dma_semaphore, #tpu.memory_space<semaphore_mem>>)
      %dma_wait3A_81 = arith.constant 0 : i32
      %dma_wait3A_82 = tpu.memref_slice %arg3[%add3A_41, %dma_wait3A_81] : memref<2560x128xi32, #tpu.memory_space<hbm>> -> memref<40x128xi32, #tpu.memory_space<hbm>>
      %dma_wait3A_83 = arith.constant 0 : i32
      %dma_wait3A_84 = tpu.memref_slice %arg3[%add3A_41, %dma_wait3A_83] : memref<2560x128xi32, #tpu.memory_space<hbm>> -> memref<40x128xi32, #tpu.memory_space<hbm>>
      tpu.wait_dma2 semaphore(%run_scoped3A : memref<!tpu.dma_semaphore, #tpu.memory_space<semaphore_mem>>) src(%dma_wait3A_84 : memref<40x128xi32, #tpu.memory_space<hbm>>) dst(%arg7 : memref<40x128xi32, #tpu.memory_space<vmem>>)
      tpu.yield
    }) : () -> ()
    "tpu.region"() ({
      %run_scoped3A = tpu.sem_alloc : memref<!tpu.dma_semaphore, #tpu.memory_space<semaphore_mem>>
      %dma_start3A_77 = arith.constant 0 : i32
      %dma_start3A_78 = tpu.memref_slice %arg4[%add3A_41, %dma_start3A_77] : memref<2560x128xi32, #tpu.memory_space<hbm>> -> memref<40x128xi32, #tpu.memory_space<hbm>>
      %dma_start3A_79 = arith.constant 0 : i32
      %dma_start3A_80 = tpu.memref_slice %arg4[%add3A_41, %dma_start3A_79] : memref<2560x128xi32, #tpu.memory_space<hbm>> -> memref<40x128xi32, #tpu.memory_space<hbm>>
      tpu.enqueue_dma source(%dma_start3A_80 : memref<40x128xi32, #tpu.memory_space<hbm>>) target(%arg8 : memref<40x128xi32, #tpu.memory_space<vmem>>) target_semaphore(%run_scoped3A : memref<!tpu.dma_semaphore, #tpu.memory_space<semaphore_mem>>)
      %dma_wait3A_81 = arith.constant 0 : i32
      %dma_wait3A_82 = tpu.memref_slice %arg4[%add3A_41, %dma_wait3A_81] : memref<2560x128xi32, #tpu.memory_space<hbm>> -> memref<40x128xi32, #tpu.memory_space<hbm>>
      %dma_wait3A_83 = arith.constant 0 : i32
      %dma_wait3A_84 = tpu.memref_slice %arg4[%add3A_41, %dma_wait3A_83] : memref<2560x128xi32, #tpu.memory_space<hbm>> -> memref<40x128xi32, #tpu.memory_space<hbm>>
      tpu.wait_dma2 semaphore(%run_scoped3A : memref<!tpu.dma_semaphore, #tpu.memory_space<semaphore_mem>>) src(%dma_wait3A_84 : memref<40x128xi32, #tpu.memory_space<hbm>>) dst(%arg8 : memref<40x128xi32, #tpu.memory_space<vmem>>)
      tpu.yield
    }) : () -> ()
    %dma_start3A_42 = arith.constant 0 : i32
    %dma_start3A_43 = arith.constant 0 : i32
    %dma_start3A_44 = tpu.memref_slice %arg7[%dma_start3A_42, %dma_start3A_43] : memref<40x128xi32, #tpu.memory_space<vmem>> -> memref<1x128xi32, #tpu.memory_space<vmem>>
    %dma_start3A_45 = tpu.memref_squeeze %dma_start3A_44 : memref<1x128xi32, #tpu.memory_space<vmem>> -> memref<128xi32, #tpu.memory_space<vmem>>
    %dma_start3A_46 = arith.constant 0 : i32
    %dma_start3A_47 = arith.constant 0 : i32
    %dma_start3A_48 = tpu.memref_slice %arg2[%dma_start3A_46, %dma_start3A_47] : memref<10240x128xf32, #tpu.memory_space<hbm>> -> memref<10240x128xf32, #tpu.memory_space<hbm>>
    tpu.enqueue_indirect_dma source(%dma_start3A_48 : memref<10240x128xf32, #tpu.memory_space<hbm>>) target(%arg9 : memref<128x128xf32, #tpu.memory_space<vmem>>) offsets(%dma_start3A_45 : memref<128xi32, #tpu.memory_space<vmem>>) semaphore(%arg12 : memref<!tpu.dma_semaphore, #tpu.memory_space<semaphore_mem>>)
    %dma_start3A_49 = arith.constant 1 : i32
    %dma_start3A_50 = arith.constant 0 : i32
    %dma_start3A_51 = tpu.memref_slice %arg7[%dma_start3A_49, %dma_start3A_50] : memref<40x128xi32, #tpu.memory_space<vmem>> -> memref<1x128xi32, #tpu.memory_space<vmem>>
    %dma_start3A_52 = tpu.memref_squeeze %dma_start3A_51 : memref<1x128xi32, #tpu.memory_space<vmem>> -> memref<128xi32, #tpu.memory_space<vmem>>
    %dma_start3A_53 = arith.constant 0 : i32
    %dma_start3A_54 = arith.constant 0 : i32
    %dma_start3A_55 = tpu.memref_slice %arg2[%dma_start3A_53, %dma_start3A_54] : memref<10240x128xf32, #tpu.memory_space<hbm>> -> memref<10240x128xf32, #tpu.memory_space<hbm>>
    tpu.enqueue_indirect_dma source(%dma_start3A_55 : memref<10240x128xf32, #tpu.memory_space<hbm>>) target(%arg10 : memref<128x128xf32, #tpu.memory_space<vmem>>) offsets(%dma_start3A_52 : memref<128xi32, #tpu.memory_space<vmem>>) semaphore(%arg13 : memref<!tpu.dma_semaphore, #tpu.memory_space<semaphore_mem>>)
    %scan3A_56 = arith.constant 0 : i32
    %scan3A_57 = arith.constant 0 : i32
    %scan3A_58 = arith.constant 20 : i32
    %scan3A_59 = arith.addi %scan3A_57, %scan3A_58 : i32
    %scan3A_60 = arith.constant 1 : i32
    scf.for %scan3A_77 = %scan3A_57 to %scan3A_59 step %scan3A_60  : i32 {
      %mul3A_78 = arith.constant 2 : i32
      %mul3A_79 = arith.muli %mul3A_78, %scan3A_77 : i32
      %dma_wait3A_80 = arith.constant 0 : i32
      %dma_wait3A_81 = tpu.memref_slice %arg7[%mul3A_79, %dma_wait3A_80] : memref<40x128xi32, #tpu.memory_space<vmem>> -> memref<1x128xi32, #tpu.memory_space<vmem>>
      %dma_wait3A_82 = tpu.memref_squeeze %dma_wait3A_81 : memref<1x128xi32, #tpu.memory_space<vmem>> -> memref<128xi32, #tpu.memory_space<vmem>>
      %dma_wait3A_83 = arith.constant 0 : i32
      %dma_wait3A_84 = arith.constant 0 : i32
      %dma_wait3A_85 = tpu.memref_slice %arg2[%dma_wait3A_83, %dma_wait3A_84] : memref<10240x128xf32, #tpu.memory_space<hbm>> -> memref<10240x128xf32, #tpu.memory_space<hbm>>
      tpu.wait_indirect_dma semaphore(%arg12 : memref<!tpu.dma_semaphore, #tpu.memory_space<semaphore_mem>>) src(%dma_wait3A_85 : memref<10240x128xf32, #tpu.memory_space<hbm>>) dst(%arg9 : memref<128x128xf32, #tpu.memory_space<vmem>>)
      %dma_start3A_86 = arith.constant 0 : i32
      %dma_start3A_87 = tpu.memref_slice %arg8[%mul3A_79, %dma_start3A_86] : memref<40x128xi32, #tpu.memory_space<vmem>> -> memref<1x128xi32, #tpu.memory_space<vmem>>
      %dma_start3A_88 = tpu.memref_squeeze %dma_start3A_87 : memref<1x128xi32, #tpu.memory_space<vmem>> -> memref<128xi32, #tpu.memory_space<vmem>>
      %dma_start3A_89 = arith.constant 0 : i32
      %dma_start3A_90 = arith.constant 0 : i32
      %dma_start3A_91 = tpu.memref_slice %arg11[%dma_start3A_89, %dma_start3A_90] : memref<10240x128xf32, #tpu.memory_space<vmem_shared>> -> memref<10240x128xf32, #tpu.memory_space<vmem_shared>>
      tpu.enqueue_indirect_dma source(%arg9 : memref<128x128xf32, #tpu.memory_space<vmem>>) target(%dma_start3A_91 : memref<10240x128xf32, #tpu.memory_space<vmem_shared>>) offsets(%dma_start3A_88 : memref<128xi32, #tpu.memory_space<vmem>>) semaphore(%arg14 : memref<!tpu.dma_semaphore, #tpu.memory_space<semaphore_mem>>) {add = true}
      %add3A_92 = arith.constant 1 : i32
      %add3A_93 = arith.addi %mul3A_79, %add3A_92 : i32
      %dma_wait3A_94 = arith.constant 0 : i32
      %dma_wait3A_95 = tpu.memref_slice %arg7[%add3A_93, %dma_wait3A_94] : memref<40x128xi32, #tpu.memory_space<vmem>> -> memref<1x128xi32, #tpu.memory_space<vmem>>
      %dma_wait3A_96 = tpu.memref_squeeze %dma_wait3A_95 : memref<1x128xi32, #tpu.memory_space<vmem>> -> memref<128xi32, #tpu.memory_space<vmem>>
      %dma_wait3A_97 = arith.constant 0 : i32
      %dma_wait3A_98 = arith.constant 0 : i32
      %dma_wait3A_99 = tpu.memref_slice %arg2[%dma_wait3A_97, %dma_wait3A_98] : memref<10240x128xf32, #tpu.memory_space<hbm>> -> memref<10240x128xf32, #tpu.memory_space<hbm>>
      tpu.wait_indirect_dma semaphore(%arg13 : memref<!tpu.dma_semaphore, #tpu.memory_space<semaphore_mem>>) src(%dma_wait3A_99 : memref<10240x128xf32, #tpu.memory_space<hbm>>) dst(%arg10 : memref<128x128xf32, #tpu.memory_space<vmem>>)
      %add3A_100 = arith.constant 1 : i32
      %add3A_101 = arith.addi %mul3A_79, %add3A_100 : i32
      %dma_start3A_102 = arith.constant 0 : i32
      %dma_start3A_103 = tpu.memref_slice %arg8[%add3A_101, %dma_start3A_102] : memref<40x128xi32, #tpu.memory_space<vmem>> -> memref<1x128xi32, #tpu.memory_space<vmem>>
      %dma_start3A_104 = tpu.memref_squeeze %dma_start3A_103 : memref<1x128xi32, #tpu.memory_space<vmem>> -> memref<128xi32, #tpu.memory_space<vmem>>
      %dma_start3A_105 = arith.constant 0 : i32
      %dma_start3A_106 = arith.constant 0 : i32
      %dma_start3A_107 = tpu.memref_slice %arg11[%dma_start3A_105, %dma_start3A_106] : memref<10240x128xf32, #tpu.memory_space<vmem_shared>> -> memref<10240x128xf32, #tpu.memory_space<vmem_shared>>
      tpu.enqueue_indirect_dma source(%arg10 : memref<128x128xf32, #tpu.memory_space<vmem>>) target(%dma_start3A_107 : memref<10240x128xf32, #tpu.memory_space<vmem_shared>>) offsets(%dma_start3A_104 : memref<128xi32, #tpu.memory_space<vmem>>) semaphore(%arg15 : memref<!tpu.dma_semaphore, #tpu.memory_space<semaphore_mem>>) {add = true}
      %lt3A = arith.constant 19 : i32
      %lt3A_108 = arith.cmpi slt, %scan3A_77, %lt3A : i32
      %convert_element_type3A = arith.extui %lt3A_108 : i1 to i32
      %cond3A = arith.constant 0 : i32
      %cond3A_109 = arith.cmpi ne, %convert_element_type3A, %cond3A : i32
      scf.if %cond3A_109 {
        %dma_wait3A_110 = arith.constant 0 : i32
        %dma_wait3A_111 = arith.constant 0 : i32
        %dma_wait3A_112 = tpu.memref_slice %arg8[%dma_wait3A_110, %dma_wait3A_111] : memref<40x128xi32, #tpu.memory_space<vmem>> -> memref<1x128xi32, #tpu.memory_space<vmem>>
        %dma_wait3A_113 = tpu.memref_squeeze %dma_wait3A_112 : memref<1x128xi32, #tpu.memory_space<vmem>> -> memref<128xi32, #tpu.memory_space<vmem>>
        %dma_wait3A_114 = arith.constant 0 : i32
        %dma_wait3A_115 = arith.constant 0 : i32
        %dma_wait3A_116 = tpu.memref_slice %arg11[%dma_wait3A_114, %dma_wait3A_115] : memref<10240x128xf32, #tpu.memory_space<vmem_shared>> -> memref<10240x128xf32, #tpu.memory_space<vmem_shared>>
        tpu.wait_indirect_dma semaphore(%arg14 : memref<!tpu.dma_semaphore, #tpu.memory_space<semaphore_mem>>) src(%arg9 : memref<128x128xf32, #tpu.memory_space<vmem>>) dst(%dma_wait3A_116 : memref<10240x128xf32, #tpu.memory_space<vmem_shared>>)
        %add3A_117 = arith.constant 2 : i32
        %add3A_118 = arith.addi %mul3A_79, %add3A_117 : i32
        %dma_start3A_119 = arith.constant 0 : i32
        %dma_start3A_120 = tpu.memref_slice %arg7[%add3A_118, %dma_start3A_119] : memref<40x128xi32, #tpu.memory_space<vmem>> -> memref<1x128xi32, #tpu.memory_space<vmem>>
        %dma_start3A_121 = tpu.memref_squeeze %dma_start3A_120 : memref<1x128xi32, #tpu.memory_space<vmem>> -> memref<128xi32, #tpu.memory_space<vmem>>
        %dma_start3A_122 = arith.constant 0 : i32
        %dma_start3A_123 = arith.constant 0 : i32
        %dma_start3A_124 = tpu.memref_slice %arg2[%dma_start3A_122, %dma_start3A_123] : memref<10240x128xf32, #tpu.memory_space<hbm>> -> memref<10240x128xf32, #tpu.memory_space<hbm>>
        tpu.enqueue_indirect_dma source(%dma_start3A_124 : memref<10240x128xf32, #tpu.memory_space<hbm>>) target(%arg9 : memref<128x128xf32, #tpu.memory_space<vmem>>) offsets(%dma_start3A_121 : memref<128xi32, #tpu.memory_space<vmem>>) semaphore(%arg12 : memref<!tpu.dma_semaphore, #tpu.memory_space<semaphore_mem>>)
        %dma_wait3A_125 = arith.constant 0 : i32
        %dma_wait3A_126 = arith.constant 0 : i32
        %dma_wait3A_127 = tpu.memref_slice %arg8[%dma_wait3A_125, %dma_wait3A_126] : memref<40x128xi32, #tpu.memory_space<vmem>> -> memref<1x128xi32, #tpu.memory_space<vmem>>
        %dma_wait3A_128 = tpu.memref_squeeze %dma_wait3A_127 : memref<1x128xi32, #tpu.memory_space<vmem>> -> memref<128xi32, #tpu.memory_space<vmem>>
        %dma_wait3A_129 = arith.constant 0 : i32
        %dma_wait3A_130 = arith.constant 0 : i32
        %dma_wait3A_131 = tpu.memref_slice %arg11[%dma_wait3A_129, %dma_wait3A_130] : memref<10240x128xf32, #tpu.memory_space<vmem_shared>> -> memref<10240x128xf32, #tpu.memory_space<vmem_shared>>
        tpu.wait_indirect_dma semaphore(%arg15 : memref<!tpu.dma_semaphore, #tpu.memory_space<semaphore_mem>>) src(%arg10 : memref<128x128xf32, #tpu.memory_space<vmem>>) dst(%dma_wait3A_131 : memref<10240x128xf32, #tpu.memory_space<vmem_shared>>)
        %add3A_132 = arith.constant 3 : i32
        %add3A_133 = arith.addi %mul3A_79, %add3A_132 : i32
        %dma_start3A_134 = arith.constant 0 : i32
        %dma_start3A_135 = tpu.memref_slice %arg7[%add3A_133, %dma_start3A_134] : memref<40x128xi32, #tpu.memory_space<vmem>> -> memref<1x128xi32, #tpu.memory_space<vmem>>
        %dma_start3A_136 = tpu.memref_squeeze %dma_start3A_135 : memref<1x128xi32, #tpu.memory_space<vmem>> -> memref<128xi32, #tpu.memory_space<vmem>>
        %dma_start3A_137 = arith.constant 0 : i32
        %dma_start3A_138 = arith.constant 0 : i32
        %dma_start3A_139 = tpu.memref_slice %arg2[%dma_start3A_137, %dma_start3A_138] : memref<10240x128xf32, #tpu.memory_space<hbm>> -> memref<10240x128xf32, #tpu.memory_space<hbm>>
        tpu.enqueue_indirect_dma source(%dma_start3A_139 : memref<10240x128xf32, #tpu.memory_space<hbm>>) target(%arg10 : memref<128x128xf32, #tpu.memory_space<vmem>>) offsets(%dma_start3A_136 : memref<128xi32, #tpu.memory_space<vmem>>) semaphore(%arg13 : memref<!tpu.dma_semaphore, #tpu.memory_space<semaphore_mem>>)
      } else {
      }
    }
    %scan3A_61 = arith.constant 20 : i32
    %dma_wait3A_62 = arith.constant 0 : i32
    %dma_wait3A_63 = arith.constant 0 : i32
    %dma_wait3A_64 = tpu.memref_slice %arg8[%dma_wait3A_62, %dma_wait3A_63] : memref<40x128xi32, #tpu.memory_space<vmem>> -> memref<1x128xi32, #tpu.memory_space<vmem>>
    %dma_wait3A_65 = tpu.memref_squeeze %dma_wait3A_64 : memref<1x128xi32, #tpu.memory_space<vmem>> -> memref<128xi32, #tpu.memory_space<vmem>>
    %dma_wait3A_66 = arith.constant 0 : i32
    %dma_wait3A_67 = arith.constant 0 : i32
    %dma_wait3A_68 = tpu.memref_slice %arg11[%dma_wait3A_66, %dma_wait3A_67] : memref<10240x128xf32, #tpu.memory_space<vmem_shared>> -> memref<10240x128xf32, #tpu.memory_space<vmem_shared>>
    tpu.wait_indirect_dma semaphore(%arg14 : memref<!tpu.dma_semaphore, #tpu.memory_space<semaphore_mem>>) src(%arg9 : memref<128x128xf32, #tpu.memory_space<vmem>>) dst(%dma_wait3A_68 : memref<10240x128xf32, #tpu.memory_space<vmem_shared>>)
    %dma_wait3A_69 = arith.constant 0 : i32
    %dma_wait3A_70 = arith.constant 0 : i32
    %dma_wait3A_71 = tpu.memref_slice %arg8[%dma_wait3A_69, %dma_wait3A_70] : memref<40x128xi32, #tpu.memory_space<vmem>> -> memref<1x128xi32, #tpu.memory_space<vmem>>
    %dma_wait3A_72 = tpu.memref_squeeze %dma_wait3A_71 : memref<1x128xi32, #tpu.memory_space<vmem>> -> memref<128xi32, #tpu.memory_space<vmem>>
    %dma_wait3A_73 = arith.constant 0 : i32
    %dma_wait3A_74 = arith.constant 0 : i32
    %dma_wait3A_75 = tpu.memref_slice %arg11[%dma_wait3A_73, %dma_wait3A_74] : memref<10240x128xf32, #tpu.memory_space<vmem_shared>> -> memref<10240x128xf32, #tpu.memory_space<vmem_shared>>
    tpu.wait_indirect_dma semaphore(%arg15 : memref<!tpu.dma_semaphore, #tpu.memory_space<semaphore_mem>>) src(%arg10 : memref<128x128xf32, #tpu.memory_space<vmem>>) dst(%dma_wait3A_75 : memref<10240x128xf32, #tpu.memory_space<vmem_shared>>)
    %barrier3A_76 = arith.constant 0 : index
    tpu.barrier barrier_id(%barrier3A_76)
    "tpu.region"() ({
      %run_scoped3A = tpu.sem_alloc : memref<!tpu.dma_semaphore, #tpu.memory_space<semaphore_mem>>
      %dma_start3A_77 = arith.constant 0 : i32
      %dma_start3A_78 = tpu.memref_slice %arg6[%arg0, %mul3A_19, %dma_start3A_77] : memref<2x10240x128xf32, #tpu.memory_space<hbm>> -> memref<1x640x128xf32, #tpu.memory_space<hbm>>
      %dma_start3A_79 = tpu.memref_squeeze %dma_start3A_78 : memref<1x640x128xf32, #tpu.memory_space<hbm>> -> memref<640x128xf32, #tpu.memory_space<hbm>>
      %dma_start3A_80 = arith.constant 0 : i32
      %dma_start3A_81 = tpu.memref_slice %arg11[%mul3A_19, %dma_start3A_80] : memref<10240x128xf32, #tpu.memory_space<vmem_shared>> -> memref<640x128xf32, #tpu.memory_space<vmem_shared>>
      tpu.enqueue_dma source(%dma_start3A_81 : memref<640x128xf32, #tpu.memory_space<vmem_shared>>) target(%dma_start3A_79 : memref<640x128xf32, #tpu.memory_space<hbm>>) target_semaphore(%run_scoped3A : memref<!tpu.dma_semaphore, #tpu.memory_space<semaphore_mem>>)
      %dma_wait3A_82 = arith.constant 0 : i32
      %dma_wait3A_83 = tpu.memref_slice %arg6[%arg0, %mul3A_19, %dma_wait3A_82] : memref<2x10240x128xf32, #tpu.memory_space<hbm>> -> memref<1x640x128xf32, #tpu.memory_space<hbm>>
      %dma_wait3A_84 = tpu.memref_squeeze %dma_wait3A_83 : memref<1x640x128xf32, #tpu.memory_space<hbm>> -> memref<640x128xf32, #tpu.memory_space<hbm>>
      %dma_wait3A_85 = arith.constant 0 : i32
      %dma_wait3A_86 = tpu.memref_slice %arg11[%mul3A_19, %dma_wait3A_85] : memref<10240x128xf32, #tpu.memory_space<vmem_shared>> -> memref<640x128xf32, #tpu.memory_space<vmem_shared>>
      tpu.wait_dma2 semaphore(%run_scoped3A : memref<!tpu.dma_semaphore, #tpu.memory_space<semaphore_mem>>) src(%dma_wait3A_86 : memref<640x128xf32, #tpu.memory_space<vmem_shared>>) dst(%dma_wait3A_84 : memref<640x128xf32, #tpu.memory_space<hbm>>)
      tpu.yield
    }) : () -> ()
    return
  }
}

module attributes {stable_mosaic.version = 14 : i64} {
  func.func @_prep_body(%arg0: i32, %arg1: memref<2048x128xf32, #tpu.memory_space<vmem>>, %arg2: memref<32x1x128x128xf32, #tpu.memory_space<vmem>>, %arg3: memref<32x1x128x128xf32, #tpu.memory_space<vmem>>, %arg4: memref<2048x128xf32, #tpu.memory_space<vmem>>, %arg5: memref<2048x1xf32, #tpu.memory_space<vmem>>, %arg6: memref<2048x1xf32, #tpu.memory_space<vmem>>) attributes {dimension_semantics = [#tpu.dimension_semantics<arbitrary>], iteration_bounds = array<i64: 5>, scalar_prefetch = 0 : i64, scratch_operands = 0 : i64, tpu.core_type = #tpu.core_type<tc>, window_params = [{transform_indices = @transform_0, window_bounds = array<i64: 2048, 128>}, {transform_indices = @transform_1, window_bounds = array<i64: 32, 1, 128, 128>}, {transform_indices = @transform_2, window_bounds = array<i64: 32, 1, 128, 128>}, {transform_indices = @transform_3, window_bounds = array<i64: 2048, 128>}, {transform_indices = @transform_4, window_bounds = array<i64: 2048, 1>}, {transform_indices = @transform_5, window_bounds = array<i64: 2048, 1>}]} {
    %get3A = arith.constant 0 : index
    %get3A_0 = arith.constant 0 : index
    %get3A_1 = arith.constant 0 : index
    %get3A_2 = arith.constant 0 : index
    %get3A_3 = vector.load %arg2[%get3A, %get3A_0, %get3A_1, %get3A_2] : memref<32x1x128x128xf32, #tpu.memory_space<vmem>>, vector<32x1x128x128xf32>
    %reduce_sum3A = arith.constant dense<0.000000e+00> : vector<128x128xf32>
    %reduce_sum3A_4 = vector.multi_reduction <add>, %get3A_3, %reduce_sum3A [0, 1] : vector<32x1x128x128xf32> to vector<128x128xf32>
    %reshape3A = vector.shape_cast %reduce_sum3A_4 : vector<128x128xf32> to vector<128x16x8xf32>
    %reduce_sum3A_5 = arith.constant dense<0.000000e+00> : vector<128x16xf32>
    %reduce_sum3A_6 = vector.multi_reduction <add>, %reshape3A, %reduce_sum3A_5 [2] : vector<128x16x8xf32> to vector<128x16xf32>
    %reshape3A_7 = vector.shape_cast %reduce_sum3A_6 : vector<128x16xf32> to vector<2048x1xf32>
    %get3A_8 = arith.constant 0 : index
    %get3A_9 = arith.constant 0 : index
    %get3A_10 = arith.constant 0 : index
    %get3A_11 = arith.constant 0 : index
    %get3A_12 = vector.load %arg3[%get3A_8, %get3A_9, %get3A_10, %get3A_11] : memref<32x1x128x128xf32, #tpu.memory_space<vmem>>, vector<32x1x128x128xf32>
    %reduce_sum3A_13 = arith.constant dense<0.000000e+00> : vector<128x128xf32>
    %reduce_sum3A_14 = vector.multi_reduction <add>, %get3A_12, %reduce_sum3A_13 [0, 1] : vector<32x1x128x128xf32> to vector<128x128xf32>
    %reshape3A_15 = vector.shape_cast %reduce_sum3A_14 : vector<128x128xf32> to vector<128x16x8xf32>
    %reduce_sum3A_16 = arith.constant dense<0.000000e+00> : vector<128x16xf32>
    %reduce_sum3A_17 = vector.multi_reduction <add>, %reshape3A_15, %reduce_sum3A_16 [2] : vector<128x16x8xf32> to vector<128x16xf32>
    %reshape3A_18 = vector.shape_cast %reduce_sum3A_17 : vector<128x16xf32> to vector<2048x1xf32>
    %gt3A = arith.constant 0.000000e+00 : f32
    %gt3A_19 = vector.broadcast %gt3A : f32 to vector<2048x1xf32>
    %gt3A_20 = arith.cmpf ogt, %reshape3A_7, %gt3A_19 : vector<2048x1xf32>
    %jit3A = arith.constant 1.000000e+00 : f32
    %broadcast_in_dim3A = vector.broadcast %jit3A : f32 to vector<2048x1xf32>
    %select_n3A = arith.select %gt3A_20, %reshape3A_7, %broadcast_in_dim3A : vector<2048x1xi1>, vector<2048x1xf32>
    %rsqrt3A = math.rsqrt %select_n3A : vector<2048x1xf32>
    %gt3A_21 = arith.constant 0.000000e+00 : f32
    %gt3A_22 = vector.broadcast %gt3A_21 : f32 to vector<2048x1xf32>
    %gt3A_23 = arith.cmpf ogt, %reshape3A_18, %gt3A_22 : vector<2048x1xf32>
    %jit3A_24 = arith.constant 1.000000e+00 : f32
    %broadcast_in_dim3A_25 = vector.broadcast %jit3A_24 : f32 to vector<2048x1xf32>
    %select_n3A_26 = arith.select %gt3A_23, %reshape3A_18, %broadcast_in_dim3A_25 : vector<2048x1xi1>, vector<2048x1xf32>
    %rsqrt3A_27 = math.rsqrt %select_n3A_26 : vector<2048x1xf32>
    %swap3A = arith.constant 0 : index
    %swap3A_28 = arith.constant 0 : index
    %swap3A_29 = vector.load %arg5[%swap3A, %swap3A_28] : memref<2048x1xf32, #tpu.memory_space<vmem>>, vector<2048x1xf32>
    tpu.vector_store %arg5[%swap3A, %swap3A_28], %rsqrt3A {strides = array<i32>} : memref<2048x1xf32, #tpu.memory_space<vmem>>, vector<2048x1xf32>,
    %swap3A_30 = arith.constant 0 : index
    %swap3A_31 = arith.constant 0 : index
    %swap3A_32 = vector.load %arg6[%swap3A_30, %swap3A_31] : memref<2048x1xf32, #tpu.memory_space<vmem>>, vector<2048x1xf32>
    tpu.vector_store %arg6[%swap3A_30, %swap3A_31], %rsqrt3A_27 {strides = array<i32>} : memref<2048x1xf32, #tpu.memory_space<vmem>>, vector<2048x1xf32>,
    %get3A_33 = arith.constant 0 : index
    %get3A_34 = arith.constant 0 : index
    %get3A_35 = vector.load %arg1[%get3A_33, %get3A_34] : memref<2048x128xf32, #tpu.memory_space<vmem>>, vector<2048x128xf32>
    %mul3A = vector.broadcast %rsqrt3A : vector<2048x1xf32> to vector<2048x128xf32>
    %mul3A_36 = arith.mulf %get3A_35, %mul3A : vector<2048x128xf32>
    %swap3A_37 = arith.constant 0 : index
    %swap3A_38 = arith.constant 0 : index
    %swap3A_39 = vector.load %arg4[%swap3A_37, %swap3A_38] : memref<2048x128xf32, #tpu.memory_space<vmem>>, vector<2048x128xf32>
    tpu.vector_store %arg4[%swap3A_37, %swap3A_38], %mul3A_36 {strides = array<i32>} : memref<2048x128xf32, #tpu.memory_space<vmem>>, vector<2048x128xf32>,
    return
  }
  func.func @transform_0(%arg0: i32) -> (i32, i32) {
    %c0_i32 = arith.constant 0 : i32
    %c0_i32_0 = arith.constant 0 : i32
    return %arg0, %c0_i32 : i32, i32
  }
  func.func @transform_1(%arg0: i32) -> (i32, i32, i32, i32) {
    %c0_i32 = arith.constant 0 : i32
    %c0_i32_0 = arith.constant 0 : i32
    %c0_i32_1 = arith.constant 0 : i32
    %c0_i32_2 = arith.constant 0 : i32
    return %c0_i32, %c0_i32_0, %arg0, %c0_i32_1 : i32, i32, i32, i32
  }
  func.func @transform_2(%arg0: i32) -> (i32, i32, i32, i32) {
    %c0_i32 = arith.constant 0 : i32
    %c1_i32 = arith.constant 1 : i32
    %c0_i32_0 = arith.constant 0 : i32
    %c0_i32_1 = arith.constant 0 : i32
    return %c0_i32, %c1_i32, %arg0, %c0_i32_0 : i32, i32, i32, i32
  }
  func.func @transform_3(%arg0: i32) -> (i32, i32) {
    %c0_i32 = arith.constant 0 : i32
    %c0_i32_0 = arith.constant 0 : i32
    return %arg0, %c0_i32 : i32, i32
  }
  func.func @transform_4(%arg0: i32) -> (i32, i32) {
    %c0_i32 = arith.constant 0 : i32
    %c0_i32_0 = arith.constant 0 : i32
    return %arg0, %c0_i32 : i32, i32
  }
  func.func @transform_5(%arg0: i32) -> (i32, i32) {
    %c0_i32 = arith.constant 0 : i32
    %c0_i32_0 = arith.constant 0 : i32
    return %arg0, %c0_i32 : i32, i32
  }
}

module attributes {stable_mosaic.version = 14 : i64} {
  func.func @_layer1_body(%arg0: i32, %arg1: memref<2x1000x128xf32, #tpu.memory_space<vmem>>, %arg2: memref<1000x1xf32, #tpu.memory_space<vmem>>, %arg3: memref<1000x1xf32, #tpu.memory_space<vmem>>, %arg4: memref<128x128xf32, #tpu.memory_space<vmem>>, %arg5: memref<1x128xf32, #tpu.memory_space<vmem>>, %arg6: memref<1000x128xf32, #tpu.memory_space<vmem>>, %arg7: memref<1000x128xf32, #tpu.memory_space<vmem>>) attributes {dimension_semantics = [#tpu.dimension_semantics<arbitrary>], iteration_bounds = array<i64: 10>, scalar_prefetch = 0 : i64, scratch_operands = 0 : i64, tpu.core_type = #tpu.core_type<tc>, window_params = [{transform_indices = @transform_0, window_bounds = array<i64: 2, 1000, 128>}, {transform_indices = @transform_1, window_bounds = array<i64: 1000, 1>}, {transform_indices = @transform_2, window_bounds = array<i64: 1000, 1>}, {pipeline_mode = #tpu.pipeline_mode<synchronous>, transform_indices = @transform_3, window_bounds = array<i64: 128, 128>}, {pipeline_mode = #tpu.pipeline_mode<synchronous>, transform_indices = @transform_4, window_bounds = array<i64: 1, 128>}, {transform_indices = @transform_5, window_bounds = array<i64: 1000, 128>}, {transform_indices = @transform_6, window_bounds = array<i64: 1000, 128>}]} {
    %get3A = arith.constant 0 : index
    %get3A_0 = arith.constant 0 : index
    %get3A_1 = arith.constant 0 : index
    %get3A_2 = vector.load %arg1[%get3A, %get3A_0, %get3A_1] : memref<2x1000x128xf32, #tpu.memory_space<vmem>>, vector<1x1000x128xf32>
    %get3A_3 = vector.shape_cast %get3A_2 : vector<1x1000x128xf32> to vector<1000x128xf32>
    %get3A_4 = arith.constant 1 : index
    %get3A_5 = arith.constant 0 : index
    %get3A_6 = arith.constant 0 : index
    %get3A_7 = vector.load %arg1[%get3A_4, %get3A_5, %get3A_6] : memref<2x1000x128xf32, #tpu.memory_space<vmem>>, vector<1x1000x128xf32>
    %get3A_8 = vector.shape_cast %get3A_7 : vector<1x1000x128xf32> to vector<1000x128xf32>
    %add3A = arith.addf %get3A_3, %get3A_8 : vector<1000x128xf32>
    %get3A_9 = arith.constant 0 : index
    %get3A_10 = arith.constant 0 : index
    %get3A_11 = vector.load %arg2[%get3A_9, %get3A_10] : memref<1000x1xf32, #tpu.memory_space<vmem>>, vector<1000x1xf32>
    %mul3A = vector.broadcast %get3A_11 : vector<1000x1xf32> to vector<1000x128xf32>
    %mul3A_12 = arith.mulf %add3A, %mul3A : vector<1000x128xf32>
    %get3A_13 = arith.constant 0 : index
    %get3A_14 = arith.constant 0 : index
    %get3A_15 = vector.load %arg4[%get3A_13, %get3A_14] : memref<128x128xf32, #tpu.memory_space<vmem>>, vector<128x128xf32>
    %dot_general3A = arith.constant dense<0.000000e+00> : vector<1000x128xf32>
    %dot_general3A_16 = tpu.matmul %mul3A_12, %get3A_15, %dot_general3A {dimension_numbers = #tpu.dot_dimension_numbers<[1], [0], [0], [1], [0, 0, 1, 1], [], []>, transpose_lhs_hint = false} : vector<1000x128xf32>, vector<128x128xf32>, vector<1000x128xf32> -> vector<1000x128xf32>
    %get3A_17 = arith.constant 0 : index
    %get3A_18 = arith.constant 0 : index
    %get3A_19 = vector.load %arg5[%get3A_17, %get3A_18] : memref<1x128xf32, #tpu.memory_space<vmem>>, vector<1x128xf32>
    %add3A_20 = vector.broadcast %get3A_19 : vector<1x128xf32> to vector<1000x128xf32>
    %add3A_21 = arith.addf %dot_general3A_16, %add3A_20 : vector<1000x128xf32>
    %max3A = arith.constant 0.000000e+00 : f32
    %max3A_22 = vector.broadcast %max3A : f32 to vector<1000x128xf32>
    %max3A_23 = arith.maximumf %add3A_21, %max3A_22 : vector<1000x128xf32>
    %swap3A = arith.constant 0 : index
    %swap3A_24 = arith.constant 0 : index
    %swap3A_25 = vector.load %arg6[%swap3A, %swap3A_24] : memref<1000x128xf32, #tpu.memory_space<vmem>>, vector<1000x128xf32>
    tpu.vector_store %arg6[%swap3A, %swap3A_24], %max3A_23 {strides = array<i32>} : memref<1000x128xf32, #tpu.memory_space<vmem>>, vector<1000x128xf32>,
    %get3A_26 = arith.constant 0 : index
    %get3A_27 = arith.constant 0 : index
    %get3A_28 = vector.load %arg3[%get3A_26, %get3A_27] : memref<1000x1xf32, #tpu.memory_space<vmem>>, vector<1000x1xf32>
    %mul3A_29 = vector.broadcast %get3A_28 : vector<1000x1xf32> to vector<1000x128xf32>
    %mul3A_30 = arith.mulf %max3A_23, %mul3A_29 : vector<1000x128xf32>
    %swap3A_31 = arith.constant 0 : index
    %swap3A_32 = arith.constant 0 : index
    %swap3A_33 = vector.load %arg7[%swap3A_31, %swap3A_32] : memref<1000x128xf32, #tpu.memory_space<vmem>>, vector<1000x128xf32>
    tpu.vector_store %arg7[%swap3A_31, %swap3A_32], %mul3A_30 {strides = array<i32>} : memref<1000x128xf32, #tpu.memory_space<vmem>>, vector<1000x128xf32>,
    return
  }
  func.func @transform_0(%arg0: i32) -> (i32, i32, i32) {
    %c0_i32 = arith.constant 0 : i32
    %c0_i32_0 = arith.constant 0 : i32
    %c0_i32_1 = arith.constant 0 : i32
    return %c0_i32, %arg0, %c0_i32_0 : i32, i32, i32
  }
  func.func @transform_1(%arg0: i32) -> (i32, i32) {
    %c0_i32 = arith.constant 0 : i32
    %c0_i32_0 = arith.constant 0 : i32
    return %arg0, %c0_i32 : i32, i32
  }
  func.func @transform_2(%arg0: i32) -> (i32, i32) {
    %c0_i32 = arith.constant 0 : i32
    %c0_i32_0 = arith.constant 0 : i32
    return %arg0, %c0_i32 : i32, i32
  }
  func.func @transform_3(%arg0: i32) -> (i32, i32) {
    %c0_i32 = arith.constant 0 : i32
    %c0_i32_0 = arith.constant 0 : i32
    %c0_i32_1 = arith.constant 0 : i32
    return %c0_i32, %c0_i32_0 : i32, i32
  }
  func.func @transform_4(%arg0: i32) -> (i32, i32) {
    %c0_i32 = arith.constant 0 : i32
    %c0_i32_0 = arith.constant 0 : i32
    %c0_i32_1 = arith.constant 0 : i32
    return %c0_i32, %c0_i32_0 : i32, i32
  }
  func.func @transform_5(%arg0: i32) -> (i32, i32) {
    %c0_i32 = arith.constant 0 : i32
    %c0_i32_0 = arith.constant 0 : i32
    return %arg0, %c0_i32 : i32, i32
  }
  func.func @transform_6(%arg0: i32) -> (i32, i32) {
    %c0_i32 = arith.constant 0 : i32
    %c0_i32_0 = arith.constant 0 : i32
    return %arg0, %c0_i32 : i32, i32
  }
}

module attributes {stable_mosaic.version = 14 : i64} {
  func.func @_layer2_body(%arg0: i32, %arg1: memref<2x1000x128xf32, #tpu.memory_space<vmem>>, %arg2: memref<1000x1xf32, #tpu.memory_space<vmem>>, %arg3: memref<1000x1xf32, #tpu.memory_space<vmem>>, %arg4: memref<128x128xf32, #tpu.memory_space<vmem>>, %arg5: memref<1x128xf32, #tpu.memory_space<vmem>>, %arg6: memref<1000x128xf32, #tpu.memory_space<vmem>>) attributes {dimension_semantics = [#tpu.dimension_semantics<arbitrary>], iteration_bounds = array<i64: 10>, scalar_prefetch = 0 : i64, scratch_operands = 0 : i64, tpu.core_type = #tpu.core_type<tc>, window_params = [{transform_indices = @transform_0, window_bounds = array<i64: 2, 1000, 128>}, {transform_indices = @transform_1, window_bounds = array<i64: 1000, 1>}, {transform_indices = @transform_2, window_bounds = array<i64: 1000, 1>}, {pipeline_mode = #tpu.pipeline_mode<synchronous>, transform_indices = @transform_3, window_bounds = array<i64: 128, 128>}, {pipeline_mode = #tpu.pipeline_mode<synchronous>, transform_indices = @transform_4, window_bounds = array<i64: 1, 128>}, {transform_indices = @transform_5, window_bounds = array<i64: 1000, 128>}]} {
    %get3A = arith.constant 0 : index
    %get3A_0 = arith.constant 0 : index
    %get3A_1 = arith.constant 0 : index
    %get3A_2 = vector.load %arg1[%get3A, %get3A_0, %get3A_1] : memref<2x1000x128xf32, #tpu.memory_space<vmem>>, vector<1x1000x128xf32>
    %get3A_3 = vector.shape_cast %get3A_2 : vector<1x1000x128xf32> to vector<1000x128xf32>
    %get3A_4 = arith.constant 1 : index
    %get3A_5 = arith.constant 0 : index
    %get3A_6 = arith.constant 0 : index
    %get3A_7 = vector.load %arg1[%get3A_4, %get3A_5, %get3A_6] : memref<2x1000x128xf32, #tpu.memory_space<vmem>>, vector<1x1000x128xf32>
    %get3A_8 = vector.shape_cast %get3A_7 : vector<1x1000x128xf32> to vector<1000x128xf32>
    %add3A = arith.addf %get3A_3, %get3A_8 : vector<1000x128xf32>
    %get3A_9 = arith.constant 0 : index
    %get3A_10 = arith.constant 0 : index
    %get3A_11 = vector.load %arg2[%get3A_9, %get3A_10] : memref<1000x1xf32, #tpu.memory_space<vmem>>, vector<1000x1xf32>
    %mul3A = vector.broadcast %get3A_11 : vector<1000x1xf32> to vector<1000x128xf32>
    %mul3A_12 = arith.mulf %add3A, %mul3A : vector<1000x128xf32>
    %get3A_13 = arith.constant 0 : index
    %get3A_14 = arith.constant 0 : index
    %get3A_15 = vector.load %arg4[%get3A_13, %get3A_14] : memref<128x128xf32, #tpu.memory_space<vmem>>, vector<128x128xf32>
    %dot_general3A = arith.constant dense<0.000000e+00> : vector<1000x128xf32>
    %dot_general3A_16 = tpu.matmul %mul3A_12, %get3A_15, %dot_general3A {dimension_numbers = #tpu.dot_dimension_numbers<[1], [0], [0], [1], [0, 0, 1, 1], [], []>, transpose_lhs_hint = false} : vector<1000x128xf32>, vector<128x128xf32>, vector<1000x128xf32> -> vector<1000x128xf32>
    %get3A_17 = arith.constant 0 : index
    %get3A_18 = arith.constant 0 : index
    %get3A_19 = vector.load %arg5[%get3A_17, %get3A_18] : memref<1x128xf32, #tpu.memory_space<vmem>>, vector<1x128xf32>
    %add3A_20 = vector.broadcast %get3A_19 : vector<1x128xf32> to vector<1000x128xf32>
    %add3A_21 = arith.addf %dot_general3A_16, %add3A_20 : vector<1000x128xf32>
    %swap3A = arith.constant 0 : index
    %swap3A_22 = arith.constant 0 : index
    %swap3A_23 = vector.load %arg6[%swap3A, %swap3A_22] : memref<1000x128xf32, #tpu.memory_space<vmem>>, vector<1000x128xf32>
    tpu.vector_store %arg6[%swap3A, %swap3A_22], %add3A_21 {strides = array<i32>} : memref<1000x128xf32, #tpu.memory_space<vmem>>, vector<1000x128xf32>,
    return
  }
  func.func @transform_0(%arg0: i32) -> (i32, i32, i32) {
    %c0_i32 = arith.constant 0 : i32
    %c0_i32_0 = arith.constant 0 : i32
    %c0_i32_1 = arith.constant 0 : i32
    return %c0_i32, %arg0, %c0_i32_0 : i32, i32, i32
  }
  func.func @transform_1(%arg0: i32) -> (i32, i32) {
    %c0_i32 = arith.constant 0 : i32
    %c0_i32_0 = arith.constant 0 : i32
    return %arg0, %c0_i32 : i32, i32
  }
  func.func @transform_2(%arg0: i32) -> (i32, i32) {
    %c0_i32 = arith.constant 0 : i32
    %c0_i32_0 = arith.constant 0 : i32
    return %arg0, %c0_i32 : i32, i32
  }
  func.func @transform_3(%arg0: i32) -> (i32, i32) {
    %c0_i32 = arith.constant 0 : i32
    %c0_i32_0 = arith.constant 0 : i32
    %c0_i32_1 = arith.constant 0 : i32
    return %c0_i32, %c0_i32_0 : i32, i32
  }
  func.func @transform_4(%arg0: i32) -> (i32, i32) {
    %c0_i32 = arith.constant 0 : i32
    %c0_i32_0 = arith.constant 0 : i32
    %c0_i32_1 = arith.constant 0 : i32
    return %c0_i32, %c0_i32_0 : i32, i32
  }
  func.func @transform_5(%arg0: i32) -> (i32, i32) {
    %c0_i32 = arith.constant 0 : i32
    %c0_i32_0 = arith.constant 0 : i32
    return %arg0, %c0_i32 : i32, i32
  }
}

</mosaic_0001>

<sc_bundles>
// kernel: kernel.11.cloned.1.call-start
scs
__scs_entry_jumppad:
0x0: {  	(pc) =	sbr.rel $0x88, $3  }
0x1: {  	(tag) =	ssettag $0x0;
	lr =	simm.s32 $0x1  }
0x2: {  	[smem:$0x3F9B] =	sst lr;
	_ =	strace $0xD0000000  }
0x3: {  	_ = 	snop  }
0x4: {  	_ = 	snop  }
0x5: {  	_ = 	snop  }
0x6: {  	_ = 	snop  }
0x7: {  	_ = 	snop  }
__scs_overlays_trampoline_lowered:
0x8: {  	[smem:$0x3FAA] =	sst s0  }
0x9: {  	[smem:$0x3FAB] =	sst s1  }
0xa: {  	[smem:$0x3FAC] =	sst s2  }
0xb: {  	[smem:$0x3FAD] =	sst s3  }
0xc: {  	[smem:$0x3FAE] =	sst s4  }
0xd: {  	[smem:$0x3FAF] =	sst s5  }
0xe: {  	[smem:$0x3FB0] =	sst s6  }
0xf: {  	[smem:$0x3FB1] =	sst s7  }
0x10: {  	[smem:$0x3FB2] =	sst s8  }
0x11: {  	[smem:$0x3FB3] =	sst s9;
	s0 =	simm.s32 @!p0 $0x0  }
0x12: {  	s1 =	sld [smem:$0x3F99];
	s0 =	simm.s32 @p0 $0x1  }
0x13: {  	[smem:$0x3FB4] =	sst s0;
	s0 =	simm.s32 @!p1 $0x0  }
0x14: {  	s2 =	sld [smem:$0x3F98];
	s0 =	simm.s32 @p1 $0x1  }
0x15: {  	[smem:$0x3FB5] =	sst s0;
	s0 =	simm.s32 @!p2 $0x0  }
0x16: {  	s3 =	sld [smem:$0x3FDB];
	s0 =	simm.s32 @p2 $0x1  }
0x17: {  	s4 =	simm.s32 $0x1BF5;
	[smem:$0x3FB7] =	sst s0  }
0x18: {  	s0 =	sld [smem:$0x3F9A];
	_ =	swait.ge [sflag:s4], $0x0  }
0x19: {  	s7 =	sld [smem:$0x3F9B]  }
0x1a: {  	s8 =	sadd.s32 $0xFFFFE003, lr  }
0x1b: {  	s9 =	sadd.s32 $0xFFFFFEF7, lr;
	s5 =	simm.s32 $0xFFFFFFFF;
	p2 =	slt.u32 s8, $0xFFFFF086  }
0x1c: {  	p1 =	slt.u32 s9, $0xF7A;
	s5 =	simm.s32 @!p2 $0x0  }
0x1d: {  	s5 =	simm.s32 @p1 $0x1;
	p0 =	seq.s32 s7, s2  }
0x1e: {  	s7 =	smul.u32 @!p0 $0xF7A, s2;
	p2 =	seq.s32 @!p0 s5, $0x0  }
0x1f: {  	s9 =	smul.u32 $0xF7A, s1;
	s8 =	simm.s32 @!p0 $0x1BF5;
	p2 =	por !p2, p0  }
0x20: {  	[sflag:s8] =	ssyncset.s32 @!p0 $0xFFFFF086;
	s6 =	sadd.s32 @!p0 s3, s7;
	s7 =	simm.s32 @!p0 $0x108  }
0x21: {  	s3 =	sadd.s32 s3, s9;
	s6 =	sadd.s32 @!p0 $0x88, s6;
	s7 =	simm.s32 @p2 $0x1082  }
0x22: {  	[simem:s7], [sflag:s8] =	dma.local @!p0 [hbm:s6], $0xF7A  }
0x23: {  	s9 =	sor.u32 $0xD0000000, s2;
	s6 =	simm.s32 $0x108;
	_ =	swait.ge @!p0 [sflag:s8], $0x0  }
0x24: {  	s3 =	sadd.s32 $0x88, s3;
	s6 =	simm.s32 @!p1 $0x1082;
	[sflag:s4] =	ssyncset.s32 $0xFFFFF086  }
0x25: {  	[simem:s6], [sflag:s4] =	dma.local [hbm:s3], $0xF7A  }
0x26: {  	[smem:$0x3F9B] =	sst s1;
	(tag) =	ssettag s2;
	_ =	strace s9  }
0x27: {  	s1 =	sld [smem:$0x3FAB]  }
0x28: {  	s2 =	sld [smem:$0x3FAC]  }
0x29: {  	s4 =	sld [smem:$0x3FAE]  }
0x2a: {  	p0 =	seq.s32 s5, $0x0;
	s5 =	sld [smem:$0x3FAF]  }
0x2b: {  	s6 =	sld [smem:$0x3FB0]  }
0x2c: {  	s7 =	sld [smem:$0x3FB1]  }
0x2d: {  	s3 =	simm.s32 $0x108;
	s8 =	sld [smem:$0x3FB2]  }
0x2e: {  	s3 =	simm.s32 @!p0 $0x1082;
	s9 =	sld [smem:$0x3FB3]  }
0x2f: {  	lr =	sadd.s32 s0, s3;
	s0 =	sld [smem:$0x3FAA]  }
0x30: {  	s3 =	sld [smem:$0x3FAD]  }
0x31: {  	[smem:$0x3FB6] =	sst s10  }
0x32: {  	s10 =	sld [smem:$0x3FB4];
	_ =	sdelay $0x3  }
0x33: {  	p0 =	seq.s32 s10, $0x1;
	s10 =	sld [smem:$0x3FB6];
	_ =	sdelay $0x3  }
0x34: {  	[smem:$0x3FB6] =	sst s10  }
0x35: {  	s10 =	sld [smem:$0x3FB5];
	_ =	sdelay $0x3  }
0x36: {  	p1 =	seq.s32 s10, $0x1;
	s10 =	sld [smem:$0x3FB6];
	_ =	sdelay $0x3  }
0x37: {  	[smem:$0x3FB6] =	sst s10  }
0x38: {  	s10 =	sld [smem:$0x3FB7]  }
0x39: {  	_ = 	snop;
	(pc) =	sbr.ind lr, $3  }
0x3a: {  	_ = 	snop  }
0x3b: {  	_ = 	snop  }
0x3c: {  	p2 =	seq.s32 s10, $0x1;
	s10 =	sld [smem:$0x3FB6]  }
0x3d: {  	_ =	shalt  }
0x3e: {  	_ =	shalt  }
0x3f: {  	_ =	shalt  }
0x40: {  	_ =	shalt  }
0x41: {  	_ =	shalt  }
0x42: {  	_ =	shalt  }
0x43: {  	_ =	shalt  }
0x44: {  	_ =	shalt  }
0x45: {  	_ =	shalt  }
0x46: {  	_ =	shalt  }
0x47: {  	_ =	shalt  }
0x48: {  	_ =	shalt  }
0x49: {  	_ =	shalt  }
0x4a: {  	_ =	shalt  }
0x4b: {  	_ =	shalt  }
0x4c: {  	_ =	shalt  }
0x4d: {  	_ =	shalt  }
0x4e: {  	_ =	shalt  }
0x4f: {  	_ =	shalt  }
0x50: {  	_ =	shalt  }
0x51: {  	_ =	shalt  }
0x52: {  	_ =	shalt  }
0x53: {  	_ =	shalt  }
0x54: {  	_ =	shalt  }
0x55: {  	_ =	shalt  }
0x56: {  	_ =	shalt  }
0x57: {  	_ =	shalt  }
0x58: {  	_ =	shalt  }
0x59: {  	_ =	shalt  }
0x5a: {  	_ =	shalt  }
0x5b: {  	_ =	shalt  }
0x5c: {  	_ =	shalt  }
0x5d: {  	_ =	shalt  }
0x5e: {  	_ =	shalt  }
0x5f: {  	_ =	shalt  }
0x60: {  	_ =	shalt  }
0x61: {  	_ =	shalt  }
0x62: {  	_ =	shalt  }
0x63: {  	_ =	shalt  }
0x64: {  	_ =	shalt  }
0x65: {  	_ =	shalt  }
0x66: {  	_ =	shalt  }
0x67: {  	_ =	shalt  }
0x68: {  	_ =	shalt  }
0x69: {  	_ =	shalt  }
0x6a: {  	_ =	shalt  }
0x6b: {  	_ =	shalt  }
0x6c: {  	_ =	shalt  }
0x6d: {  	_ =	shalt  }
0x6e: {  	_ =	shalt  }
0x6f: {  	_ =	shalt  }
0x70: {  	_ =	shalt  }
0x71: {  	_ =	shalt  }
0x72: {  	_ =	shalt  }
0x73: {  	_ =	shalt  }
0x74: {  	_ =	shalt  }
0x75: {  	_ =	shalt  }
0x76: {  	_ =	shalt  }
0x77: {  	_ =	shalt  }
0x78: {  	_ =	shalt  }
0x79: {  	_ =	shalt  }
0x7a: {  	_ =	shalt  }
0x7b: {  	_ =	shalt  }
0x7c: {  	_ =	shalt  }
0x7d: {  	_ =	shalt  }
0x7e: {  	_ =	shalt  }
0x7f: {  	_ =	shalt  }
0x80: {  	_ =	shalt  }
0x81: {  	_ =	shalt  }
0x82: {  	_ =	shalt  }
0x83: {  	_ =	shalt  }
0x84: {  	_ =	shalt  }
0x85: {  	_ =	shalt  }
0x86: {  	_ =	shalt  }
0x87: {  	_ =	shalt  }
.Lfunc_end0:
.L_simem_size_0:
called_computation.1_lowered:
.L_overlay_start_0:
0x88: {  	s2 =	sld [smem:$0x3FD9]  }
0x89: {  	s3 =	sld [smem:$0x3FFE];
	_ =	sdelay $0x1  }
0x8a: {  	s1 =	srdreg.scid  }
0x8b: {  	s0 =	sand.u32 $0x1, s1  }
0x8c: {  	s14 =	sshll.u32 s0, $0xA;
	s2 =	sadd.s32 s3, s2  }
0x8d: {  	s2 =	sadd.s32 s2, s14  }
0x8e: {  	[smem:$0x3FC2] =	sst s2  }
0x8f: {  	_ = 	snop  }
0x90: {  	s2 =	sld [smem:$0x3FD0];
	_ =	sdelay $0x2  }
0x91: {  	s15 =	simm.s32 $0xA;
	s4 =	simm.s32 $0x10  }
0x92: {  	[smem:s4], [sflag:s15] =	dma.local [hbm:s2], $0x1  }
0x93: {  	_ =	swait.eq [sflag:s15], $0x1  }
0x94: {  	[sflag:s15] =	ssyncset.done $0x0  }
0x95: {  	[sflag:s15] =	ssyncadd.s32 $0xFFFFFFFF  }
0x96: {  	s16 =	sld [smem:$0x11];
	(tm) =	ssettm $0x1  }
0x97: {  	s17 =	sld [smem:$0x3FFB];
	_ =	sdelay $0x3  }
0x98: {  	_ =	strace s17  }
0x99: {  	s3 =	sld [smem:$0x3FFC];
	_ =	sdelay $0x3  }
0x9a: {  	_ =	strace s3  }
0x9b: {  	s3 =	sld [smem:$0x3FFD];
	_ =	sdelay $0x3  }
0x9c: {  	_ =	strace s3  }
0x9d: {  	_ =	strace $0x8FFFFFFF  }
0x9e: {  	s18 =	sld [smem:$0x3FDB];
	_ =	sdelay $0x1  }
0x9f: {  	s19 =	simm.s32 $_scs_section_size  }
0xa0: {  	s5 =	simm.s32 $_size__tile_overlayer_lowered;
	s6 =	simm.s32 $_tile_overlayer_lowered  }
0xa1: {  	s22 =	simm.s32 $0x1BFF;
	s21 =	sshll.u32 s6, $0x1;
	s3 =	sadd.s32 s19, s18  }
0xa2: {  	s7 =	simm.s32 $0x0;
	s20 =	sshll.u32 s5, $0x1;
	s5 =	sadd.s32 s21, s3  }
0xa3: {  	[timem:s7], [sflag:s22] =	dma.local [hbm:s5], s20  }
0xa4: {  	_ =	swait.ge [sflag:s22], s20  }
0xa5: {  	s4 =	ssub.s32 $0x0, s20;
	[sflag:s22] =	ssyncset.done $0x0  }
0xa6: {  	[sflag:s22] =	ssyncadd.s32 s4;
	_ =	sdelay $0x1  }
0xa7: {  	s23 =	simm.s32 $0x1B8B  }
0xa8: {  	_ =	swait.ge [sflag:s23], $0x1  }
0xa9: {  	[sflag:s23] =	ssyncset.done $0x0  }
0xaa: {  	s25 =	simm.s32 $0x1B8E;
	s24 =	sld [smem:$0x3FFE];
	[sflag:s23] =	ssyncadd.s32 $0xFFFFFFFF  }
0xab: {  	s26 =	simm.s32 $execute0_lowered;
	[smem:$0x3FD2] =	sst s25  }
0xac: {  	s5 =	sshll.u32 s26, $0x1;
	_ =	strace $0x80000049;
	[dreg:$0x1] =	wrdreg $0xFFFFFFFF  }
0xad: {  	s28 =	simm.s32 $_size_execute0_lowered;
	s3 =	sadd.s32 s3, s5;
	[dreg:$0x0] =	wrdreg $0x0  }
0xae: {  	s5 =	sshll.u32 s28, $0x1;
	[dreg:$0x2] =	wrdreg s3  }
0xaf: {  	[dreg:$0x3] =	wrdreg s5  }
0xb0: {  	[dreg:$0x4] =	wrdreg $0xC0  }
0xb1: {  	_ =	task [dreg:s7], $0x5FFFF  }
0xb2: {  	[dreg:$0x1] =	wrdreg $0xFFFFFFFF  }
0xb3: {  	[dreg:$0x0] =	wrdreg $0x60  }
0xb4: {  	[dreg:$0x2] =	wrdreg s24  }
0xb5: {  	[dreg:$0x3] =	wrdreg s16  }
0xb6: {  	[dreg:$0x4] =	wrdreg $0xA8000  }
0xb7: {  	[dreg:$0x5] =	wrdreg $0x9  }
0xb8: {  	_ =	task.clear_ibuf [dreg:s7], $0x6FFFF;
	_ =	strace $0x90000049  }
0xb9: {  	s29 =	simm.s32 $0x9;
	_ =	strace $0x8000004B  }
0xba: {  	_ =	swait.ge [sflag:s29], $0x1  }
0xbb: {  	[sflag:s29] =	ssyncadd.s32 $0xFFFFFFFF  }
0xbc: {  	_ =	strace $0x9000004B  }
0xbd: {  	_ =	sfence  }
0xbe: {  	s30 =	sld [smem:$0x0];
	_ =	sdelay $0x2  }
0xbf: {  	s31 =	sshll.u32 s1, $0xD;
	s1 =	sshrl.u32 s1, $0x2  }
0xc0: {  	s3 =	sand.u32 $0x4000, s31;
	s1 =	sadd.s32 s1, s30  }
0xc1: {  	s0 =	sor.u32 s3, s0;
	s1 =	sshll.u32 s1, $0x11  }
0xc2: {  	s0 =	sor.u32 s1, s0  }
0xc3: {  	s0 =	sadd.s32 $0x8F2B, s0  }
0xc4: {  	[sflag:s0] =	ssyncadd.remote.s32 $0x1  }
0xc5: {  	_ =	sfence.sel $0xFFFF  }
0xc6: {  	[dreg:$0x0] =	wrdreg $0xFFFFFFFF;
	(pc) =	sbr.abs _section_cstart, $3  }
0xc7: {  	[dreg:$0x1] =	wrdreg $0xFFFFFFFF  }
0xc8: {  	_ =	task.clear_ibuf [dreg:s7], $0x2FFFF;
	_ =	strace $0x9FFFFFFF  }
0xc9: {  	(tm) =	ssettm $0x7FFFFFFF  }
tec
execute0_lowered:
.L_overlay_start_1:
0x0: {  	(tag) =	ssettag $0x1  }
0x1: {  	s5 =	rddreg [dreg:$0x0]  }
0x2: {  	s9 =	rddreg [dreg:$0x1]  }
0x3: {  	s2 =	rddreg [dreg:$0x2]  }
0x4: {  	s0 =	rddreg [dreg:$0x3];
	s3 =	simm.s32 $0x0  }
0x5: {  	s1 =	stileid.u32;
	s4 =	srdreg.scid;
	s16 =	simm.s32 $0x6800  }
0x6: {  	s19 =	simm.s32 $0x1;
	s20 =	simm.s32 $0x2;
	s21 =	simm.s32 $0x3  }
0x7: {  	s22 =	simm.s32 $0x4;
	s23 =	simm.s32 $0x2700;
	s24 =	simm.s32 $0x2780  }
0x8: {  	s25 =	simm.s32 $0x0;
	[smem:$0x7FF] =	sst s3;
	s6 =	smul.u32 $0x14000, s1  }
0x9: {  	s7 =	sand.u32 $0x1, s4;
	s4 =	sadd.s32 $0xC000, s5;
	s11 =	sadd.s32 $0x2000, s5  }
0xa: {  	s14 =	smul.u32 $0x50000, s1;
	s17 =	sshll.u32 s1, $0x6;
	_ =	strace $0x8000004A  }
0xb: {  	s8 =	smul.u32 $0x140000, s7;
	s10 =	sshll.u32 s7, $0x4;
	s7 =	ssub.s32 $0x2, s7  }
0xc: {  	s17 =	sor.u32 $0x1C05, s17;
	s12 =	sshrl.u32 s6, $0x3;
	s10 =	sor.u32 s1, s10  }
0xd: {  	s29 =	sshrl.u32 s7, $0x1;
	s31 =	sshrl.u32 s14, $0x2;
	s14 =	simm.s32 $0x80  }
0xe: {  	s12 =	sadd.s32 s12, s5;
	s6 =	sadd.s32 s6, s8;
	s28 =	smul.u32 $0x500, s10  }
0xf: {  	s10 =	smul.u32 $0x2800, s10;
	s15 =	ssub.s32 s7, s29;
	s18 =	sadd.s32 s31, s2  }
0x10: {  	s6 =	sshrl.u32 s6, $0x3;
	s7 =	sadd.s32 $0x34000, s12;
	s12 =	simm.s32 $0x5  }
0x11: {  	s18 =	sshrl.u32 s18, $0x3;
	s13 =	sadd.s32 s6, s5;
	s30 =	sshrl.u32 s10, $0x3  }
0x12: {  	s5 =	sadd.s32 s11, s28;
	s6 =	sadd.s32 s9, s28;
	s10 =	sadd.s32 $0x280, s30  }
0x13: {  	s8 =	sadd.s32 s11, s10;
	s9 =	sadd.s32 s9, s10;
	s10 =	sadd.s32 $0x5C000, s13  }
0x14: {  	s11 =	smax.u32 s15, $0x1;
	s13 =	simm.s32 $0x1400;
	s15 =	simm.s32 $0x2800  }
.LBB2_1:
0x15: {  	[tilespmem:s3], [sflag:$0x5] =	stream.linear.gather [hbm4b:s5+s3], $0x1400, $0x38;
	[tilespmem:$0x1E800] =	vst v63  }
0x16: {  	_ =	swait.ge [sflag:s12], $0x1400  }
0x17: {  	[sflag:s12] =	ssyncset.done $0x0  }
0x18: {  	[sflag:s12] =	ssyncadd.s32 $0xFFFFEC00  }
0x19: {  	[tilespmem:s13], [sflag:$0x5] =	stream.linear.gather [hbm4b:s6+s3], $0x1400, $0x38;
	[tilespmem:$0x1E800] =	vst v63  }
0x1a: {  	_ =	swait.ge [sflag:s12], $0x1400  }
0x1b: {  	[sflag:s12] =	ssyncset.done $0x0  }
0x1c: {  	[sflag:s12] =	ssyncadd.s32 $0xFFFFEC00  }
0x1d: {  	[tilespmem:s15], [sflag:$0x1] =	stream.indirect.gather [hbm4b:s4+s14], $0x80, s3, s14, $0xb8;
	[tilespmem:$0x1E800] =	vst v63  }
0x1e: {  	_ = 	snop  }
0x1f: {  	[tilespmem:s16], [sflag:$0x2] =	stream.indirect.gather [hbm4b:s4+s14], $0x80, s14, s14, $0xb8;
	[tilespmem:$0x1E800] =	vst v63  }
0x20: {  	[spmem:s18], [sflag:s17] =	dma.local [hbm:s7], $0x2800  }
0x21: {  	_ =	swait.ge [sflag:s12], $0x2800  }
0x22: {  	[sflag:s12] =	ssyncset.done $0x0  }
0x23: {  	[sflag:s12] =	ssyncadd.s32 $0xFFFFD800  }
0x24: {  	[bflag:$0x0] =	sbarrier.arrive $0xFFFF  }
0x25: {  	_ =	swait.ge [sflag:s19], $0x4000  }
0x26: {  	[sflag:s19] =	ssyncset.done $0x0  }
0x27: {  	s26 =	simm.s32 $0x1400;
	[sflag:s19] =	ssyncadd.s32 $0xFFFFC000  }
0x28: {  	[spmem:s2] =	stream.indirect.scatter.add.f32 [tilespmem:s15], [sflag:$0x3], $0x80, s26, s14, $0xb8;
	[tilespmem:$0x1E800] =	vst v63  }
0x29: {  	_ =	swait.ge [sflag:s20], $0x4000  }
0x2a: {  	[sflag:s20] =	ssyncset.done $0x0  }
0x2b: {  	s30 =	simm.s32 $0x1480;
	[sflag:s20] =	ssyncadd.s32 $0xFFFFC000  }
0x2c: {  	[spmem:s2] =	stream.indirect.scatter.add.f32 [tilespmem:s16], [sflag:$0x4], $0x80, s30, s14, $0xb8;
	[tilespmem:$0x1E800] =	vst v63  }
0x2d: {  	_ =	swait.ge [sflag:s21], $0x4000  }
0x2e: {  	[sflag:s21] =	ssyncset.done $0x0  }
0x2f: {  	s31 =	simm.s32 $0x100;
	[sflag:s21] =	ssyncadd.s32 $0xFFFFC000  }
0x30: {  	[tilespmem:s15], [sflag:$0x1] =	stream.indirect.gather [hbm4b:s4+s14], $0x80, s31, s14, $0xb8;
	[tilespmem:$0x1E800] =	vst v63  }
0x31: {  	_ =	swait.ge [sflag:s22], $0x4000  }
0x32: {  	[sflag:s22] =	ssyncset.done $0x0  }
0x33: {  	s28 =	simm.s32 $0x180;
	s26 =	simm.s32 $0x400;
	[sflag:s22] =	ssyncadd.s32 $0xFFFFC000  }
.LBB2_2:
0x34: {  	[tilespmem:s16], [sflag:$0x2] =	stream.indirect.gather [hbm4b:s4+s14], $0x80, s28, s14, $0xb8;
	[tilespmem:$0x1E800] =	vst v63  }
0x35: {  	s28 =	smov.u32 s26  }
0x36: {  	p0 =	sne.s32 s26, $0x4800;
	s26 =	sadd.s32 $0x400, s26;
	_ =	swait.ge [sflag:s19], $0x4000  }
0x37: {  	s28 =	sshra.s32 s28, $0x2;
	[sflag:s19] =	ssyncset.done $0x0  }
0x38: {  	s29 =	sadd.s32 $0x1400, s28;
	[sflag:s19] =	ssyncadd.s32 $0xFFFFC000  }
0x39: {  	[spmem:s2] =	stream.indirect.scatter.add.f32 [tilespmem:s15], [sflag:$0x3], $0x80, s29, s14, $0xb8;
	[tilespmem:$0x1E800] =	vst v63  }
0x3a: {  	_ =	swait.ge [sflag:s20], $0x4000  }
0x3b: {  	[sflag:s20] =	ssyncset.done $0x0  }
0x3c: {  	s29 =	sadd.s32 $0x1480, s28;
	[sflag:s20] =	ssyncadd.s32 $0xFFFFC000  }
0x3d: {  	[spmem:s2] =	stream.indirect.scatter.add.f32 [tilespmem:s16], [sflag:$0x4], $0x80, s29, s14, $0xb8;
	[tilespmem:$0x1E800] =	vst v63  }
0x3e: {  	_ =	swait.ge [sflag:s21], $0x4000  }
0x3f: {  	[sflag:s21] =	ssyncset.done $0x0  }
.Ltmp0:
0x40: {  	s29 =	sadd.s32 $0x100, s28;
	[sflag:s21] =	ssyncadd.s32 $0xFFFFC000;
	(pc) =	sbr.rel @p0 .LBB2_2-.Ltmp0, $4  }
0x41: {  	[tilespmem:s15], [sflag:$0x1] =	stream.indirect.gather [hbm4b:s4+s14], $0x80, s29, s14, $0xb8;
	[tilespmem:$0x1E800] =	vst v63  }
0x42: {  	_ =	swait.ge [sflag:s22], $0x4000  }
0x43: {  	[sflag:s22] =	ssyncset.done $0x0  }
0x44: {  	s28 =	sadd.s32 $0x180, s28;
	[sflag:s22] =	ssyncadd.s32 $0xFFFFC000  }
0x45: {  	[tilespmem:s16], [sflag:$0x2] =	stream.indirect.gather [hbm4b:s4+s14], $0x80, s28, s14, $0xb8;
	[tilespmem:$0x1E800] =	vst v63  }
0x46: {  	_ =	swait.ge [sflag:s19], $0x4000  }
0x47: {  	[sflag:s19] =	ssyncset.done $0x0  }
0x48: {  	[sflag:s19] =	ssyncadd.s32 $0xFFFFC000  }
0x49: {  	[spmem:s2] =	stream.indirect.scatter.add.f32 [tilespmem:s15], [sflag:$0x3], $0x80, s23, s14, $0xb8;
	[tilespmem:$0x1E800] =	vst v63  }
0x4a: {  	_ =	swait.ge [sflag:s20], $0x4000  }
0x4b: {  	[sflag:s20] =	ssyncset.done $0x0  }
0x4c: {  	[sflag:s20] =	ssyncadd.s32 $0xFFFFC000  }
0x4d: {  	[spmem:s2] =	stream.indirect.scatter.add.f32 [tilespmem:s16], [sflag:$0x4], $0x80, s24, s14, $0xb8;
	[tilespmem:$0x1E800] =	vst v63  }
0x4e: {  	_ =	swait.ge [sflag:s21], $0x4000  }
0x4f: {  	[sflag:s21] =	ssyncset.done $0x0  }
0x50: {  	[sflag:s21] =	ssyncadd.s32 $0xFFFFC000  }
0x51: {  	_ =	swait.ge [sflag:s22], $0x4000  }
0x52: {  	[sflag:s22] =	ssyncset.done $0x0  }
0x53: {  	s26 =	simm.s32 $0x0;
	[sflag:s22] =	ssyncadd.s32 $0xFFFFC000  }
0x54: {  	[tilespmem:s26], [sflag:$0x5] =	stream.linear.gather [hbm4b:s8+s26], $0x1400, $0x38;
	[tilespmem:$0x1E800] =	vst v63  }
0x55: {  	_ =	swait.ge [sflag:s12], $0x1400  }
0x56: {  	[sflag:s12] =	ssyncset.done $0x0  }
0x57: {  	[sflag:s12] =	ssyncadd.s32 $0xFFFFEC00  }
0x58: {  	[tilespmem:s13], [sflag:$0x5] =	stream.linear.gather [hbm4b:s9+s26], $0x1400, $0x38;
	[tilespmem:$0x1E800] =	vst v63  }
0x59: {  	_ =	swait.ge [sflag:s12], $0x1400  }
0x5a: {  	[sflag:s12] =	ssyncset.done $0x0  }
0x5b: {  	[sflag:s12] =	ssyncadd.s32 $0xFFFFEC00  }
0x5c: {  	[tilespmem:s15], [sflag:$0x1] =	stream.indirect.gather [hbm4b:s4+s14], $0x80, s26, s14, $0xb8;
	[tilespmem:$0x1E800] =	vst v63  }
0x5d: {  	_ = 	snop  }
0x5e: {  	[tilespmem:s16], [sflag:$0x2] =	stream.indirect.gather [hbm4b:s4+s14], $0x80, s14, s14, $0xb8;
	[tilespmem:$0x1E800] =	vst v63  }
0x5f: {  	_ =	swait.ge [sflag:s19], $0x4000  }
0x60: {  	[sflag:s19] =	ssyncset.done $0x0  }
0x61: {  	s29 =	simm.s32 $0x1400;
	[sflag:s19] =	ssyncadd.s32 $0xFFFFC000  }
0x62: {  	[spmem:s2] =	stream.indirect.scatter.add.f32 [tilespmem:s15], [sflag:$0x3], $0x80, s29, s14, $0xb8;
	[tilespmem:$0x1E800] =	vst v63  }
0x63: {  	_ =	swait.ge [sflag:s20], $0x4000  }
0x64: {  	[sflag:s20] =	ssyncset.done $0x0  }
0x65: {  	s30 =	simm.s32 $0x1480;
	[sflag:s20] =	ssyncadd.s32 $0xFFFFC000  }
0x66: {  	[spmem:s2] =	stream.indirect.scatter.add.f32 [tilespmem:s16], [sflag:$0x4], $0x80, s30, s14, $0xb8;
	[tilespmem:$0x1E800] =	vst v63  }
0x67: {  	_ =	swait.ge [sflag:s21], $0x4000  }
0x68: {  	[sflag:s21] =	ssyncset.done $0x0  }
0x69: {  	s31 =	simm.s32 $0x100;
	[sflag:s21] =	ssyncadd.s32 $0xFFFFC000  }
0x6a: {  	[tilespmem:s15], [sflag:$0x1] =	stream.indirect.gather [hbm4b:s4+s14], $0x80, s31, s14, $0xb8;
	[tilespmem:$0x1E800] =	vst v63  }
0x6b: {  	_ =	swait.ge [sflag:s22], $0x4000  }
0x6c: {  	[sflag:s22] =	ssyncset.done $0x0  }
0x6d: {  	s28 =	simm.s32 $0x180;
	s26 =	simm.s32 $0x400;
	[sflag:s22] =	ssyncadd.s32 $0xFFFFC000  }
.LBB2_4:
0x6e: {  	[tilespmem:s16], [sflag:$0x2] =	stream.indirect.gather [hbm4b:s4+s14], $0x80, s28, s14, $0xb8;
	[tilespmem:$0x1E800] =	vst v63  }
0x6f: {  	s28 =	smov.u32 s26  }
0x70: {  	p0 =	sne.s32 s26, $0x4800;
	s26 =	sadd.s32 $0x400, s26;
	_ =	swait.ge [sflag:s19], $0x4000  }
0x71: {  	s28 =	sshra.s32 s28, $0x2;
	[sflag:s19] =	ssyncset.done $0x0  }
0x72: {  	s29 =	sadd.s32 $0x1400, s28;
	[sflag:s19] =	ssyncadd.s32 $0xFFFFC000  }
0x73: {  	[spmem:s2] =	stream.indirect.scatter.add.f32 [tilespmem:s15], [sflag:$0x3], $0x80, s29, s14, $0xb8;
	[tilespmem:$0x1E800] =	vst v63  }
0x74: {  	_ =	swait.ge [sflag:s20], $0x4000  }
0x75: {  	[sflag:s20] =	ssyncset.done $0x0  }
0x76: {  	s29 =	sadd.s32 $0x1480, s28;
	[sflag:s20] =	ssyncadd.s32 $0xFFFFC000  }
0x77: {  	[spmem:s2] =	stream.indirect.scatter.add.f32 [tilespmem:s16], [sflag:$0x4], $0x80, s29, s14, $0xb8;
	[tilespmem:$0x1E800] =	vst v63  }
0x78: {  	_ =	swait.ge [sflag:s21], $0x4000  }
0x79: {  	[sflag:s21] =	ssyncset.done $0x0  }
.Ltmp1:
0x7a: {  	s29 =	sadd.s32 $0x100, s28;
	[sflag:s21] =	ssyncadd.s32 $0xFFFFC000;
	(pc) =	sbr.rel @p0 .LBB2_4-.Ltmp1, $4  }
0x7b: {  	[tilespmem:s15], [sflag:$0x1] =	stream.indirect.gather [hbm4b:s4+s14], $0x80, s29, s14, $0xb8;
	[tilespmem:$0x1E800] =	vst v63  }
0x7c: {  	_ =	swait.ge [sflag:s22], $0x4000  }
0x7d: {  	[sflag:s22] =	ssyncset.done $0x0  }
0x7e: {  	s28 =	sadd.s32 $0x180, s28;
	[sflag:s22] =	ssyncadd.s32 $0xFFFFC000  }
0x7f: {  	[tilespmem:s16], [sflag:$0x2] =	stream.indirect.gather [hbm4b:s4+s14], $0x80, s28, s14, $0xb8;
	[tilespmem:$0x1E800] =	vst v63  }
0x80: {  	_ =	swait.ge [sflag:s19], $0x4000  }
0x81: {  	[sflag:s19] =	ssyncset.done $0x0  }
0x82: {  	[sflag:s19] =	ssyncadd.s32 $0xFFFFC000  }
0x83: {  	[spmem:s2] =	stream.indirect.scatter.add.f32 [tilespmem:s15], [sflag:$0x3], $0x80, s23, s14, $0xb8;
	[tilespmem:$0x1E800] =	vst v63  }
0x84: {  	_ =	swait.ge [sflag:s20], $0x4000  }
0x85: {  	[sflag:s20] =	ssyncset.done $0x0  }
0x86: {  	[sflag:s20] =	ssyncadd.s32 $0xFFFFC000  }
0x87: {  	[spmem:s2] =	stream.indirect.scatter.add.f32 [tilespmem:s16], [sflag:$0x4], $0x80, s24, s14, $0xb8;
	[tilespmem:$0x1E800] =	vst v63  }
0x88: {  	_ =	swait.ge [sflag:s21], $0x4000  }
0x89: {  	[sflag:s21] =	ssyncset.done $0x0  }
0x8a: {  	[sflag:s21] =	ssyncadd.s32 $0xFFFFC000  }
0x8b: {  	_ =	swait.ge [sflag:s22], $0x4000  }
0x8c: {  	s25 =	sadd.s32 $0x1, s25;
	[sflag:s22] =	ssyncset.done $0x0  }
0x8d: {  	p0 =	sne.s32 s25, s11;
	[sflag:s22] =	ssyncadd.s32 $0xFFFFC000  }
.Ltmp2:
0x8e: {  	[bflag:$0x0] =	sbarrier.arrive $0xFFFF;
	(pc) =	sbr.rel @p0 .LBB2_1-.Ltmp2, $4  }
0x8f: {  	[hbm:s10], [sflag:s17] =	dma.local [spmem:s18], $0x2800  }
0x90: {  	_ =	swait.ge [sflag:s12], $0x2800  }
0x91: {  	[sflag:s12] =	ssyncset.done $0x0  }
0x92: {  	[sflag:s12] =	ssyncadd.s32 $0xFFFFD800  }
0x93: {  	_ =	sfence.sel $0x180000  }
0x94: {  	[bflag:$0x0] =	sbarrier.arrive $0xFFFF  }
0x95: {  	p0 =	sne.s32 s1, $0x0;
	_ =	strace $0x9000004A  }
0x96: {  	s0 =	sadd.s32 @!p0 $0x100000, s0;
	[bflag:$0x2] =	sbarrier.arrive $0xFFFF  }
0x97: {  	[sflag:s0] =	ssyncadd.tile.s32 @!p0 $0x1;
	_ =	shalt  }
.Lfunc_end2:
_tile_overlayer_lowered:
.L_overlay_start_2:
0x98: {  	(tag) =	ssettag $0x2  }
0x99: {  	s0 =	rddreg [dreg:$0x0];
	s2 =	stileid.u32  }
0x9a: {  	s1 =	rddreg [dreg:$0x1];
	p0 =	sne.s32 s2, $0x0  }
0x9b: {  	s3 =	rddreg [dreg:$0x2];
	[bflag:$0x3] =	sbarrier.arrive $0xFFFF;
	s2 =	simm.s32 @!p0 $0x1C05  }
0x9c: {  	[timem:s3], [sflag:s2] =	dma.local @!p0 [hbm:s0], s1  }
0x9d: {  	s0 =	simm.s32 @!p0 $0x5  }
0x9e: {  	_ =	swait.ge @!p0 [sflag:s0], s1  }
0x9f: {  	s1 =	ssub.s32 @!p0 $0x0, s1;
	[sflag:s0] =	ssyncset.done @!p0 $0x0  }
0xa0: {  	[sflag:s0] =	ssyncadd.s32 @!p0 s1  }
0xa1: {  	[bflag:$0x3] =	sbarrier.arrive $0xFFFF  }
0xa2: {  	_ =	shalt  }

// kernel: kernel.14.cloned.1.call-start
scs
__scs_entry_jumppad:
0x0: {  	(pc) =	sbr.rel $0x88, $3  }
0x1: {  	(tag) =	ssettag $0x0;
	lr =	simm.s32 $0x1  }
0x2: {  	[smem:$0x3F9B] =	sst lr;
	_ =	strace $0xD0000000  }
0x3: {  	_ = 	snop  }
0x4: {  	_ = 	snop  }
0x5: {  	_ = 	snop  }
0x6: {  	_ = 	snop  }
0x7: {  	_ = 	snop  }
__scs_overlays_trampoline_lowered:
0x8: {  	[smem:$0x3FAA] =	sst s0  }
0x9: {  	[smem:$0x3FAB] =	sst s1  }
0xa: {  	[smem:$0x3FAC] =	sst s2  }
0xb: {  	[smem:$0x3FAD] =	sst s3  }
0xc: {  	[smem:$0x3FAE] =	sst s4  }
0xd: {  	[smem:$0x3FAF] =	sst s5  }
0xe: {  	[smem:$0x3FB0] =	sst s6  }
0xf: {  	[smem:$0x3FB1] =	sst s7  }
0x10: {  	[smem:$0x3FB2] =	sst s8  }
0x11: {  	[smem:$0x3FB3] =	sst s9;
	s0 =	simm.s32 @!p0 $0x0  }
0x12: {  	s1 =	sld [smem:$0x3F99];
	s0 =	simm.s32 @p0 $0x1  }
0x13: {  	[smem:$0x3FB4] =	sst s0;
	s0 =	simm.s32 @!p1 $0x0  }
0x14: {  	s2 =	sld [smem:$0x3F98];
	s0 =	simm.s32 @p1 $0x1  }
0x15: {  	[smem:$0x3FB5] =	sst s0;
	s0 =	simm.s32 @!p2 $0x0  }
0x16: {  	s3 =	sld [smem:$0x3FDB];
	s0 =	simm.s32 @p2 $0x1  }
0x17: {  	s4 =	simm.s32 $0x1BF5;
	[smem:$0x3FB7] =	sst s0  }
0x18: {  	s0 =	sld [smem:$0x3F9A];
	_ =	swait.ge [sflag:s4], $0x0  }
0x19: {  	s7 =	sld [smem:$0x3F9B]  }
0x1a: {  	s8 =	sadd.s32 $0xFFFFE003, lr  }
0x1b: {  	s9 =	sadd.s32 $0xFFFFFEF7, lr;
	s5 =	simm.s32 $0xFFFFFFFF;
	p2 =	slt.u32 s8, $0xFFFFF086  }
0x1c: {  	p1 =	slt.u32 s9, $0xF7A;
	s5 =	simm.s32 @!p2 $0x0  }
0x1d: {  	s5 =	simm.s32 @p1 $0x1;
	p0 =	seq.s32 s7, s2  }
0x1e: {  	s7 =	smul.u32 @!p0 $0xF7A, s2;
	p2 =	seq.s32 @!p0 s5, $0x0  }
0x1f: {  	s9 =	smul.u32 $0xF7A, s1;
	s8 =	simm.s32 @!p0 $0x1BF5;
	p2 =	por !p2, p0  }
0x20: {  	[sflag:s8] =	ssyncset.s32 @!p0 $0xFFFFF086;
	s6 =	sadd.s32 @!p0 s3, s7;
	s7 =	simm.s32 @!p0 $0x108  }
0x21: {  	s3 =	sadd.s32 s3, s9;
	s6 =	sadd.s32 @!p0 $0x88, s6;
	s7 =	simm.s32 @p2 $0x1082  }
0x22: {  	[simem:s7], [sflag:s8] =	dma.local @!p0 [hbm:s6], $0xF7A  }
0x23: {  	s9 =	sor.u32 $0xD0000000, s2;
	s6 =	simm.s32 $0x108;
	_ =	swait.ge @!p0 [sflag:s8], $0x0  }
0x24: {  	s3 =	sadd.s32 $0x88, s3;
	s6 =	simm.s32 @!p1 $0x1082;
	[sflag:s4] =	ssyncset.s32 $0xFFFFF086  }
0x25: {  	[simem:s6], [sflag:s4] =	dma.local [hbm:s3], $0xF7A  }
0x26: {  	[smem:$0x3F9B] =	sst s1;
	(tag) =	ssettag s2;
	_ =	strace s9  }
0x27: {  	s1 =	sld [smem:$0x3FAB]  }
0x28: {  	s2 =	sld [smem:$0x3FAC]  }
0x29: {  	s4 =	sld [smem:$0x3FAE]  }
0x2a: {  	p0 =	seq.s32 s5, $0x0;
	s5 =	sld [smem:$0x3FAF]  }
0x2b: {  	s6 =	sld [smem:$0x3FB0]  }
0x2c: {  	s7 =	sld [smem:$0x3FB1]  }
0x2d: {  	s3 =	simm.s32 $0x108;
	s8 =	sld [smem:$0x3FB2]  }
0x2e: {  	s3 =	simm.s32 @!p0 $0x1082;
	s9 =	sld [smem:$0x3FB3]  }
0x2f: {  	lr =	sadd.s32 s0, s3;
	s0 =	sld [smem:$0x3FAA]  }
0x30: {  	s3 =	sld [smem:$0x3FAD]  }
0x31: {  	[smem:$0x3FB6] =	sst s10  }
0x32: {  	s10 =	sld [smem:$0x3FB4];
	_ =	sdelay $0x3  }
0x33: {  	p0 =	seq.s32 s10, $0x1;
	s10 =	sld [smem:$0x3FB6];
	_ =	sdelay $0x3  }
0x34: {  	[smem:$0x3FB6] =	sst s10  }
0x35: {  	s10 =	sld [smem:$0x3FB5];
	_ =	sdelay $0x3  }
0x36: {  	p1 =	seq.s32 s10, $0x1;
	s10 =	sld [smem:$0x3FB6];
	_ =	sdelay $0x3  }
0x37: {  	[smem:$0x3FB6] =	sst s10  }
0x38: {  	s10 =	sld [smem:$0x3FB7]  }
0x39: {  	_ = 	snop;
	(pc) =	sbr.ind lr, $3  }
0x3a: {  	_ = 	snop  }
0x3b: {  	_ = 	snop  }
0x3c: {  	p2 =	seq.s32 s10, $0x1;
	s10 =	sld [smem:$0x3FB6]  }
0x3d: {  	_ =	shalt  }
0x3e: {  	_ =	shalt  }
0x3f: {  	_ =	shalt  }
0x40: {  	_ =	shalt  }
0x41: {  	_ =	shalt  }
0x42: {  	_ =	shalt  }
0x43: {  	_ =	shalt  }
0x44: {  	_ =	shalt  }
0x45: {  	_ =	shalt  }
0x46: {  	_ =	shalt  }
0x47: {  	_ =	shalt  }
0x48: {  	_ =	shalt  }
0x49: {  	_ =	shalt  }
0x4a: {  	_ =	shalt  }
0x4b: {  	_ =	shalt  }
0x4c: {  	_ =	shalt  }
0x4d: {  	_ =	shalt  }
0x4e: {  	_ =	shalt  }
0x4f: {  	_ =	shalt  }
0x50: {  	_ =	shalt  }
0x51: {  	_ =	shalt  }
0x52: {  	_ =	shalt  }
0x53: {  	_ =	shalt  }
0x54: {  	_ =	shalt  }
0x55: {  	_ =	shalt  }
0x56: {  	_ =	shalt  }
0x57: {  	_ =	shalt  }
0x58: {  	_ =	shalt  }
0x59: {  	_ =	shalt  }
0x5a: {  	_ =	shalt  }
0x5b: {  	_ =	shalt  }
0x5c: {  	_ =	shalt  }
0x5d: {  	_ =	shalt  }
0x5e: {  	_ =	shalt  }
0x5f: {  	_ =	shalt  }
0x60: {  	_ =	shalt  }
0x61: {  	_ =	shalt  }
0x62: {  	_ =	shalt  }
0x63: {  	_ =	shalt  }
0x64: {  	_ =	shalt  }
0x65: {  	_ =	shalt  }
0x66: {  	_ =	shalt  }
0x67: {  	_ =	shalt  }
0x68: {  	_ =	shalt  }
0x69: {  	_ =	shalt  }
0x6a: {  	_ =	shalt  }
0x6b: {  	_ =	shalt  }
0x6c: {  	_ =	shalt  }
0x6d: {  	_ =	shalt  }
0x6e: {  	_ =	shalt  }
0x6f: {  	_ =	shalt  }
0x70: {  	_ =	shalt  }
0x71: {  	_ =	shalt  }
0x72: {  	_ =	shalt  }
0x73: {  	_ =	shalt  }
0x74: {  	_ =	shalt  }
0x75: {  	_ =	shalt  }
0x76: {  	_ =	shalt  }
0x77: {  	_ =	shalt  }
0x78: {  	_ =	shalt  }
0x79: {  	_ =	shalt  }
0x7a: {  	_ =	shalt  }
0x7b: {  	_ =	shalt  }
0x7c: {  	_ =	shalt  }
0x7d: {  	_ =	shalt  }
0x7e: {  	_ =	shalt  }
0x7f: {  	_ =	shalt  }
0x80: {  	_ =	shalt  }
0x81: {  	_ =	shalt  }
0x82: {  	_ =	shalt  }
0x83: {  	_ =	shalt  }
0x84: {  	_ =	shalt  }
0x85: {  	_ =	shalt  }
0x86: {  	_ =	shalt  }
0x87: {  	_ =	shalt  }
.Lfunc_end0:
.L_simem_size_0:
called_computation.2_lowered:
.L_overlay_start_0:
0x88: {  	s2 =	sld [smem:$0x3FD9]  }
0x89: {  	s3 =	sld [smem:$0x3FFE];
	_ =	sdelay $0x1  }
0x8a: {  	s1 =	srdreg.scid  }
0x8b: {  	s0 =	sand.u32 $0x1, s1  }
0x8c: {  	s14 =	sshll.u32 s0, $0xA;
	s2 =	sadd.s32 s3, s2  }
0x8d: {  	s2 =	sadd.s32 s2, s14  }
0x8e: {  	[smem:$0x3FC2] =	sst s2  }
0x8f: {  	_ = 	snop  }
0x90: {  	s2 =	sld [smem:$0x3FD0];
	_ =	sdelay $0x2  }
0x91: {  	s15 =	simm.s32 $0xA;
	s4 =	simm.s32 $0x10  }
0x92: {  	[smem:s4], [sflag:s15] =	dma.local [hbm:s2], $0x1  }
0x93: {  	_ =	swait.eq [sflag:s15], $0x1  }
0x94: {  	[sflag:s15] =	ssyncset.done $0x0  }
0x95: {  	[sflag:s15] =	ssyncadd.s32 $0xFFFFFFFF  }
0x96: {  	s16 =	sld [smem:$0x11];
	(tm) =	ssettm $0x1  }
0x97: {  	s17 =	sld [smem:$0x3FFB];
	_ =	sdelay $0x3  }
0x98: {  	_ =	strace s17  }
0x99: {  	s3 =	sld [smem:$0x3FFC];
	_ =	sdelay $0x3  }
0x9a: {  	_ =	strace s3  }
0x9b: {  	s3 =	sld [smem:$0x3FFD];
	_ =	sdelay $0x3  }
0x9c: {  	_ =	strace s3  }
0x9d: {  	_ =	strace $0x8FFFFFFF  }
0x9e: {  	s18 =	sld [smem:$0x3FDB];
	_ =	sdelay $0x1  }
0x9f: {  	s19 =	simm.s32 $_scs_section_size  }
0xa0: {  	s5 =	simm.s32 $_size__tile_overlayer_lowered;
	s6 =	simm.s32 $_tile_overlayer_lowered  }
0xa1: {  	s22 =	simm.s32 $0x1BFF;
	s21 =	sshll.u32 s6, $0x1;
	s3 =	sadd.s32 s19, s18  }
0xa2: {  	s7 =	simm.s32 $0x0;
	s20 =	sshll.u32 s5, $0x1;
	s5 =	sadd.s32 s21, s3  }
0xa3: {  	[timem:s7], [sflag:s22] =	dma.local [hbm:s5], s20  }
0xa4: {  	_ =	swait.ge [sflag:s22], s20  }
0xa5: {  	s4 =	ssub.s32 $0x0, s20;
	[sflag:s22] =	ssyncset.done $0x0  }
0xa6: {  	[sflag:s22] =	ssyncadd.s32 s4;
	_ =	sdelay $0x1  }
0xa7: {  	s23 =	simm.s32 $0x1B8B  }
0xa8: {  	_ =	swait.ge [sflag:s23], $0x1  }
0xa9: {  	[sflag:s23] =	ssyncset.done $0x0  }
0xaa: {  	s25 =	simm.s32 $0x1B8E;
	s24 =	sld [smem:$0x3FFE];
	[sflag:s23] =	ssyncadd.s32 $0xFFFFFFFF  }
0xab: {  	s26 =	simm.s32 $execute0_lowered;
	[smem:$0x3FD2] =	sst s25  }
0xac: {  	s5 =	sshll.u32 s26, $0x1;
	_ =	strace $0x8000004C;
	[dreg:$0x1] =	wrdreg $0xFFFFFFFF  }
0xad: {  	s28 =	simm.s32 $_size_execute0_lowered;
	s3 =	sadd.s32 s3, s5;
	[dreg:$0x0] =	wrdreg $0x0  }
0xae: {  	s5 =	sshll.u32 s28, $0x1;
	[dreg:$0x2] =	wrdreg s3  }
0xaf: {  	[dreg:$0x3] =	wrdreg s5  }
0xb0: {  	[dreg:$0x4] =	wrdreg $0xC0  }
0xb1: {  	_ =	task [dreg:s7], $0x5FFFF  }
0xb2: {  	[dreg:$0x1] =	wrdreg $0xFFFFFFFF  }
0xb3: {  	[dreg:$0x0] =	wrdreg $0x60  }
0xb4: {  	[dreg:$0x2] =	wrdreg s24  }
0xb5: {  	[dreg:$0x3] =	wrdreg s16  }
0xb6: {  	[dreg:$0x4] =	wrdreg $0xA8000  }
0xb7: {  	[dreg:$0x5] =	wrdreg $0x9  }
0xb8: {  	_ =	task.clear_ibuf [dreg:s7], $0x6FFFF;
	_ =	strace $0x9000004C  }
0xb9: {  	s29 =	simm.s32 $0x9;
	_ =	strace $0x8000004E  }
0xba: {  	_ =	swait.ge [sflag:s29], $0x1  }
0xbb: {  	[sflag:s29] =	ssyncadd.s32 $0xFFFFFFFF  }
0xbc: {  	_ =	strace $0x9000004E  }
0xbd: {  	_ =	sfence  }
0xbe: {  	s30 =	sld [smem:$0x0];
	_ =	sdelay $0x2  }
0xbf: {  	s31 =	sshll.u32 s1, $0xD;
	s1 =	sshrl.u32 s1, $0x2  }
0xc0: {  	s3 =	sand.u32 $0x4000, s31;
	s1 =	sadd.s32 s1, s30  }
0xc1: {  	s0 =	sor.u32 s3, s0;
	s1 =	sshll.u32 s1, $0x11  }
0xc2: {  	s0 =	sor.u32 s1, s0  }
0xc3: {  	s0 =	sadd.s32 $0x8F2B, s0  }
0xc4: {  	[sflag:s0] =	ssyncadd.remote.s32 $0x1  }
0xc5: {  	_ =	sfence.sel $0xFFFF  }
0xc6: {  	[dreg:$0x0] =	wrdreg $0xFFFFFFFF;
	(pc) =	sbr.abs _section_cstart, $3  }
0xc7: {  	[dreg:$0x1] =	wrdreg $0xFFFFFFFF  }
0xc8: {  	_ =	task.clear_ibuf [dreg:s7], $0x2FFFF;
	_ =	strace $0x9FFFFFFF  }
0xc9: {  	(tm) =	ssettm $0x7FFFFFFF  }
tec
execute0_lowered:
.L_overlay_start_1:
0x0: {  	(tag) =	ssettag $0x1  }
0x1: {  	s5 =	rddreg [dreg:$0x0]  }
0x2: {  	s9 =	rddreg [dreg:$0x1]  }
0x3: {  	s2 =	rddreg [dreg:$0x2]  }
0x4: {  	s0 =	rddreg [dreg:$0x3];
	s3 =	simm.s32 $0x0  }
0x5: {  	s1 =	stileid.u32;
	s4 =	srdreg.scid;
	s16 =	simm.s32 $0x6800  }
0x6: {  	s19 =	simm.s32 $0x1;
	s20 =	simm.s32 $0x2;
	s21 =	simm.s32 $0x3  }
0x7: {  	s22 =	simm.s32 $0x4;
	s23 =	simm.s32 $0x2700;
	s24 =	simm.s32 $0x2780  }
0x8: {  	s25 =	simm.s32 $0x0;
	[smem:$0x7FF] =	sst s3;
	s6 =	smul.u32 $0x14000, s1  }
0x9: {  	s7 =	sand.u32 $0x1, s4;
	s4 =	sadd.s32 $0xC000, s5;
	s11 =	sadd.s32 $0x2000, s5  }
0xa: {  	s14 =	smul.u32 $0x50000, s1;
	s17 =	sshll.u32 s1, $0x6;
	_ =	strace $0x8000004D  }
0xb: {  	s8 =	smul.u32 $0x140000, s7;
	s10 =	sshll.u32 s7, $0x4;
	s7 =	ssub.s32 $0x2, s7  }
0xc: {  	s17 =	sor.u32 $0x1C05, s17;
	s12 =	sshrl.u32 s6, $0x3;
	s10 =	sor.u32 s1, s10  }
0xd: {  	s29 =	sshrl.u32 s7, $0x1;
	s31 =	sshrl.u32 s14, $0x2;
	s14 =	simm.s32 $0x80  }
0xe: {  	s12 =	sadd.s32 s12, s5;
	s6 =	sadd.s32 s6, s8;
	s28 =	smul.u32 $0x500, s10  }
0xf: {  	s10 =	smul.u32 $0x2800, s10;
	s15 =	ssub.s32 s7, s29;
	s18 =	sadd.s32 s31, s2  }
0x10: {  	s6 =	sshrl.u32 s6, $0x3;
	s7 =	sadd.s32 $0x34000, s12;
	s12 =	simm.s32 $0x5  }
0x11: {  	s18 =	sshrl.u32 s18, $0x3;
	s13 =	sadd.s32 s6, s5;
	s30 =	sshrl.u32 s10, $0x3  }
0x12: {  	s5 =	sadd.s32 s11, s28;
	s6 =	sadd.s32 s9, s28;
	s10 =	sadd.s32 $0x280, s30  }
0x13: {  	s8 =	sadd.s32 s11, s10;
	s9 =	sadd.s32 s9, s10;
	s10 =	sadd.s32 $0x5C000, s13  }
0x14: {  	s11 =	smax.u32 s15, $0x1;
	s13 =	simm.s32 $0x1400;
	s15 =	simm.s32 $0x2800  }
.LBB2_1:
0x15: {  	[tilespmem:s3], [sflag:$0x5] =	stream.linear.gather [hbm4b:s5+s3], $0x1400, $0x38;
	[tilespmem:$0x1E800] =	vst v63  }
0x16: {  	_ =	swait.ge [sflag:s12], $0x1400  }
0x17: {  	[sflag:s12] =	ssyncset.done $0x0  }
0x18: {  	[sflag:s12] =	ssyncadd.s32 $0xFFFFEC00  }
0x19: {  	[tilespmem:s13], [sflag:$0x5] =	stream.linear.gather [hbm4b:s6+s3], $0x1400, $0x38;
	[tilespmem:$0x1E800] =	vst v63  }
0x1a: {  	_ =	swait.ge [sflag:s12], $0x1400  }
0x1b: {  	[sflag:s12] =	ssyncset.done $0x0  }
0x1c: {  	[sflag:s12] =	ssyncadd.s32 $0xFFFFEC00  }
0x1d: {  	[tilespmem:s15], [sflag:$0x1] =	stream.indirect.gather [hbm4b:s4+s14], $0x80, s3, s14, $0xb8;
	[tilespmem:$0x1E800] =	vst v63  }
0x1e: {  	_ = 	snop  }
0x1f: {  	[tilespmem:s16], [sflag:$0x2] =	stream.indirect.gather [hbm4b:s4+s14], $0x80, s14, s14, $0xb8;
	[tilespmem:$0x1E800] =	vst v63  }
0x20: {  	[spmem:s18], [sflag:s17] =	dma.local [hbm:s7], $0x2800  }
0x21: {  	_ =	swait.ge [sflag:s12], $0x2800  }
0x22: {  	[sflag:s12] =	ssyncset.done $0x0  }
0x23: {  	[sflag:s12] =	ssyncadd.s32 $0xFFFFD800  }
0x24: {  	[bflag:$0x0] =	sbarrier.arrive $0xFFFF  }
0x25: {  	_ =	swait.ge [sflag:s19], $0x4000  }
0x26: {  	[sflag:s19] =	ssyncset.done $0x0  }
0x27: {  	s26 =	simm.s32 $0x1400;
	[sflag:s19] =	ssyncadd.s32 $0xFFFFC000  }
0x28: {  	[spmem:s2] =	stream.indirect.scatter.add.f32 [tilespmem:s15], [sflag:$0x3], $0x80, s26, s14, $0xb8;
	[tilespmem:$0x1E800] =	vst v63  }
0x29: {  	_ =	swait.ge [sflag:s20], $0x4000  }
0x2a: {  	[sflag:s20] =	ssyncset.done $0x0  }
0x2b: {  	s30 =	simm.s32 $0x1480;
	[sflag:s20] =	ssyncadd.s32 $0xFFFFC000  }
0x2c: {  	[spmem:s2] =	stream.indirect.scatter.add.f32 [tilespmem:s16], [sflag:$0x4], $0x80, s30, s14, $0xb8;
	[tilespmem:$0x1E800] =	vst v63  }
0x2d: {  	_ =	swait.ge [sflag:s21], $0x4000  }
0x2e: {  	[sflag:s21] =	ssyncset.done $0x0  }
0x2f: {  	s31 =	simm.s32 $0x100;
	[sflag:s21] =	ssyncadd.s32 $0xFFFFC000  }
0x30: {  	[tilespmem:s15], [sflag:$0x1] =	stream.indirect.gather [hbm4b:s4+s14], $0x80, s31, s14, $0xb8;
	[tilespmem:$0x1E800] =	vst v63  }
0x31: {  	_ =	swait.ge [sflag:s22], $0x4000  }
0x32: {  	[sflag:s22] =	ssyncset.done $0x0  }
0x33: {  	s28 =	simm.s32 $0x180;
	s26 =	simm.s32 $0x400;
	[sflag:s22] =	ssyncadd.s32 $0xFFFFC000  }
.LBB2_2:
0x34: {  	[tilespmem:s16], [sflag:$0x2] =	stream.indirect.gather [hbm4b:s4+s14], $0x80, s28, s14, $0xb8;
	[tilespmem:$0x1E800] =	vst v63  }
0x35: {  	s28 =	smov.u32 s26  }
0x36: {  	p0 =	sne.s32 s26, $0x4800;
	s26 =	sadd.s32 $0x400, s26;
	_ =	swait.ge [sflag:s19], $0x4000  }
0x37: {  	s28 =	sshra.s32 s28, $0x2;
	[sflag:s19] =	ssyncset.done $0x0  }
0x38: {  	s29 =	sadd.s32 $0x1400, s28;
	[sflag:s19] =	ssyncadd.s32 $0xFFFFC000  }
0x39: {  	[spmem:s2] =	stream.indirect.scatter.add.f32 [tilespmem:s15], [sflag:$0x3], $0x80, s29, s14, $0xb8;
	[tilespmem:$0x1E800] =	vst v63  }
0x3a: {  	_ =	swait.ge [sflag:s20], $0x4000  }
0x3b: {  	[sflag:s20] =	ssyncset.done $0x0  }
0x3c: {  	s29 =	sadd.s32 $0x1480, s28;
	[sflag:s20] =	ssyncadd.s32 $0xFFFFC000  }
0x3d: {  	[spmem:s2] =	stream.indirect.scatter.add.f32 [tilespmem:s16], [sflag:$0x4], $0x80, s29, s14, $0xb8;
	[tilespmem:$0x1E800] =	vst v63  }
0x3e: {  	_ =	swait.ge [sflag:s21], $0x4000  }
0x3f: {  	[sflag:s21] =	ssyncset.done $0x0  }
.Ltmp0:
0x40: {  	s29 =	sadd.s32 $0x100, s28;
	[sflag:s21] =	ssyncadd.s32 $0xFFFFC000;
	(pc) =	sbr.rel @p0 .LBB2_2-.Ltmp0, $4  }
0x41: {  	[tilespmem:s15], [sflag:$0x1] =	stream.indirect.gather [hbm4b:s4+s14], $0x80, s29, s14, $0xb8;
	[tilespmem:$0x1E800] =	vst v63  }
0x42: {  	_ =	swait.ge [sflag:s22], $0x4000  }
0x43: {  	[sflag:s22] =	ssyncset.done $0x0  }
0x44: {  	s28 =	sadd.s32 $0x180, s28;
	[sflag:s22] =	ssyncadd.s32 $0xFFFFC000  }
0x45: {  	[tilespmem:s16], [sflag:$0x2] =	stream.indirect.gather [hbm4b:s4+s14], $0x80, s28, s14, $0xb8;
	[tilespmem:$0x1E800] =	vst v63  }
0x46: {  	_ =	swait.ge [sflag:s19], $0x4000  }
0x47: {  	[sflag:s19] =	ssyncset.done $0x0  }
0x48: {  	[sflag:s19] =	ssyncadd.s32 $0xFFFFC000  }
0x49: {  	[spmem:s2] =	stream.indirect.scatter.add.f32 [tilespmem:s15], [sflag:$0x3], $0x80, s23, s14, $0xb8;
	[tilespmem:$0x1E800] =	vst v63  }
0x4a: {  	_ =	swait.ge [sflag:s20], $0x4000  }
0x4b: {  	[sflag:s20] =	ssyncset.done $0x0  }
0x4c: {  	[sflag:s20] =	ssyncadd.s32 $0xFFFFC000  }
0x4d: {  	[spmem:s2] =	stream.indirect.scatter.add.f32 [tilespmem:s16], [sflag:$0x4], $0x80, s24, s14, $0xb8;
	[tilespmem:$0x1E800] =	vst v63  }
0x4e: {  	_ =	swait.ge [sflag:s21], $0x4000  }
0x4f: {  	[sflag:s21] =	ssyncset.done $0x0  }
0x50: {  	[sflag:s21] =	ssyncadd.s32 $0xFFFFC000  }
0x51: {  	_ =	swait.ge [sflag:s22], $0x4000  }
0x52: {  	[sflag:s22] =	ssyncset.done $0x0  }
0x53: {  	s26 =	simm.s32 $0x0;
	[sflag:s22] =	ssyncadd.s32 $0xFFFFC000  }
0x54: {  	[tilespmem:s26], [sflag:$0x5] =	stream.linear.gather [hbm4b:s8+s26], $0x1400, $0x38;
	[tilespmem:$0x1E800] =	vst v63  }
0x55: {  	_ =	swait.ge [sflag:s12], $0x1400  }
0x56: {  	[sflag:s12] =	ssyncset.done $0x0  }
0x57: {  	[sflag:s12] =	ssyncadd.s32 $0xFFFFEC00  }
0x58: {  	[tilespmem:s13], [sflag:$0x5] =	stream.linear.gather [hbm4b:s9+s26], $0x1400, $0x38;
	[tilespmem:$0x1E800] =	vst v63  }
0x59: {  	_ =	swait.ge [sflag:s12], $0x1400  }
0x5a: {  	[sflag:s12] =	ssyncset.done $0x0  }
0x5b: {  	[sflag:s12] =	ssyncadd.s32 $0xFFFFEC00  }
0x5c: {  	[tilespmem:s15], [sflag:$0x1] =	stream.indirect.gather [hbm4b:s4+s14], $0x80, s26, s14, $0xb8;
	[tilespmem:$0x1E800] =	vst v63  }
0x5d: {  	_ = 	snop  }
0x5e: {  	[tilespmem:s16], [sflag:$0x2] =	stream.indirect.gather [hbm4b:s4+s14], $0x80, s14, s14, $0xb8;
	[tilespmem:$0x1E800] =	vst v63  }
0x5f: {  	_ =	swait.ge [sflag:s19], $0x4000  }
0x60: {  	[sflag:s19] =	ssyncset.done $0x0  }
0x61: {  	s29 =	simm.s32 $0x1400;
	[sflag:s19] =	ssyncadd.s32 $0xFFFFC000  }
0x62: {  	[spmem:s2] =	stream.indirect.scatter.add.f32 [tilespmem:s15], [sflag:$0x3], $0x80, s29, s14, $0xb8;
	[tilespmem:$0x1E800] =	vst v63  }
0x63: {  	_ =	swait.ge [sflag:s20], $0x4000  }
0x64: {  	[sflag:s20] =	ssyncset.done $0x0  }
0x65: {  	s30 =	simm.s32 $0x1480;
	[sflag:s20] =	ssyncadd.s32 $0xFFFFC000  }
0x66: {  	[spmem:s2] =	stream.indirect.scatter.add.f32 [tilespmem:s16], [sflag:$0x4], $0x80, s30, s14, $0xb8;
	[tilespmem:$0x1E800] =	vst v63  }
0x67: {  	_ =	swait.ge [sflag:s21], $0x4000  }
0x68: {  	[sflag:s21] =	ssyncset.done $0x0  }
0x69: {  	s31 =	simm.s32 $0x100;
	[sflag:s21] =	ssyncadd.s32 $0xFFFFC000  }
0x6a: {  	[tilespmem:s15], [sflag:$0x1] =	stream.indirect.gather [hbm4b:s4+s14], $0x80, s31, s14, $0xb8;
	[tilespmem:$0x1E800] =	vst v63  }
0x6b: {  	_ =	swait.ge [sflag:s22], $0x4000  }
0x6c: {  	[sflag:s22] =	ssyncset.done $0x0  }
0x6d: {  	s28 =	simm.s32 $0x180;
	s26 =	simm.s32 $0x400;
	[sflag:s22] =	ssyncadd.s32 $0xFFFFC000  }
.LBB2_4:
0x6e: {  	[tilespmem:s16], [sflag:$0x2] =	stream.indirect.gather [hbm4b:s4+s14], $0x80, s28, s14, $0xb8;
	[tilespmem:$0x1E800] =	vst v63  }
0x6f: {  	s28 =	smov.u32 s26  }
0x70: {  	p0 =	sne.s32 s26, $0x4800;
	s26 =	sadd.s32 $0x400, s26;
	_ =	swait.ge [sflag:s19], $0x4000  }
0x71: {  	s28 =	sshra.s32 s28, $0x2;
	[sflag:s19] =	ssyncset.done $0x0  }
0x72: {  	s29 =	sadd.s32 $0x1400, s28;
	[sflag:s19] =	ssyncadd.s32 $0xFFFFC000  }
0x73: {  	[spmem:s2] =	stream.indirect.scatter.add.f32 [tilespmem:s15], [sflag:$0x3], $0x80, s29, s14, $0xb8;
	[tilespmem:$0x1E800] =	vst v63  }
0x74: {  	_ =	swait.ge [sflag:s20], $0x4000  }
0x75: {  	[sflag:s20] =	ssyncset.done $0x0  }
0x76: {  	s29 =	sadd.s32 $0x1480, s28;
	[sflag:s20] =	ssyncadd.s32 $0xFFFFC000  }
0x77: {  	[spmem:s2] =	stream.indirect.scatter.add.f32 [tilespmem:s16], [sflag:$0x4], $0x80, s29, s14, $0xb8;
	[tilespmem:$0x1E800] =	vst v63  }
0x78: {  	_ =	swait.ge [sflag:s21], $0x4000  }
0x79: {  	[sflag:s21] =	ssyncset.done $0x0  }
.Ltmp1:
0x7a: {  	s29 =	sadd.s32 $0x100, s28;
	[sflag:s21] =	ssyncadd.s32 $0xFFFFC000;
	(pc) =	sbr.rel @p0 .LBB2_4-.Ltmp1, $4  }
0x7b: {  	[tilespmem:s15], [sflag:$0x1] =	stream.indirect.gather [hbm4b:s4+s14], $0x80, s29, s14, $0xb8;
	[tilespmem:$0x1E800] =	vst v63  }
0x7c: {  	_ =	swait.ge [sflag:s22], $0x4000  }
0x7d: {  	[sflag:s22] =	ssyncset.done $0x0  }
0x7e: {  	s28 =	sadd.s32 $0x180, s28;
	[sflag:s22] =	ssyncadd.s32 $0xFFFFC000  }
0x7f: {  	[tilespmem:s16], [sflag:$0x2] =	stream.indirect.gather [hbm4b:s4+s14], $0x80, s28, s14, $0xb8;
	[tilespmem:$0x1E800] =	vst v63  }
0x80: {  	_ =	swait.ge [sflag:s19], $0x4000  }
0x81: {  	[sflag:s19] =	ssyncset.done $0x0  }
0x82: {  	[sflag:s19] =	ssyncadd.s32 $0xFFFFC000  }
0x83: {  	[spmem:s2] =	stream.indirect.scatter.add.f32 [tilespmem:s15], [sflag:$0x3], $0x80, s23, s14, $0xb8;
	[tilespmem:$0x1E800] =	vst v63  }
0x84: {  	_ =	swait.ge [sflag:s20], $0x4000  }
0x85: {  	[sflag:s20] =	ssyncset.done $0x0  }
0x86: {  	[sflag:s20] =	ssyncadd.s32 $0xFFFFC000  }
0x87: {  	[spmem:s2] =	stream.indirect.scatter.add.f32 [tilespmem:s16], [sflag:$0x4], $0x80, s24, s14, $0xb8;
	[tilespmem:$0x1E800] =	vst v63  }
0x88: {  	_ =	swait.ge [sflag:s21], $0x4000  }
0x89: {  	[sflag:s21] =	ssyncset.done $0x0  }
0x8a: {  	[sflag:s21] =	ssyncadd.s32 $0xFFFFC000  }
0x8b: {  	_ =	swait.ge [sflag:s22], $0x4000  }
0x8c: {  	s25 =	sadd.s32 $0x1, s25;
	[sflag:s22] =	ssyncset.done $0x0  }
0x8d: {  	p0 =	sne.s32 s25, s11;
	[sflag:s22] =	ssyncadd.s32 $0xFFFFC000  }
.Ltmp2:
0x8e: {  	[bflag:$0x0] =	sbarrier.arrive $0xFFFF;
	(pc) =	sbr.rel @p0 .LBB2_1-.Ltmp2, $4  }
0x8f: {  	[hbm:s10], [sflag:s17] =	dma.local [spmem:s18], $0x2800  }
0x90: {  	_ =	swait.ge [sflag:s12], $0x2800  }
0x91: {  	[sflag:s12] =	ssyncset.done $0x0  }
0x92: {  	[sflag:s12] =	ssyncadd.s32 $0xFFFFD800  }
0x93: {  	_ =	sfence.sel $0x180000  }
0x94: {  	[bflag:$0x0] =	sbarrier.arrive $0xFFFF  }
0x95: {  	p0 =	sne.s32 s1, $0x0;
	_ =	strace $0x9000004D  }
0x96: {  	s0 =	sadd.s32 @!p0 $0x100000, s0;
	[bflag:$0x2] =	sbarrier.arrive $0xFFFF  }
0x97: {  	[sflag:s0] =	ssyncadd.tile.s32 @!p0 $0x1;
	_ =	shalt  }
.Lfunc_end2:
_tile_overlayer_lowered:
.L_overlay_start_2:
0x98: {  	(tag) =	ssettag $0x2  }
0x99: {  	s0 =	rddreg [dreg:$0x0];
	s2 =	stileid.u32  }
0x9a: {  	s1 =	rddreg [dreg:$0x1];
	p0 =	sne.s32 s2, $0x0  }
0x9b: {  	s3 =	rddreg [dreg:$0x2];
	[bflag:$0x3] =	sbarrier.arrive $0xFFFF;
	s2 =	simm.s32 @!p0 $0x1C05  }
0x9c: {  	[timem:s3], [sflag:s2] =	dma.local @!p0 [hbm:s0], s1  }
0x9d: {  	s0 =	simm.s32 @!p0 $0x5  }
0x9e: {  	_ =	swait.ge @!p0 [sflag:s0], s1  }
0x9f: {  	s1 =	ssub.s32 @!p0 $0x0, s1;
	[sflag:s0] =	ssyncset.done @!p0 $0x0  }
0xa0: {  	[sflag:s0] =	ssyncadd.s32 @!p0 s1  }
0xa1: {  	[bflag:$0x3] =	sbarrier.arrive $0xFFFF  }
0xa2: {  	_ =	shalt  }

// kernel: kernel.8.cloned.1.call-start
scs
__scs_entry_jumppad:
0x0: {  	(pc) =	sbr.rel $0x88, $3  }
0x1: {  	(tag) =	ssettag $0x0;
	lr =	simm.s32 $0x1  }
0x2: {  	[smem:$0x3F9B] =	sst lr;
	_ =	strace $0xD0000000  }
0x3: {  	_ = 	snop  }
0x4: {  	_ = 	snop  }
0x5: {  	_ = 	snop  }
0x6: {  	_ = 	snop  }
0x7: {  	_ = 	snop  }
__scs_overlays_trampoline_lowered:
0x8: {  	[smem:$0x3FAA] =	sst s0  }
0x9: {  	[smem:$0x3FAB] =	sst s1  }
0xa: {  	[smem:$0x3FAC] =	sst s2  }
0xb: {  	[smem:$0x3FAD] =	sst s3  }
0xc: {  	[smem:$0x3FAE] =	sst s4  }
0xd: {  	[smem:$0x3FAF] =	sst s5  }
0xe: {  	[smem:$0x3FB0] =	sst s6  }
0xf: {  	[smem:$0x3FB1] =	sst s7  }
0x10: {  	[smem:$0x3FB2] =	sst s8  }
0x11: {  	[smem:$0x3FB3] =	sst s9;
	s0 =	simm.s32 @!p0 $0x0  }
0x12: {  	s1 =	sld [smem:$0x3F99];
	s0 =	simm.s32 @p0 $0x1  }
0x13: {  	[smem:$0x3FB4] =	sst s0;
	s0 =	simm.s32 @!p1 $0x0  }
0x14: {  	s2 =	sld [smem:$0x3F98];
	s0 =	simm.s32 @p1 $0x1  }
0x15: {  	[smem:$0x3FB5] =	sst s0;
	s0 =	simm.s32 @!p2 $0x0  }
0x16: {  	s3 =	sld [smem:$0x3FDB];
	s0 =	simm.s32 @p2 $0x1  }
0x17: {  	s4 =	simm.s32 $0x1BF5;
	[smem:$0x3FB7] =	sst s0  }
0x18: {  	s0 =	sld [smem:$0x3F9A];
	_ =	swait.ge [sflag:s4], $0x0  }
0x19: {  	s7 =	sld [smem:$0x3F9B]  }
0x1a: {  	s8 =	sadd.s32 $0xFFFFE003, lr  }
0x1b: {  	s9 =	sadd.s32 $0xFFFFFEF7, lr;
	s5 =	simm.s32 $0xFFFFFFFF;
	p2 =	slt.u32 s8, $0xFFFFF086  }
0x1c: {  	p1 =	slt.u32 s9, $0xF7A;
	s5 =	simm.s32 @!p2 $0x0  }
0x1d: {  	s5 =	simm.s32 @p1 $0x1;
	p0 =	seq.s32 s7, s2  }
0x1e: {  	s7 =	smul.u32 @!p0 $0xF7A, s2;
	p2 =	seq.s32 @!p0 s5, $0x0  }
0x1f: {  	s9 =	smul.u32 $0xF7A, s1;
	s8 =	simm.s32 @!p0 $0x1BF5;
	p2 =	por !p2, p0  }
0x20: {  	[sflag:s8] =	ssyncset.s32 @!p0 $0xFFFFF086;
	s6 =	sadd.s32 @!p0 s3, s7;
	s7 =	simm.s32 @!p0 $0x108  }
0x21: {  	s3 =	sadd.s32 s3, s9;
	s6 =	sadd.s32 @!p0 $0x88, s6;
	s7 =	simm.s32 @p2 $0x1082  }
0x22: {  	[simem:s7], [sflag:s8] =	dma.local @!p0 [hbm:s6], $0xF7A  }
0x23: {  	s9 =	sor.u32 $0xD0000000, s2;
	s6 =	simm.s32 $0x108;
	_ =	swait.ge @!p0 [sflag:s8], $0x0  }
0x24: {  	s3 =	sadd.s32 $0x88, s3;
	s6 =	simm.s32 @!p1 $0x1082;
	[sflag:s4] =	ssyncset.s32 $0xFFFFF086  }
0x25: {  	[simem:s6], [sflag:s4] =	dma.local [hbm:s3], $0xF7A  }
0x26: {  	[smem:$0x3F9B] =	sst s1;
	(tag) =	ssettag s2;
	_ =	strace s9  }
0x27: {  	s1 =	sld [smem:$0x3FAB]  }
0x28: {  	s2 =	sld [smem:$0x3FAC]  }
0x29: {  	s4 =	sld [smem:$0x3FAE]  }
0x2a: {  	p0 =	seq.s32 s5, $0x0;
	s5 =	sld [smem:$0x3FAF]  }
0x2b: {  	s6 =	sld [smem:$0x3FB0]  }
0x2c: {  	s7 =	sld [smem:$0x3FB1]  }
0x2d: {  	s3 =	simm.s32 $0x108;
	s8 =	sld [smem:$0x3FB2]  }
0x2e: {  	s3 =	simm.s32 @!p0 $0x1082;
	s9 =	sld [smem:$0x3FB3]  }
0x2f: {  	lr =	sadd.s32 s0, s3;
	s0 =	sld [smem:$0x3FAA]  }
0x30: {  	s3 =	sld [smem:$0x3FAD]  }
0x31: {  	[smem:$0x3FB6] =	sst s10  }
0x32: {  	s10 =	sld [smem:$0x3FB4];
	_ =	sdelay $0x3  }
0x33: {  	p0 =	seq.s32 s10, $0x1;
	s10 =	sld [smem:$0x3FB6];
	_ =	sdelay $0x3  }
0x34: {  	[smem:$0x3FB6] =	sst s10  }
0x35: {  	s10 =	sld [smem:$0x3FB5];
	_ =	sdelay $0x3  }
0x36: {  	p1 =	seq.s32 s10, $0x1;
	s10 =	sld [smem:$0x3FB6];
	_ =	sdelay $0x3  }
0x37: {  	[smem:$0x3FB6] =	sst s10  }
0x38: {  	s10 =	sld [smem:$0x3FB7]  }
0x39: {  	_ = 	snop;
	(pc) =	sbr.ind lr, $3  }
0x3a: {  	_ = 	snop  }
0x3b: {  	_ = 	snop  }
0x3c: {  	p2 =	seq.s32 s10, $0x1;
	s10 =	sld [smem:$0x3FB6]  }
0x3d: {  	_ =	shalt  }
0x3e: {  	_ =	shalt  }
0x3f: {  	_ =	shalt  }
0x40: {  	_ =	shalt  }
0x41: {  	_ =	shalt  }
0x42: {  	_ =	shalt  }
0x43: {  	_ =	shalt  }
0x44: {  	_ =	shalt  }
0x45: {  	_ =	shalt  }
0x46: {  	_ =	shalt  }
0x47: {  	_ =	shalt  }
0x48: {  	_ =	shalt  }
0x49: {  	_ =	shalt  }
0x4a: {  	_ =	shalt  }
0x4b: {  	_ =	shalt  }
0x4c: {  	_ =	shalt  }
0x4d: {  	_ =	shalt  }
0x4e: {  	_ =	shalt  }
0x4f: {  	_ =	shalt  }
0x50: {  	_ =	shalt  }
0x51: {  	_ =	shalt  }
0x52: {  	_ =	shalt  }
0x53: {  	_ =	shalt  }
0x54: {  	_ =	shalt  }
0x55: {  	_ =	shalt  }
0x56: {  	_ =	shalt  }
0x57: {  	_ =	shalt  }
0x58: {  	_ =	shalt  }
0x59: {  	_ =	shalt  }
0x5a: {  	_ =	shalt  }
0x5b: {  	_ =	shalt  }
0x5c: {  	_ =	shalt  }
0x5d: {  	_ =	shalt  }
0x5e: {  	_ =	shalt  }
0x5f: {  	_ =	shalt  }
0x60: {  	_ =	shalt  }
0x61: {  	_ =	shalt  }
0x62: {  	_ =	shalt  }
0x63: {  	_ =	shalt  }
0x64: {  	_ =	shalt  }
0x65: {  	_ =	shalt  }
0x66: {  	_ =	shalt  }
0x67: {  	_ =	shalt  }
0x68: {  	_ =	shalt  }
0x69: {  	_ =	shalt  }
0x6a: {  	_ =	shalt  }
0x6b: {  	_ =	shalt  }
0x6c: {  	_ =	shalt  }
0x6d: {  	_ =	shalt  }
0x6e: {  	_ =	shalt  }
0x6f: {  	_ =	shalt  }
0x70: {  	_ =	shalt  }
0x71: {  	_ =	shalt  }
0x72: {  	_ =	shalt  }
0x73: {  	_ =	shalt  }
0x74: {  	_ =	shalt  }
0x75: {  	_ =	shalt  }
0x76: {  	_ =	shalt  }
0x77: {  	_ =	shalt  }
0x78: {  	_ =	shalt  }
0x79: {  	_ =	shalt  }
0x7a: {  	_ =	shalt  }
0x7b: {  	_ =	shalt  }
0x7c: {  	_ =	shalt  }
0x7d: {  	_ =	shalt  }
0x7e: {  	_ =	shalt  }
0x7f: {  	_ =	shalt  }
0x80: {  	_ =	shalt  }
0x81: {  	_ =	shalt  }
0x82: {  	_ =	shalt  }
0x83: {  	_ =	shalt  }
0x84: {  	_ =	shalt  }
0x85: {  	_ =	shalt  }
0x86: {  	_ =	shalt  }
0x87: {  	_ =	shalt  }
.Lfunc_end0:
.L_simem_size_0:
called_computation_lowered:
.L_overlay_start_0:
0x88: {  	s2 =	sld [smem:$0x3FD9]  }
0x89: {  	s3 =	sld [smem:$0x3FFE];
	_ =	sdelay $0x1  }
0x8a: {  	s1 =	srdreg.scid  }
0x8b: {  	s0 =	sand.u32 $0x1, s1  }
0x8c: {  	s14 =	sshll.u32 s0, $0xA;
	s2 =	sadd.s32 s3, s2  }
0x8d: {  	s2 =	sadd.s32 s2, s14  }
0x8e: {  	[smem:$0x3FC2] =	sst s2  }
0x8f: {  	_ = 	snop  }
0x90: {  	s2 =	sld [smem:$0x3FD0];
	_ =	sdelay $0x2  }
0x91: {  	s15 =	simm.s32 $0xA;
	s4 =	simm.s32 $0x10  }
0x92: {  	[smem:s4], [sflag:s15] =	dma.local [hbm:s2], $0x1  }
0x93: {  	_ =	swait.eq [sflag:s15], $0x1  }
0x94: {  	[sflag:s15] =	ssyncset.done $0x0  }
0x95: {  	[sflag:s15] =	ssyncadd.s32 $0xFFFFFFFF  }
0x96: {  	s16 =	sld [smem:$0x11];
	(tm) =	ssettm $0x1  }
0x97: {  	s17 =	sld [smem:$0x3FFB];
	_ =	sdelay $0x3  }
0x98: {  	_ =	strace s17  }
0x99: {  	s3 =	sld [smem:$0x3FFC];
	_ =	sdelay $0x3  }
0x9a: {  	_ =	strace s3  }
0x9b: {  	s3 =	sld [smem:$0x3FFD];
	_ =	sdelay $0x3  }
0x9c: {  	_ =	strace s3  }
0x9d: {  	_ =	strace $0x8FFFFFFF  }
0x9e: {  	s18 =	sld [smem:$0x3FDB];
	_ =	sdelay $0x1  }
0x9f: {  	s19 =	simm.s32 $_scs_section_size  }
0xa0: {  	s5 =	simm.s32 $_size__tile_overlayer_lowered;
	s6 =	simm.s32 $_tile_overlayer_lowered  }
0xa1: {  	s22 =	simm.s32 $0x1BFF;
	s21 =	sshll.u32 s6, $0x1;
	s3 =	sadd.s32 s19, s18  }
0xa2: {  	s7 =	simm.s32 $0x0;
	s20 =	sshll.u32 s5, $0x1;
	s5 =	sadd.s32 s21, s3  }
0xa3: {  	[timem:s7], [sflag:s22] =	dma.local [hbm:s5], s20  }
0xa4: {  	_ =	swait.ge [sflag:s22], s20  }
0xa5: {  	s4 =	ssub.s32 $0x0, s20;
	[sflag:s22] =	ssyncset.done $0x0  }
0xa6: {  	[sflag:s22] =	ssyncadd.s32 s4;
	_ =	sdelay $0x1  }
0xa7: {  	s23 =	simm.s32 $0x1B8B  }
0xa8: {  	_ =	swait.ge [sflag:s23], $0x1  }
0xa9: {  	[sflag:s23] =	ssyncset.done $0x0  }
0xaa: {  	s25 =	simm.s32 $0x1B8E;
	s24 =	sld [smem:$0x3FFE];
	[sflag:s23] =	ssyncadd.s32 $0xFFFFFFFF  }
0xab: {  	s26 =	simm.s32 $execute0_lowered;
	[smem:$0x3FD2] =	sst s25  }
0xac: {  	s5 =	sshll.u32 s26, $0x1;
	_ =	strace $0x80000046;
	[dreg:$0x1] =	wrdreg $0xFFFFFFFF  }
0xad: {  	s28 =	simm.s32 $_size_execute0_lowered;
	s3 =	sadd.s32 s3, s5;
	[dreg:$0x0] =	wrdreg $0x0  }
0xae: {  	s5 =	sshll.u32 s28, $0x1;
	[dreg:$0x2] =	wrdreg s3  }
0xaf: {  	[dreg:$0x3] =	wrdreg s5  }
0xb0: {  	[dreg:$0x4] =	wrdreg $0xC0  }
0xb1: {  	_ =	task [dreg:s7], $0x5FFFF  }
0xb2: {  	[dreg:$0x1] =	wrdreg $0xFFFFFFFF  }
0xb3: {  	[dreg:$0x0] =	wrdreg $0x60  }
0xb4: {  	[dreg:$0x2] =	wrdreg s24  }
0xb5: {  	[dreg:$0x3] =	wrdreg s16  }
0xb6: {  	[dreg:$0x4] =	wrdreg $0x9  }
0xb7: {  	_ =	task.clear_ibuf [dreg:s7], $0x5FFFF;
	_ =	strace $0x90000046  }
0xb8: {  	s29 =	simm.s32 $0x9;
	_ =	strace $0x80000048  }
0xb9: {  	_ =	swait.ge [sflag:s29], $0x1  }
0xba: {  	[sflag:s29] =	ssyncadd.s32 $0xFFFFFFFF  }
0xbb: {  	_ =	strace $0x90000048  }
0xbc: {  	_ =	sfence  }
0xbd: {  	s30 =	sld [smem:$0x0];
	_ =	sdelay $0x2  }
0xbe: {  	s31 =	sshll.u32 s1, $0xD;
	s1 =	sshrl.u32 s1, $0x2  }
0xbf: {  	s3 =	sand.u32 $0x4000, s31;
	s1 =	sadd.s32 s1, s30  }
0xc0: {  	s0 =	sor.u32 s3, s0;
	s1 =	sshll.u32 s1, $0x11  }
0xc1: {  	s0 =	sor.u32 s1, s0  }
0xc2: {  	s0 =	sadd.s32 $0x8F2B, s0  }
0xc3: {  	[sflag:s0] =	ssyncadd.remote.s32 $0x1  }
0xc4: {  	_ =	sfence.sel $0xFFFF  }
0xc5: {  	[dreg:$0x0] =	wrdreg $0xFFFFFFFF;
	(pc) =	sbr.abs _section_cstart, $3  }
0xc6: {  	[dreg:$0x1] =	wrdreg $0xFFFFFFFF  }
0xc7: {  	_ =	task.clear_ibuf [dreg:s7], $0x2FFFF;
	_ =	strace $0x9FFFFFFF  }
0xc8: {  	(tm) =	ssettm $0x7FFFFFFF  }
0xc9: {  	_ =	shalt  }
tec
execute0_lowered:
.L_overlay_start_1:
0x0: {  	(tag) =	ssettag $0x1  }
0x1: {  	s0 =	srdreg.scid;
	s4 =	rddreg [dreg:$0x0]  }
0x2: {  	s5 =	rddreg [dreg:$0x1];
	s3 =	sand.u32 $0x1, s0  }
0x3: {  	s2 =	simm.s32 $0x0;
	s0 =	stileid.u32;
	s1 =	sshll.u32 s3, $0x4  }
0x4: {  	s10 =	simm.s32 $0x80;
	s11 =	simm.s32 $0x100;
	s6 =	sor.u32 s0, s1  }
0x5: {  	s12 =	simm.s32 $0x0;
	s3 =	ssub.s32 $0x2, s3;
	s7 =	smul.u32 $0x500, s6  }
0x6: {  	[smem:$0x7FF] =	sst s2;
	s9 =	sshrl.u32 s3, $0x1;
	s6 =	smul.u32 $0x5000, s6  }
0x7: {  	s1 =	rddreg [dreg:$0x2];
	_ =	strace $0x80000047;
	s9 =	ssub.s32 s3, s9  }
0x8: {  	v0 =	vimm.f32 $0.0e+00;
	s8 =	sadd.s32 s7, s4;
	s6 =	sadd.s32 s6, s4;
	s5 =	sadd.s32 s5, s7  }
0x9: {  	v1 =	vimm.f32 $1.000000000e+00;
	vm0 =	vcmask $0x1F00;
	v2 =	vlaneseq.u32;
	s7 =	smax.u32 s9, $0x1;
	s9 =	simm.s32 $0x2880;
	s3 =	sadd.s32 $0x2000, s8  }
0xa: {  	v1 =	vsel vm0, $0x40000000, v1;
	vm0 =	vmmov $0xff;
	v2 =	vand.u32 $0x7, v2;
	s4 =	sadd.s32 $0xC000, s6;
	s6 =	sadd.s32 $0xC010, s6;
	s8 =	simm.s32 $0x1  }
.LBB2_1:
0xb: {  	[tilespmem:s2], [sflag:$0x1] =	stream.linear.gather [hbm4b:s3+s2], $0x2800, $0x38;
	[tilespmem:$0x16880] =	vst v63  }
0xc: {  	_ =	swait.ge [sflag:s8], $0x2800  }
0xd: {  	[sflag:s8] =	ssyncset.done $0x0  }
0xe: {  	s13 =	simm.s32 $0x0;
	s14 =	simm.s32 $0x200;
	[sflag:s8] =	ssyncadd.s32 $0xFFFFD800  }
.LBB2_2:
0xf: {  	p0 =	sne.s32 s14, $0x4FE00;
	[tilespmem:s13+$0x28F0] =	vst v0  }
0x10: {  	[tilespmem:s13+$0x2880] =	vst v0  }
0x11: {  	[tilespmem:s13+$0x2890] =	vst v0  }
.Ltmp0:
0x12: {  	[tilespmem:s13+$0x28A0] =	vst v0;
	(pc) =	sbr.rel @p0 .LBB2_2-.Ltmp0, $4  }
0x13: {  	[tilespmem:s13+$0x28B0] =	vst v0  }
0x14: {  	[tilespmem:s13+$0x28C0] =	vst v0  }
0x15: {  	[tilespmem:s13+$0x28D0] =	vst v0  }
0x16: {  	[tilespmem:s13+$0x28E0] =	vst v0;
	s13 =	sshra.s32 s14, $0x2;
	s14 =	sadd.s32 $0x200, s14  }
0x17: {  	[tilespmem:s13+$0x28F0] =	vst v0  }
0x18: {  	[tilespmem:s13+$0x2880] =	vst v0  }
0x19: {  	[tilespmem:s13+$0x2890] =	vst v0  }
0x1a: {  	[tilespmem:s13+$0x28A0] =	vst v0  }
0x1b: {  	[tilespmem:s13+$0x28B0] =	vst v0  }
0x1c: {  	[tilespmem:s13+$0x28C0] =	vst v0  }
0x1d: {  	[tilespmem:s13+$0x28D0] =	vst v0  }
0x1e: {  	[tilespmem:s13+$0x28E0] =	vst v0;
	s13 =	simm.s32 $0x0  }
.LBB2_4:
0x1f: {  	s14 =	sshra.s32 s13, $0x2  }
0x20: {  	v3 =	vld [tilespmem:s14+$0x0];
	_ =	sdelay $0x4  }
0x21: {  	[tilespmem:$0x2800] =	vst v3  }
0x22: {  	[tilespmem:$0x2810] =	vst v3  }
0x23: {  	v4 =	vld [tilespmem:$0x2808];
	_ =	sdelay $0x4  }
0x24: {  	vm1 =	vne.s32 v3, v4  }
0x25: {  	v3 =	vshll.u32 v3, $0x3;
	vm2 =	vmor vm1, vm0  }
0x26: {  	v3 =	vor.u32 v2, v3;
	_ =	sdelay $0x3  }
0x27: {  	v4 =	vsel vm1, $0x3F800000, v1  }
0x28: {  	[tilespmem:v3+s9+$0x0] =	vst.idx.add.f32.msk vm2, v4  }
0x29: {  	v3 =	vld [tilespmem:s14+$0x10];
	_ =	sdelay $0x4  }
0x2a: {  	[tilespmem:$0x2800] =	vst v3  }
0x2b: {  	[tilespmem:$0x2810] =	vst v3  }
0x2c: {  	v4 =	vld [tilespmem:$0x2808];
	_ =	sdelay $0x4  }
0x2d: {  	vm1 =	vne.s32 v3, v4  }
0x2e: {  	v3 =	vshll.u32 v3, $0x3;
	vm2 =	vmor vm1, vm0  }
0x2f: {  	v3 =	vor.u32 v2, v3;
	_ =	sdelay $0x3  }
0x30: {  	v4 =	vsel vm1, $0x3F800000, v1  }
0x31: {  	[tilespmem:v3+s9+$0x0] =	vst.idx.add.f32.msk vm2, v4  }
0x32: {  	v3 =	vld [tilespmem:s14+$0x20];
	_ =	sdelay $0x4  }
0x33: {  	[tilespmem:$0x2800] =	vst v3  }
0x34: {  	[tilespmem:$0x2810] =	vst v3  }
0x35: {  	v4 =	vld [tilespmem:$0x2808];
	_ =	sdelay $0x4  }
0x36: {  	vm1 =	vne.s32 v3, v4  }
0x37: {  	v3 =	vshll.u32 v3, $0x3;
	vm2 =	vmor vm1, vm0  }
0x38: {  	v3 =	vor.u32 v2, v3;
	_ =	sdelay $0x3  }
0x39: {  	v4 =	vsel vm1, $0x3F800000, v1  }
0x3a: {  	[tilespmem:v3+s9+$0x0] =	vst.idx.add.f32.msk vm2, v4  }
0x3b: {  	v3 =	vld [tilespmem:s14+$0x30];
	_ =	sdelay $0x4  }
0x3c: {  	[tilespmem:$0x2800] =	vst v3  }
0x3d: {  	[tilespmem:$0x2810] =	vst v3  }
0x3e: {  	v4 =	vld [tilespmem:$0x2808];
	_ =	sdelay $0x4  }
0x3f: {  	vm1 =	vne.s32 v3, v4  }
0x40: {  	v3 =	vshll.u32 v3, $0x3;
	vm2 =	vmor vm1, vm0  }
0x41: {  	v3 =	vor.u32 v2, v3;
	_ =	sdelay $0x3  }
0x42: {  	v4 =	vsel vm1, $0x3F800000, v1  }
0x43: {  	[tilespmem:v3+s9+$0x0] =	vst.idx.add.f32.msk vm2, v4  }
0x44: {  	v3 =	vld [tilespmem:s14+$0x40];
	_ =	sdelay $0x4  }
0x45: {  	[tilespmem:$0x2800] =	vst v3  }
0x46: {  	[tilespmem:$0x2810] =	vst v3  }
0x47: {  	v4 =	vld [tilespmem:$0x2808];
	_ =	sdelay $0x4  }
0x48: {  	vm1 =	vne.s32 v3, v4  }
0x49: {  	v3 =	vshll.u32 v3, $0x3;
	vm2 =	vmor vm1, vm0  }
0x4a: {  	v3 =	vor.u32 v2, v3;
	_ =	sdelay $0x3  }
0x4b: {  	v4 =	vsel vm1, $0x3F800000, v1  }
0x4c: {  	[tilespmem:v3+s9+$0x0] =	vst.idx.add.f32.msk vm2, v4  }
0x4d: {  	v3 =	vld [tilespmem:s14+$0x50];
	_ =	sdelay $0x4  }
0x4e: {  	[tilespmem:$0x2800] =	vst v3  }
0x4f: {  	[tilespmem:$0x2810] =	vst v3  }
0x50: {  	v4 =	vld [tilespmem:$0x2808];
	_ =	sdelay $0x4  }
0x51: {  	vm1 =	vne.s32 v3, v4  }
0x52: {  	v3 =	vshll.u32 v3, $0x3;
	vm2 =	vmor vm1, vm0  }
0x53: {  	v3 =	vor.u32 v2, v3;
	_ =	sdelay $0x3  }
0x54: {  	v4 =	vsel vm1, $0x3F800000, v1  }
0x55: {  	[tilespmem:v3+s9+$0x0] =	vst.idx.add.f32.msk vm2, v4  }
0x56: {  	v3 =	vld [tilespmem:s14+$0x60];
	_ =	sdelay $0x4  }
0x57: {  	[tilespmem:$0x2800] =	vst v3  }
0x58: {  	[tilespmem:$0x2810] =	vst v3  }
0x59: {  	v4 =	vld [tilespmem:$0x2808];
	_ =	sdelay $0x4  }
0x5a: {  	vm1 =	vne.s32 v3, v4  }
0x5b: {  	v3 =	vshll.u32 v3, $0x3;
	vm2 =	vmor vm1, vm0  }
0x5c: {  	v3 =	vor.u32 v2, v3;
	_ =	sdelay $0x3  }
0x5d: {  	v4 =	vsel vm1, $0x3F800000, v1  }
0x5e: {  	[tilespmem:v3+s9+$0x0] =	vst.idx.add.f32.msk vm2, v4  }
0x5f: {  	v3 =	vld [tilespmem:s14+$0x70];
	_ =	sdelay $0x4  }
0x60: {  	[tilespmem:$0x2800] =	vst v3  }
0x61: {  	[tilespmem:$0x2810] =	vst v3  }
0x62: {  	v4 =	vld [tilespmem:$0x2808];
	_ =	sdelay $0x4  }
0x63: {  	vm1 =	vne.s32 v3, v4  }
0x64: {  	v3 =	vshll.u32 v3, $0x3;
	vm2 =	vmor vm1, vm0  }
0x65: {  	p0 =	sne.s32 s13, $0x9E00;
	v3 =	vor.u32 v2, v3  }
.Ltmp1:
0x66: {  	_ = 	snop;
	(pc) =	sbr.rel @p0 .LBB2_4-.Ltmp1, $3  }
0x67: {  	_ =	sdelay $0x1  }
0x68: {  	v4 =	vsel vm1, $0x3F800000, v1  }
0x69: {  	s13 =	sadd.s32 $0x200, s13;
	[tilespmem:v3+s9+$0x0] =	vst.idx.add.f32.msk vm2, v4  }
0x6a: {  	[hbm4b:s4+s10] =	stream.strided.scatter [tilespmem:s9], [sflag:$0x1], $0x14000, s11, s10, $0x38;
	[tilespmem:$0x16880] =	vst v63  }
0x6b: {  	_ =	swait.ge [sflag:s8], $0x14000  }
0x6c: {  	[sflag:s8] =	ssyncset.done $0x0  }
0x6d: {  	s13 =	simm.s32 $0x0;
	[sflag:s8] =	ssyncadd.s32 $0xFFFEC000  }
0x6e: {  	[tilespmem:s13], [sflag:$0x1] =	stream.linear.gather [hbm4b:s5+s13], $0x2800, $0x38;
	[tilespmem:$0x16880] =	vst v63  }
0x6f: {  	_ =	swait.ge [sflag:s8], $0x2800  }
0x70: {  	[sflag:s8] =	ssyncset.done $0x0  }
0x71: {  	s14 =	simm.s32 $0x0;
	s15 =	simm.s32 $0x200;
	[sflag:s8] =	ssyncadd.s32 $0xFFFFD800  }
.LBB2_6:
0x72: {  	p0 =	sne.s32 s15, $0x4FE00;
	[tilespmem:s14+$0x28F0] =	vst v0  }
0x73: {  	[tilespmem:s14+$0x2880] =	vst v0  }
0x74: {  	[tilespmem:s14+$0x2890] =	vst v0  }
.Ltmp2:
0x75: {  	[tilespmem:s14+$0x28A0] =	vst v0;
	(pc) =	sbr.rel @p0 .LBB2_6-.Ltmp2, $4  }
0x76: {  	[tilespmem:s14+$0x28B0] =	vst v0  }
0x77: {  	[tilespmem:s14+$0x28C0] =	vst v0  }
0x78: {  	[tilespmem:s14+$0x28D0] =	vst v0  }
0x79: {  	[tilespmem:s14+$0x28E0] =	vst v0;
	s14 =	sshra.s32 s15, $0x2;
	s15 =	sadd.s32 $0x200, s15  }
0x7a: {  	[tilespmem:s14+$0x28F0] =	vst v0  }
0x7b: {  	[tilespmem:s14+$0x2880] =	vst v0  }
0x7c: {  	[tilespmem:s14+$0x2890] =	vst v0  }
0x7d: {  	[tilespmem:s14+$0x28A0] =	vst v0  }
0x7e: {  	[tilespmem:s14+$0x28B0] =	vst v0  }
0x7f: {  	[tilespmem:s14+$0x28C0] =	vst v0  }
0x80: {  	[tilespmem:s14+$0x28D0] =	vst v0  }
0x81: {  	[tilespmem:s14+$0x28E0] =	vst v0  }
.LBB2_8:
0x82: {  	s14 =	sshra.s32 s13, $0x2  }
0x83: {  	v3 =	vld [tilespmem:s14+$0x0];
	_ =	sdelay $0x4  }
0x84: {  	[tilespmem:$0x2800] =	vst v3  }
0x85: {  	[tilespmem:$0x2810] =	vst v3  }
0x86: {  	v4 =	vld [tilespmem:$0x2808];
	_ =	sdelay $0x4  }
0x87: {  	vm1 =	vne.s32 v3, v4  }
0x88: {  	v3 =	vshll.u32 v3, $0x3;
	vm2 =	vmor vm1, vm0  }
0x89: {  	v3 =	vor.u32 v2, v3;
	_ =	sdelay $0x3  }
0x8a: {  	v4 =	vsel vm1, $0x3F800000, v1  }
0x8b: {  	[tilespmem:v3+s9+$0x0] =	vst.idx.add.f32.msk vm2, v4  }
0x8c: {  	v3 =	vld [tilespmem:s14+$0x10];
	_ =	sdelay $0x4  }
0x8d: {  	[tilespmem:$0x2800] =	vst v3  }
0x8e: {  	[tilespmem:$0x2810] =	vst v3  }
0x8f: {  	v4 =	vld [tilespmem:$0x2808];
	_ =	sdelay $0x4  }
0x90: {  	vm1 =	vne.s32 v3, v4  }
0x91: {  	v3 =	vshll.u32 v3, $0x3;
	vm2 =	vmor vm1, vm0  }
0x92: {  	v3 =	vor.u32 v2, v3;
	_ =	sdelay $0x3  }
0x93: {  	v4 =	vsel vm1, $0x3F800000, v1  }
0x94: {  	[tilespmem:v3+s9+$0x0] =	vst.idx.add.f32.msk vm2, v4  }
0x95: {  	v3 =	vld [tilespmem:s14+$0x20];
	_ =	sdelay $0x4  }
0x96: {  	[tilespmem:$0x2800] =	vst v3  }
0x97: {  	[tilespmem:$0x2810] =	vst v3  }
0x98: {  	v4 =	vld [tilespmem:$0x2808];
	_ =	sdelay $0x4  }
0x99: {  	vm1 =	vne.s32 v3, v4  }
0x9a: {  	v3 =	vshll.u32 v3, $0x3;
	vm2 =	vmor vm1, vm0  }
0x9b: {  	v3 =	vor.u32 v2, v3;
	_ =	sdelay $0x3  }
0x9c: {  	v4 =	vsel vm1, $0x3F800000, v1  }
0x9d: {  	[tilespmem:v3+s9+$0x0] =	vst.idx.add.f32.msk vm2, v4  }
0x9e: {  	v3 =	vld [tilespmem:s14+$0x30];
	_ =	sdelay $0x4  }
0x9f: {  	[tilespmem:$0x2800] =	vst v3  }
0xa0: {  	[tilespmem:$0x2810] =	vst v3  }
0xa1: {  	v4 =	vld [tilespmem:$0x2808];
	_ =	sdelay $0x4  }
0xa2: {  	vm1 =	vne.s32 v3, v4  }
0xa3: {  	v3 =	vshll.u32 v3, $0x3;
	vm2 =	vmor vm1, vm0  }
0xa4: {  	v3 =	vor.u32 v2, v3;
	_ =	sdelay $0x3  }
0xa5: {  	v4 =	vsel vm1, $0x3F800000, v1  }
0xa6: {  	[tilespmem:v3+s9+$0x0] =	vst.idx.add.f32.msk vm2, v4  }
0xa7: {  	v3 =	vld [tilespmem:s14+$0x40];
	_ =	sdelay $0x4  }
0xa8: {  	[tilespmem:$0x2800] =	vst v3  }
0xa9: {  	[tilespmem:$0x2810] =	vst v3  }
0xaa: {  	v4 =	vld [tilespmem:$0x2808];
	_ =	sdelay $0x4  }
0xab: {  	vm1 =	vne.s32 v3, v4  }
0xac: {  	v3 =	vshll.u32 v3, $0x3;
	vm2 =	vmor vm1, vm0  }
0xad: {  	v3 =	vor.u32 v2, v3;
	_ =	sdelay $0x3  }
0xae: {  	v4 =	vsel vm1, $0x3F800000, v1  }
0xaf: {  	[tilespmem:v3+s9+$0x0] =	vst.idx.add.f32.msk vm2, v4  }
0xb0: {  	v3 =	vld [tilespmem:s14+$0x50];
	_ =	sdelay $0x4  }
0xb1: {  	[tilespmem:$0x2800] =	vst v3  }
0xb2: {  	[tilespmem:$0x2810] =	vst v3  }
0xb3: {  	v4 =	vld [tilespmem:$0x2808];
	_ =	sdelay $0x4  }
0xb4: {  	vm1 =	vne.s32 v3, v4  }
0xb5: {  	v3 =	vshll.u32 v3, $0x3;
	vm2 =	vmor vm1, vm0  }
0xb6: {  	v3 =	vor.u32 v2, v3;
	_ =	sdelay $0x3  }
0xb7: {  	v4 =	vsel vm1, $0x3F800000, v1  }
0xb8: {  	[tilespmem:v3+s9+$0x0] =	vst.idx.add.f32.msk vm2, v4  }
0xb9: {  	v3 =	vld [tilespmem:s14+$0x60];
	_ =	sdelay $0x4  }
0xba: {  	[tilespmem:$0x2800] =	vst v3  }
0xbb: {  	[tilespmem:$0x2810] =	vst v3  }
0xbc: {  	v4 =	vld [tilespmem:$0x2808];
	_ =	sdelay $0x4  }
0xbd: {  	vm1 =	vne.s32 v3, v4  }
0xbe: {  	v3 =	vshll.u32 v3, $0x3;
	vm2 =	vmor vm1, vm0  }
0xbf: {  	v3 =	vor.u32 v2, v3;
	_ =	sdelay $0x3  }
0xc0: {  	v4 =	vsel vm1, $0x3F800000, v1  }
0xc1: {  	[tilespmem:v3+s9+$0x0] =	vst.idx.add.f32.msk vm2, v4  }
0xc2: {  	v3 =	vld [tilespmem:s14+$0x70];
	_ =	sdelay $0x4  }
0xc3: {  	[tilespmem:$0x2800] =	vst v3  }
0xc4: {  	[tilespmem:$0x2810] =	vst v3  }
0xc5: {  	v4 =	vld [tilespmem:$0x2808];
	_ =	sdelay $0x4  }
0xc6: {  	vm1 =	vne.s32 v3, v4  }
0xc7: {  	v3 =	vshll.u32 v3, $0x3;
	vm2 =	vmor vm1, vm0  }
0xc8: {  	p0 =	sne.s32 s13, $0x9E00;
	v3 =	vor.u32 v2, v3  }
.Ltmp3:
0xc9: {  	_ = 	snop;
	(pc) =	sbr.rel @p0 .LBB2_8-.Ltmp3, $3  }
0xca: {  	_ =	sdelay $0x1  }
0xcb: {  	v4 =	vsel vm1, $0x3F800000, v1  }
0xcc: {  	s13 =	sadd.s32 $0x200, s13;
	[tilespmem:v3+s9+$0x0] =	vst.idx.add.f32.msk vm2, v4  }
0xcd: {  	s12 =	sadd.s32 $0x1, s12  }
0xce: {  	p0 =	sne.s32 s12, s7  }
.Ltmp4:
0xcf: {  	_ = 	snop;
	(pc) =	sbr.rel @p0 .LBB2_1-.Ltmp4, $4  }
0xd0: {  	[hbm4b:s6+s10] =	stream.strided.scatter [tilespmem:s9], [sflag:$0x1], $0x14000, s11, s10, $0x38;
	[tilespmem:$0x16880] =	vst v63  }
0xd1: {  	_ =	swait.ge [sflag:s8], $0x14000  }
0xd2: {  	[sflag:s8] =	ssyncset.done $0x0  }
0xd3: {  	[sflag:s8] =	ssyncadd.s32 $0xFFFEC000  }
0xd4: {  	_ =	sfence.sel $0x180000  }
0xd5: {  	[bflag:$0x0] =	sbarrier.arrive $0xFFFF  }
0xd6: {  	p0 =	sne.s32 s0, $0x0;
	_ =	strace $0x90000047  }
0xd7: {  	s0 =	sadd.s32 @!p0 $0x100000, s1;
	[bflag:$0x2] =	sbarrier.arrive $0xFFFF  }
0xd8: {  	[sflag:s0] =	ssyncadd.tile.s32 @!p0 $0x1;
	_ =	shalt  }
.Lfunc_end2:
_tile_overlayer_lowered:
.L_overlay_start_2:
0xd9: {  	(tag) =	ssettag $0x2  }
0xda: {  	s0 =	rddreg [dreg:$0x0];
	s2 =	stileid.u32  }
0xdb: {  	s1 =	rddreg [dreg:$0x1];
	p0 =	sne.s32 s2, $0x0  }
0xdc: {  	s3 =	rddreg [dreg:$0x2];
	[bflag:$0x3] =	sbarrier.arrive $0xFFFF;
	s2 =	simm.s32 @!p0 $0x1C01  }
0xdd: {  	[timem:s3], [sflag:s2] =	dma.local @!p0 [hbm:s0], s1  }
0xde: {  	s0 =	simm.s32 @!p0 $0x1  }
0xdf: {  	_ =	swait.ge @!p0 [sflag:s0], s1  }
0xe0: {  	s1 =	ssub.s32 @!p0 $0x0, s1;
	[sflag:s0] =	ssyncset.done @!p0 $0x0  }
0xe1: {  	[sflag:s0] =	ssyncadd.s32 @!p0 s1  }
0xe2: {  	[bflag:$0x3] =	sbarrier.arrive $0xFFFF  }
0xe3: {  	_ =	shalt  }

</sc_bundles>
